<compile_context>
chip_gen: v7x
topology: tpu7x:2x2x1
jax: 0.10.2.dev20260603
libtpu: 0.0.44.dev20260713+nightly
codegen_flags: <defaults>
</compile_context>

<pallas_src>
import jax
import jax.numpy as jnp
from jax import lax
from jax.experimental import pallas as pl
from jax.experimental.pallas import tpu as pltpu
from jax.experimental.pallas import tpu_sc as plsc

D = 32
B = 16384
H = 50
NC, NS, L = 2, 16, 16
NW = NC * NS
EPW = B // NW
CHUNK = 128
STEPS = EPW // CHUNK
RPC = CHUNK * H
VL = CHUNK // L


def _body(pred_hbm, table_hbm, out_hbm, raw_v, idxs_v, acc_v, psem, gsem0,
          gsem1, osem0, osem1):
    wid = lax.axis_index("s") * NC + lax.axis_index("c")
    ebase = wid * EPW
    gsems = [gsem0, gsem1]
    osems = [osem0, osem1]
    scale = jnp.float32(1.0 / H)
    zv = jnp.zeros((L,), jnp.float32)
    lanes_h = jnp.arange(L, dtype=jnp.int32) * H

    def stage(s):
        b = s & 1
        e0 = ebase + s * CHUNK
        return pltpu.async_copy(
            pred_hbm.at[pl.ds(e0 * H, RPC)], raw_v.at[b], psem
        )

    def transpose_clamp(s):
        b = s & 1

        def row(j, c):
            for k in range(VL):
                iv = lanes_h + (k * L * H + j)
                v = plsc.load_gather(raw_v.at[b], [iv])
                v = jnp.maximum(v, 0)
                idxs_v[b, j, pl.ds(k * L, L)] = ((v >> 3) << 5) | ((v & 7) << 2)
            return c

        lax.fori_loop(0, H, row, 0)

    def zero(s):
        b = s & 1

        def row(e, c):
            acc_v[b, e, pl.ds(0, L)] = zv
            acc_v[b, e, pl.ds(L, L)] = zv
            return c

        lax.fori_loop(0, CHUNK, row, 0)

    def fire(s):
        b = s & 1

        def one(j, c):
            pltpu.async_copy(
                table_hbm.at[idxs_v.at[b, j]], acc_v.at[b], gsems[b],
                add=True,
            )
            return c

        lax.fori_loop(0, H, one, 0)

    def drain(s):
        b = s & 1

        def one(j, c):
            pltpu.make_async_copy(
                table_hbm.at[idxs_v.at[b, j]], acc_v.at[b], gsems[b]
            ).wait()
            return c

        lax.fori_loop(0, H, one, 0)

    def scale_rows(s):
        b = s & 1

        def row(e, c):
            acc_v[b, e, pl.ds(0, L)] = acc_v[b, e, pl.ds(0, L)] * scale
            acc_v[b, e, pl.ds(L, L)] = acc_v[b, e, pl.ds(L, L)] * scale
            return c

        lax.fori_loop(0, CHUNK, row, 0)

    def write(s):
        b = s & 1
        e0 = ebase + s * CHUNK
        return pltpu.async_copy(acc_v.at[b], out_hbm.at[pl.ds(e0, CHUNK)],
                                osems[b])

    pcp = [None] * STEPS
    ocp = [None] * STEPS
    pcp[0] = stage(0)
    for s in range(STEPS):
        pcp[s].wait()
        transpose_clamp(s)
        if s + 1 < STEPS:
            pcp[s + 1] = stage(s + 1)
        if s >= 2:
            ocp[s - 2].wait()
        zero(s)
        fire(s)
        if s >= 1:
            drain(s - 1)
            scale_rows(s - 1)
            ocp[s - 1] = write(s - 1)
    drain(STEPS - 1)
    scale_rows(STEPS - 1)
    ocp[STEPS - 1] = write(STEPS - 1)
    ocp[STEPS - 2].wait()
    ocp[STEPS - 1].wait()


def kernel(idx, table):
    pred = jnp.maximum(idx[:, :, 0], 0).reshape(B * H)
    table = jnp.concatenate(
        [table, jnp.zeros((1000000, 128 - D), jnp.float32)], axis=1
    ).reshape(4 * 1000000, D)
    k = pl.kernel(
        _body,
        out_type=jax.ShapeDtypeStruct((B, D), jnp.float32),
        mesh=plsc.VectorSubcoreMesh(core_axis_name="c", subcore_axis_name="s"),
        scratch_types=[
            pltpu.VMEM((2, RPC), jnp.int32),
            pltpu.VMEM((2, H, CHUNK), jnp.int32),
            pltpu.VMEM((2, CHUNK, D), jnp.float32),
            pltpu.SemaphoreType.DMA,
            pltpu.SemaphoreType.DMA,
            pltpu.SemaphoreType.DMA,
            pltpu.SemaphoreType.DMA,
            pltpu.SemaphoreType.DMA,
        ],
        compiler_params=pltpu.CompilerParams(
            needs_layout_passes=False, use_tc_tiling_on_sc=False
        ),
    )
    return k(pred, table)

# --- scband reference (transcript-rebuilt; emitter-appended) ---
"""Pipeline reference for scband-dummy-embedder-25323127177568 (READ-ONLY COPY).

The authoritative reference and input builder live on the scoring server;
editing this copy changes nothing except your own understanding.
"""

import jax, jax.numpy as jnp
import numpy as np

VOCAB = 1000000
EMBED_DIM = 32
BATCH = 16384
HIST = 50

def setup_inputs(seed: int = 0) -> dict:
    key = jax.random.key(seed)
    k1, k2 = jax.random.split(key)
    idx = jax.random.randint(k1, (BATCH, HIST, 2), 0, VOCAB, dtype=jnp.int32)
    table = jax.random.normal(k2, (VOCAB, EMBED_DIM), dtype=jnp.float32)
    return {"idx": idx, "table": table}

def reference(idx, table):
    # pred_idx = idx[..., 0].clamp(min=0)
    pred_idx = jnp.maximum(idx[..., 0], 0)
    # emb = embedding(pred_idx)
    emb = jnp.take(table, pred_idx, axis=0)
    # if emb.dim() >= 3: emb = emb.mean(dim=-2)
    if emb.ndim >= 3:
        emb = emb.mean(axis=-2)
    return emb

if __name__ == "__main__":
    import jax
    _d = setup_inputs()
    print(jax.jit(kernel)(*tuple(_d.values())))

</pallas_src>

<mosaic_0001>
#map = affine_map<(d0, d1) -> (0)>
#map1 = affine_map<(d0, d1) -> (0, 0)>
module attributes {stable_mosaic.version = 14 : i64} {
  func.func @_body(%arg0: i32, %arg1: i32, %arg2: memref<819200xi32, #tpu.memory_space<hbm>>, %arg3: memref<4000000x32xf32, #tpu.memory_space<hbm>>, %arg4: memref<16384x32xf32, #tpu.memory_space<hbm>>, %arg5: memref<2x6400xi32, #tpu.memory_space<vmem>>, %arg6: memref<2x50x128xi32, #tpu.memory_space<vmem>>, %arg7: memref<2x128x32xf32, #tpu.memory_space<vmem>>, %arg8: memref<!tpu.dma_semaphore, #tpu.memory_space<semaphore_mem>>, %arg9: memref<!tpu.dma_semaphore, #tpu.memory_space<semaphore_mem>>, %arg10: memref<!tpu.dma_semaphore, #tpu.memory_space<semaphore_mem>>, %arg11: memref<!tpu.dma_semaphore, #tpu.memory_space<semaphore_mem>>, %arg12: memref<!tpu.dma_semaphore, #tpu.memory_space<semaphore_mem>>) attributes {dimension_semantics = [#tpu.dimension_semantics<core_parallel>, #tpu.dimension_semantics<subcore_parallel>], iteration_bounds = array<i64: 2, 16>, scalar_prefetch = 0 : i64, scratch_operands = 8 : i64, tpu.core_type = #tpu.core_type<sc_vector_subcore>, window_params = [{transform_indices = #map}, {transform_indices = #map1}, {transform_indices = #map1}]} {
    %mul3A = arith.constant 2 : i32
    %mul3A_0 = arith.muli %arg1, %mul3A : i32
    %add3A = arith.addi %mul3A_0, %arg0 : i32
    %mul3A_1 = arith.constant 512 : i32
    %mul3A_2 = arith.muli %add3A, %mul3A_1 : i32
    %broadcast_in_dim3A = arith.constant 0.000000e+00 : f32
    %broadcast_in_dim3A_3 = vector.broadcast %broadcast_in_dim3A : f32 to vector<16xf32>
    %iota3A = tpu.iota {dimensions = array<i32: 0>} : vector<16xi32>
    %mul3A_4 = arith.constant 50 : i32
    %mul3A_5 = vector.broadcast %mul3A_4 : i32 to vector<16xi32>
    %mul3A_6 = arith.muli %iota3A, %mul3A_5 : vector<16xi32>
    %add3A_7 = arith.constant 0 : i32
    %add3A_8 = arith.addi %mul3A_2, %add3A_7 : i32
    %mul3A_9 = arith.constant 50 : i32
    %mul3A_10 = arith.muli %add3A_8, %mul3A_9 : i32
    %dma_start3A = arith.constant 0 : i32
    %dma_start3A_11 = arith.constant 0 : i32
    %dma_start3A_12 = tpu.memref_slice %arg5[%dma_start3A, %dma_start3A_11] : memref<2x6400xi32, #tpu.memory_space<vmem>> -> memref<1x6400xi32, #tpu.memory_space<vmem>>
    %dma_start3A_13 = tpu.memref_squeeze %dma_start3A_12 : memref<1x6400xi32, #tpu.memory_space<vmem>> -> memref<6400xi32, #tpu.memory_space<vmem>>
    %dma_start3A_14 = tpu.memref_slice %arg2[%mul3A_10] : memref<819200xi32, #tpu.memory_space<hbm>> -> memref<6400xi32, #tpu.memory_space<hbm>>
    %dma_start3A_15 = arith.constant 0 : i32
    %dma_start3A_16 = tpu.memref_slice %arg5[%dma_start3A, %dma_start3A_15] : memref<2x6400xi32, #tpu.memory_space<vmem>> -> memref<1x6400xi32, #tpu.memory_space<vmem>>
    %dma_start3A_17 = tpu.memref_squeeze %dma_start3A_16 : memref<1x6400xi32, #tpu.memory_space<vmem>> -> memref<6400xi32, #tpu.memory_space<vmem>>
    %dma_start3A_18 = tpu.memref_slice %arg2[%mul3A_10] : memref<819200xi32, #tpu.memory_space<hbm>> -> memref<6400xi32, #tpu.memory_space<hbm>>
    tpu.enqueue_dma source(%dma_start3A_18 : memref<6400xi32, #tpu.memory_space<hbm>>) target(%dma_start3A_17 : memref<6400xi32, #tpu.memory_space<vmem>>) target_semaphore(%arg8 : memref<!tpu.dma_semaphore, #tpu.memory_space<semaphore_mem>>)
    %dma_wait3A = arith.constant 0 : i32
    %dma_wait3A_19 = arith.constant 0 : i32
    %dma_wait3A_20 = tpu.memref_slice %arg5[%dma_wait3A, %dma_wait3A_19] : memref<2x6400xi32, #tpu.memory_space<vmem>> -> memref<1x6400xi32, #tpu.memory_space<vmem>>
    %dma_wait3A_21 = tpu.memref_squeeze %dma_wait3A_20 : memref<1x6400xi32, #tpu.memory_space<vmem>> -> memref<6400xi32, #tpu.memory_space<vmem>>
    %dma_wait3A_22 = tpu.memref_slice %arg2[%mul3A_10] : memref<819200xi32, #tpu.memory_space<hbm>> -> memref<6400xi32, #tpu.memory_space<hbm>>
    %dma_wait3A_23 = arith.constant 0 : i32
    %dma_wait3A_24 = tpu.memref_slice %arg5[%dma_wait3A, %dma_wait3A_23] : memref<2x6400xi32, #tpu.memory_space<vmem>> -> memref<1x6400xi32, #tpu.memory_space<vmem>>
    %dma_wait3A_25 = tpu.memref_squeeze %dma_wait3A_24 : memref<1x6400xi32, #tpu.memory_space<vmem>> -> memref<6400xi32, #tpu.memory_space<vmem>>
    %dma_wait3A_26 = tpu.memref_slice %arg2[%mul3A_10] : memref<819200xi32, #tpu.memory_space<hbm>> -> memref<6400xi32, #tpu.memory_space<hbm>>
    tpu.wait_dma2 semaphore(%arg8 : memref<!tpu.dma_semaphore, #tpu.memory_space<semaphore_mem>>) src(%dma_wait3A_26 : memref<6400xi32, #tpu.memory_space<hbm>>) dst(%dma_wait3A_25 : memref<6400xi32, #tpu.memory_space<vmem>>)
    %scan3A = arith.constant 0 : i32
    %scan3A_27 = arith.constant 0 : i32
    %scan3A_28 = arith.constant 50 : i32
    %scan3A_29 = arith.addi %scan3A_27, %scan3A_28 : i32
    %scan3A_30 = arith.constant 1 : i32
    scf.for %scan3A_328 = %scan3A_27 to %scan3A_29 step %scan3A_30  : i32 {
      %add3A_329 = arith.constant 0 : i32
      %add3A_330 = arith.addi %add3A_329, %scan3A_328 : i32
      %add3A_331 = vector.broadcast %add3A_330 : i32 to vector<16xi32>
      %add3A_332 = arith.addi %mul3A_6, %add3A_331 : vector<16xi32>
      %gather3A = arith.constant 0 : i32
      %gather3A_333 = arith.constant 0 : i32
      %gather3A_334 = tpu.memref_slice %arg5[%gather3A, %gather3A_333] : memref<2x6400xi32, #tpu.memory_space<vmem>> -> memref<1x6400xi32, #tpu.memory_space<vmem>>
      %gather3A_335 = tpu.memref_squeeze %gather3A_334 : memref<1x6400xi32, #tpu.memory_space<vmem>> -> memref<6400xi32, #tpu.memory_space<vmem>>
      %gather3A_336 = tpu.vector_load_idx %gather3A_335[%add3A_332] : memref<6400xi32, #tpu.memory_space<vmem>>[vector<16xi32>], vector<16xi32>,
      %max3A = arith.constant 0 : i32
      %max3A_337 = vector.broadcast %max3A : i32 to vector<16xi32>
      %max3A_338 = arith.maxsi %gather3A_336, %max3A_337 : vector<16xi32>
      %shift_right_arithmetic3A = arith.constant 3 : i32
      %shift_right_arithmetic3A_339 = vector.broadcast %shift_right_arithmetic3A : i32 to vector<16xi32>
      %shift_right_arithmetic3A_340 = arith.shrsi %max3A_338, %shift_right_arithmetic3A_339 : vector<16xi32>
      %shift_left3A = arith.constant 5 : i32
      %shift_left3A_341 = vector.broadcast %shift_left3A : i32 to vector<16xi32>
      %shift_left3A_342 = arith.shli %shift_right_arithmetic3A_340, %shift_left3A_341 : vector<16xi32>
      %and3A = arith.constant 7 : i32
      %and3A_343 = vector.broadcast %and3A : i32 to vector<16xi32>
      %and3A_344 = arith.andi %max3A_338, %and3A_343 : vector<16xi32>
      %shift_left3A_345 = arith.constant 2 : i32
      %shift_left3A_346 = vector.broadcast %shift_left3A_345 : i32 to vector<16xi32>
      %shift_left3A_347 = arith.shli %and3A_344, %shift_left3A_346 : vector<16xi32>
      %or3A = arith.ori %shift_left3A_342, %shift_left3A_347 : vector<16xi32>
      %swap3A = arith.constant 0 : i32
      %swap3A_348 = arith.index_cast %swap3A : i32 to index
      %swap3A_349 = arith.index_cast %scan3A_328 : i32 to index
      %swap3A_350 = arith.constant 0 : index
      %swap3A_351 = tpu.vector_load %arg6[%swap3A_348, %swap3A_349, %swap3A_350] {strides = array<i32>} : memref<2x50x128xi32, #tpu.memory_space<vmem>>, vector<16xi32>,
      tpu.vector_store %arg6[%swap3A_348, %swap3A_349, %swap3A_350], %or3A {strides = array<i32>} : memref<2x50x128xi32, #tpu.memory_space<vmem>>, vector<16xi32>,
      %add3A_352 = arith.constant 800 : i32
      %add3A_353 = arith.addi %add3A_352, %scan3A_328 : i32
      %add3A_354 = vector.broadcast %add3A_353 : i32 to vector<16xi32>
      %add3A_355 = arith.addi %mul3A_6, %add3A_354 : vector<16xi32>
      %gather3A_356 = arith.constant 0 : i32
      %gather3A_357 = arith.constant 0 : i32
      %gather3A_358 = tpu.memref_slice %arg5[%gather3A_356, %gather3A_357] : memref<2x6400xi32, #tpu.memory_space<vmem>> -> memref<1x6400xi32, #tpu.memory_space<vmem>>
      %gather3A_359 = tpu.memref_squeeze %gather3A_358 : memref<1x6400xi32, #tpu.memory_space<vmem>> -> memref<6400xi32, #tpu.memory_space<vmem>>
      %gather3A_360 = tpu.vector_load_idx %gather3A_359[%add3A_355] : memref<6400xi32, #tpu.memory_space<vmem>>[vector<16xi32>], vector<16xi32>,
      %max3A_361 = arith.constant 0 : i32
      %max3A_362 = vector.broadcast %max3A_361 : i32 to vector<16xi32>
      %max3A_363 = arith.maxsi %gather3A_360, %max3A_362 : vector<16xi32>
      %shift_right_arithmetic3A_364 = arith.constant 3 : i32
      %shift_right_arithmetic3A_365 = vector.broadcast %shift_right_arithmetic3A_364 : i32 to vector<16xi32>
      %shift_right_arithmetic3A_366 = arith.shrsi %max3A_363, %shift_right_arithmetic3A_365 : vector<16xi32>
      %shift_left3A_367 = arith.constant 5 : i32
      %shift_left3A_368 = vector.broadcast %shift_left3A_367 : i32 to vector<16xi32>
      %shift_left3A_369 = arith.shli %shift_right_arithmetic3A_366, %shift_left3A_368 : vector<16xi32>
      %and3A_370 = arith.constant 7 : i32
      %and3A_371 = vector.broadcast %and3A_370 : i32 to vector<16xi32>
      %and3A_372 = arith.andi %max3A_363, %and3A_371 : vector<16xi32>
      %shift_left3A_373 = arith.constant 2 : i32
      %shift_left3A_374 = vector.broadcast %shift_left3A_373 : i32 to vector<16xi32>
      %shift_left3A_375 = arith.shli %and3A_372, %shift_left3A_374 : vector<16xi32>
      %or3A_376 = arith.ori %shift_left3A_369, %shift_left3A_375 : vector<16xi32>
      %swap3A_377 = arith.constant 0 : i32
      %swap3A_378 = arith.index_cast %swap3A_377 : i32 to index
      %swap3A_379 = arith.index_cast %scan3A_328 : i32 to index
      %swap3A_380 = arith.constant 16 : index
      %swap3A_381 = tpu.vector_load %arg6[%swap3A_378, %swap3A_379, %swap3A_380] {strides = array<i32>} : memref<2x50x128xi32, #tpu.memory_space<vmem>>, vector<16xi32>,
      tpu.vector_store %arg6[%swap3A_378, %swap3A_379, %swap3A_380], %or3A_376 {strides = array<i32>} : memref<2x50x128xi32, #tpu.memory_space<vmem>>, vector<16xi32>,
      %add3A_382 = arith.constant 1600 : i32
      %add3A_383 = arith.addi %add3A_382, %scan3A_328 : i32
      %add3A_384 = vector.broadcast %add3A_383 : i32 to vector<16xi32>
      %add3A_385 = arith.addi %mul3A_6, %add3A_384 : vector<16xi32>
      %gather3A_386 = arith.constant 0 : i32
      %gather3A_387 = arith.constant 0 : i32
      %gather3A_388 = tpu.memref_slice %arg5[%gather3A_386, %gather3A_387] : memref<2x6400xi32, #tpu.memory_space<vmem>> -> memref<1x6400xi32, #tpu.memory_space<vmem>>
      %gather3A_389 = tpu.memref_squeeze %gather3A_388 : memref<1x6400xi32, #tpu.memory_space<vmem>> -> memref<6400xi32, #tpu.memory_space<vmem>>
      %gather3A_390 = tpu.vector_load_idx %gather3A_389[%add3A_385] : memref<6400xi32, #tpu.memory_space<vmem>>[vector<16xi32>], vector<16xi32>,
      %max3A_391 = arith.constant 0 : i32
      %max3A_392 = vector.broadcast %max3A_391 : i32 to vector<16xi32>
      %max3A_393 = arith.maxsi %gather3A_390, %max3A_392 : vector<16xi32>
      %shift_right_arithmetic3A_394 = arith.constant 3 : i32
      %shift_right_arithmetic3A_395 = vector.broadcast %shift_right_arithmetic3A_394 : i32 to vector<16xi32>
      %shift_right_arithmetic3A_396 = arith.shrsi %max3A_393, %shift_right_arithmetic3A_395 : vector<16xi32>
      %shift_left3A_397 = arith.constant 5 : i32
      %shift_left3A_398 = vector.broadcast %shift_left3A_397 : i32 to vector<16xi32>
      %shift_left3A_399 = arith.shli %shift_right_arithmetic3A_396, %shift_left3A_398 : vector<16xi32>
      %and3A_400 = arith.constant 7 : i32
      %and3A_401 = vector.broadcast %and3A_400 : i32 to vector<16xi32>
      %and3A_402 = arith.andi %max3A_393, %and3A_401 : vector<16xi32>
      %shift_left3A_403 = arith.constant 2 : i32
      %shift_left3A_404 = vector.broadcast %shift_left3A_403 : i32 to vector<16xi32>
      %shift_left3A_405 = arith.shli %and3A_402, %shift_left3A_404 : vector<16xi32>
      %or3A_406 = arith.ori %shift_left3A_399, %shift_left3A_405 : vector<16xi32>
      %swap3A_407 = arith.constant 0 : i32
      %swap3A_408 = arith.index_cast %swap3A_407 : i32 to index
      %swap3A_409 = arith.index_cast %scan3A_328 : i32 to index
      %swap3A_410 = arith.constant 32 : index
      %swap3A_411 = tpu.vector_load %arg6[%swap3A_408, %swap3A_409, %swap3A_410] {strides = array<i32>} : memref<2x50x128xi32, #tpu.memory_space<vmem>>, vector<16xi32>,
      tpu.vector_store %arg6[%swap3A_408, %swap3A_409, %swap3A_410], %or3A_406 {strides = array<i32>} : memref<2x50x128xi32, #tpu.memory_space<vmem>>, vector<16xi32>,
      %add3A_412 = arith.constant 2400 : i32
      %add3A_413 = arith.addi %add3A_412, %scan3A_328 : i32
      %add3A_414 = vector.broadcast %add3A_413 : i32 to vector<16xi32>
      %add3A_415 = arith.addi %mul3A_6, %add3A_414 : vector<16xi32>
      %gather3A_416 = arith.constant 0 : i32
      %gather3A_417 = arith.constant 0 : i32
      %gather3A_418 = tpu.memref_slice %arg5[%gather3A_416, %gather3A_417] : memref<2x6400xi32, #tpu.memory_space<vmem>> -> memref<1x6400xi32, #tpu.memory_space<vmem>>
      %gather3A_419 = tpu.memref_squeeze %gather3A_418 : memref<1x6400xi32, #tpu.memory_space<vmem>> -> memref<6400xi32, #tpu.memory_space<vmem>>
      %gather3A_420 = tpu.vector_load_idx %gather3A_419[%add3A_415] : memref<6400xi32, #tpu.memory_space<vmem>>[vector<16xi32>], vector<16xi32>,
      %max3A_421 = arith.constant 0 : i32
      %max3A_422 = vector.broadcast %max3A_421 : i32 to vector<16xi32>
      %max3A_423 = arith.maxsi %gather3A_420, %max3A_422 : vector<16xi32>
      %shift_right_arithmetic3A_424 = arith.constant 3 : i32
      %shift_right_arithmetic3A_425 = vector.broadcast %shift_right_arithmetic3A_424 : i32 to vector<16xi32>
      %shift_right_arithmetic3A_426 = arith.shrsi %max3A_423, %shift_right_arithmetic3A_425 : vector<16xi32>
      %shift_left3A_427 = arith.constant 5 : i32
      %shift_left3A_428 = vector.broadcast %shift_left3A_427 : i32 to vector<16xi32>
      %shift_left3A_429 = arith.shli %shift_right_arithmetic3A_426, %shift_left3A_428 : vector<16xi32>
      %and3A_430 = arith.constant 7 : i32
      %and3A_431 = vector.broadcast %and3A_430 : i32 to vector<16xi32>
      %and3A_432 = arith.andi %max3A_423, %and3A_431 : vector<16xi32>
      %shift_left3A_433 = arith.constant 2 : i32
      %shift_left3A_434 = vector.broadcast %shift_left3A_433 : i32 to vector<16xi32>
      %shift_left3A_435 = arith.shli %and3A_432, %shift_left3A_434 : vector<16xi32>
      %or3A_436 = arith.ori %shift_left3A_429, %shift_left3A_435 : vector<16xi32>
      %swap3A_437 = arith.constant 0 : i32
      %swap3A_438 = arith.index_cast %swap3A_437 : i32 to index
      %swap3A_439 = arith.index_cast %scan3A_328 : i32 to index
      %swap3A_440 = arith.constant 48 : index
      %swap3A_441 = tpu.vector_load %arg6[%swap3A_438, %swap3A_439, %swap3A_440] {strides = array<i32>} : memref<2x50x128xi32, #tpu.memory_space<vmem>>, vector<16xi32>,
      tpu.vector_store %arg6[%swap3A_438, %swap3A_439, %swap3A_440], %or3A_436 {strides = array<i32>} : memref<2x50x128xi32, #tpu.memory_space<vmem>>, vector<16xi32>,
      %add3A_442 = arith.constant 3200 : i32
      %add3A_443 = arith.addi %add3A_442, %scan3A_328 : i32
      %add3A_444 = vector.broadcast %add3A_443 : i32 to vector<16xi32>
      %add3A_445 = arith.addi %mul3A_6, %add3A_444 : vector<16xi32>
      %gather3A_446 = arith.constant 0 : i32
      %gather3A_447 = arith.constant 0 : i32
      %gather3A_448 = tpu.memref_slice %arg5[%gather3A_446, %gather3A_447] : memref<2x6400xi32, #tpu.memory_space<vmem>> -> memref<1x6400xi32, #tpu.memory_space<vmem>>
      %gather3A_449 = tpu.memref_squeeze %gather3A_448 : memref<1x6400xi32, #tpu.memory_space<vmem>> -> memref<6400xi32, #tpu.memory_space<vmem>>
      %gather3A_450 = tpu.vector_load_idx %gather3A_449[%add3A_445] : memref<6400xi32, #tpu.memory_space<vmem>>[vector<16xi32>], vector<16xi32>,
      %max3A_451 = arith.constant 0 : i32
      %max3A_452 = vector.broadcast %max3A_451 : i32 to vector<16xi32>
      %max3A_453 = arith.maxsi %gather3A_450, %max3A_452 : vector<16xi32>
      %shift_right_arithmetic3A_454 = arith.constant 3 : i32
      %shift_right_arithmetic3A_455 = vector.broadcast %shift_right_arithmetic3A_454 : i32 to vector<16xi32>
      %shift_right_arithmetic3A_456 = arith.shrsi %max3A_453, %shift_right_arithmetic3A_455 : vector<16xi32>
      %shift_left3A_457 = arith.constant 5 : i32
      %shift_left3A_458 = vector.broadcast %shift_left3A_457 : i32 to vector<16xi32>
      %shift_left3A_459 = arith.shli %shift_right_arithmetic3A_456, %shift_left3A_458 : vector<16xi32>
      %and3A_460 = arith.constant 7 : i32
      %and3A_461 = vector.broadcast %and3A_460 : i32 to vector<16xi32>
      %and3A_462 = arith.andi %max3A_453, %and3A_461 : vector<16xi32>
      %shift_left3A_463 = arith.constant 2 : i32
      %shift_left3A_464 = vector.broadcast %shift_left3A_463 : i32 to vector<16xi32>
      %shift_left3A_465 = arith.shli %and3A_462, %shift_left3A_464 : vector<16xi32>
      %or3A_466 = arith.ori %shift_left3A_459, %shift_left3A_465 : vector<16xi32>
      %swap3A_467 = arith.constant 0 : i32
      %swap3A_468 = arith.index_cast %swap3A_467 : i32 to index
      %swap3A_469 = arith.index_cast %scan3A_328 : i32 to index
      %swap3A_470 = arith.constant 64 : index
      %swap3A_471 = tpu.vector_load %arg6[%swap3A_468, %swap3A_469, %swap3A_470] {strides = array<i32>} : memref<2x50x128xi32, #tpu.memory_space<vmem>>, vector<16xi32>,
      tpu.vector_store %arg6[%swap3A_468, %swap3A_469, %swap3A_470], %or3A_466 {strides = array<i32>} : memref<2x50x128xi32, #tpu.memory_space<vmem>>, vector<16xi32>,
      %add3A_472 = arith.constant 4000 : i32
      %add3A_473 = arith.addi %add3A_472, %scan3A_328 : i32
      %add3A_474 = vector.broadcast %add3A_473 : i32 to vector<16xi32>
      %add3A_475 = arith.addi %mul3A_6, %add3A_474 : vector<16xi32>
      %gather3A_476 = arith.constant 0 : i32
      %gather3A_477 = arith.constant 0 : i32
      %gather3A_478 = tpu.memref_slice %arg5[%gather3A_476, %gather3A_477] : memref<2x6400xi32, #tpu.memory_space<vmem>> -> memref<1x6400xi32, #tpu.memory_space<vmem>>
      %gather3A_479 = tpu.memref_squeeze %gather3A_478 : memref<1x6400xi32, #tpu.memory_space<vmem>> -> memref<6400xi32, #tpu.memory_space<vmem>>
      %gather3A_480 = tpu.vector_load_idx %gather3A_479[%add3A_475] : memref<6400xi32, #tpu.memory_space<vmem>>[vector<16xi32>], vector<16xi32>,
      %max3A_481 = arith.constant 0 : i32
      %max3A_482 = vector.broadcast %max3A_481 : i32 to vector<16xi32>
      %max3A_483 = arith.maxsi %gather3A_480, %max3A_482 : vector<16xi32>
      %shift_right_arithmetic3A_484 = arith.constant 3 : i32
      %shift_right_arithmetic3A_485 = vector.broadcast %shift_right_arithmetic3A_484 : i32 to vector<16xi32>
      %shift_right_arithmetic3A_486 = arith.shrsi %max3A_483, %shift_right_arithmetic3A_485 : vector<16xi32>
      %shift_left3A_487 = arith.constant 5 : i32
      %shift_left3A_488 = vector.broadcast %shift_left3A_487 : i32 to vector<16xi32>
      %shift_left3A_489 = arith.shli %shift_right_arithmetic3A_486, %shift_left3A_488 : vector<16xi32>
      %and3A_490 = arith.constant 7 : i32
      %and3A_491 = vector.broadcast %and3A_490 : i32 to vector<16xi32>
      %and3A_492 = arith.andi %max3A_483, %and3A_491 : vector<16xi32>
      %shift_left3A_493 = arith.constant 2 : i32
      %shift_left3A_494 = vector.broadcast %shift_left3A_493 : i32 to vector<16xi32>
      %shift_left3A_495 = arith.shli %and3A_492, %shift_left3A_494 : vector<16xi32>
      %or3A_496 = arith.ori %shift_left3A_489, %shift_left3A_495 : vector<16xi32>
      %swap3A_497 = arith.constant 0 : i32
      %swap3A_498 = arith.index_cast %swap3A_497 : i32 to index
      %swap3A_499 = arith.index_cast %scan3A_328 : i32 to index
      %swap3A_500 = arith.constant 80 : index
      %swap3A_501 = tpu.vector_load %arg6[%swap3A_498, %swap3A_499, %swap3A_500] {strides = array<i32>} : memref<2x50x128xi32, #tpu.memory_space<vmem>>, vector<16xi32>,
      tpu.vector_store %arg6[%swap3A_498, %swap3A_499, %swap3A_500], %or3A_496 {strides = array<i32>} : memref<2x50x128xi32, #tpu.memory_space<vmem>>, vector<16xi32>,
      %add3A_502 = arith.constant 4800 : i32
      %add3A_503 = arith.addi %add3A_502, %scan3A_328 : i32
      %add3A_504 = vector.broadcast %add3A_503 : i32 to vector<16xi32>
      %add3A_505 = arith.addi %mul3A_6, %add3A_504 : vector<16xi32>
      %gather3A_506 = arith.constant 0 : i32
      %gather3A_507 = arith.constant 0 : i32
      %gather3A_508 = tpu.memref_slice %arg5[%gather3A_506, %gather3A_507] : memref<2x6400xi32, #tpu.memory_space<vmem>> -> memref<1x6400xi32, #tpu.memory_space<vmem>>
      %gather3A_509 = tpu.memref_squeeze %gather3A_508 : memref<1x6400xi32, #tpu.memory_space<vmem>> -> memref<6400xi32, #tpu.memory_space<vmem>>
      %gather3A_510 = tpu.vector_load_idx %gather3A_509[%add3A_505] : memref<6400xi32, #tpu.memory_space<vmem>>[vector<16xi32>], vector<16xi32>,
      %max3A_511 = arith.constant 0 : i32
      %max3A_512 = vector.broadcast %max3A_511 : i32 to vector<16xi32>
      %max3A_513 = arith.maxsi %gather3A_510, %max3A_512 : vector<16xi32>
      %shift_right_arithmetic3A_514 = arith.constant 3 : i32
      %shift_right_arithmetic3A_515 = vector.broadcast %shift_right_arithmetic3A_514 : i32 to vector<16xi32>
      %shift_right_arithmetic3A_516 = arith.shrsi %max3A_513, %shift_right_arithmetic3A_515 : vector<16xi32>
      %shift_left3A_517 = arith.constant 5 : i32
      %shift_left3A_518 = vector.broadcast %shift_left3A_517 : i32 to vector<16xi32>
      %shift_left3A_519 = arith.shli %shift_right_arithmetic3A_516, %shift_left3A_518 : vector<16xi32>
      %and3A_520 = arith.constant 7 : i32
      %and3A_521 = vector.broadcast %and3A_520 : i32 to vector<16xi32>
      %and3A_522 = arith.andi %max3A_513, %and3A_521 : vector<16xi32>
      %shift_left3A_523 = arith.constant 2 : i32
      %shift_left3A_524 = vector.broadcast %shift_left3A_523 : i32 to vector<16xi32>
      %shift_left3A_525 = arith.shli %and3A_522, %shift_left3A_524 : vector<16xi32>
      %or3A_526 = arith.ori %shift_left3A_519, %shift_left3A_525 : vector<16xi32>
      %swap3A_527 = arith.constant 0 : i32
      %swap3A_528 = arith.index_cast %swap3A_527 : i32 to index
      %swap3A_529 = arith.index_cast %scan3A_328 : i32 to index
      %swap3A_530 = arith.constant 96 : index
      %swap3A_531 = tpu.vector_load %arg6[%swap3A_528, %swap3A_529, %swap3A_530] {strides = array<i32>} : memref<2x50x128xi32, #tpu.memory_space<vmem>>, vector<16xi32>,
      tpu.vector_store %arg6[%swap3A_528, %swap3A_529, %swap3A_530], %or3A_526 {strides = array<i32>} : memref<2x50x128xi32, #tpu.memory_space<vmem>>, vector<16xi32>,
      %add3A_532 = arith.constant 5600 : i32
      %add3A_533 = arith.addi %add3A_532, %scan3A_328 : i32
      %add3A_534 = vector.broadcast %add3A_533 : i32 to vector<16xi32>
      %add3A_535 = arith.addi %mul3A_6, %add3A_534 : vector<16xi32>
      %gather3A_536 = arith.constant 0 : i32
      %gather3A_537 = arith.constant 0 : i32
      %gather3A_538 = tpu.memref_slice %arg5[%gather3A_536, %gather3A_537] : memref<2x6400xi32, #tpu.memory_space<vmem>> -> memref<1x6400xi32, #tpu.memory_space<vmem>>
      %gather3A_539 = tpu.memref_squeeze %gather3A_538 : memref<1x6400xi32, #tpu.memory_space<vmem>> -> memref<6400xi32, #tpu.memory_space<vmem>>
      %gather3A_540 = tpu.vector_load_idx %gather3A_539[%add3A_535] : memref<6400xi32, #tpu.memory_space<vmem>>[vector<16xi32>], vector<16xi32>,
      %max3A_541 = arith.constant 0 : i32
      %max3A_542 = vector.broadcast %max3A_541 : i32 to vector<16xi32>
      %max3A_543 = arith.maxsi %gather3A_540, %max3A_542 : vector<16xi32>
      %shift_right_arithmetic3A_544 = arith.constant 3 : i32
      %shift_right_arithmetic3A_545 = vector.broadcast %shift_right_arithmetic3A_544 : i32 to vector<16xi32>
      %shift_right_arithmetic3A_546 = arith.shrsi %max3A_543, %shift_right_arithmetic3A_545 : vector<16xi32>
      %shift_left3A_547 = arith.constant 5 : i32
      %shift_left3A_548 = vector.broadcast %shift_left3A_547 : i32 to vector<16xi32>
      %shift_left3A_549 = arith.shli %shift_right_arithmetic3A_546, %shift_left3A_548 : vector<16xi32>
      %and3A_550 = arith.constant 7 : i32
      %and3A_551 = vector.broadcast %and3A_550 : i32 to vector<16xi32>
      %and3A_552 = arith.andi %max3A_543, %and3A_551 : vector<16xi32>
      %shift_left3A_553 = arith.constant 2 : i32
      %shift_left3A_554 = vector.broadcast %shift_left3A_553 : i32 to vector<16xi32>
      %shift_left3A_555 = arith.shli %and3A_552, %shift_left3A_554 : vector<16xi32>
      %or3A_556 = arith.ori %shift_left3A_549, %shift_left3A_555 : vector<16xi32>
      %swap3A_557 = arith.constant 0 : i32
      %swap3A_558 = arith.index_cast %swap3A_557 : i32 to index
      %swap3A_559 = arith.index_cast %scan3A_328 : i32 to index
      %swap3A_560 = arith.constant 112 : index
      %swap3A_561 = tpu.vector_load %arg6[%swap3A_558, %swap3A_559, %swap3A_560] {strides = array<i32>} : memref<2x50x128xi32, #tpu.memory_space<vmem>>, vector<16xi32>,
      tpu.vector_store %arg6[%swap3A_558, %swap3A_559, %swap3A_560], %or3A_556 {strides = array<i32>} : memref<2x50x128xi32, #tpu.memory_space<vmem>>, vector<16xi32>,
    }
    %scan3A_31 = arith.constant 50 : i32
    %add3A_32 = arith.constant 128 : i32
    %add3A_33 = arith.addi %mul3A_2, %add3A_32 : i32
    %mul3A_34 = arith.constant 50 : i32
    %mul3A_35 = arith.muli %add3A_33, %mul3A_34 : i32
    %dma_start3A_36 = arith.constant 1 : i32
    %dma_start3A_37 = arith.constant 0 : i32
    %dma_start3A_38 = tpu.memref_slice %arg5[%dma_start3A_36, %dma_start3A_37] : memref<2x6400xi32, #tpu.memory_space<vmem>> -> memref<1x6400xi32, #tpu.memory_space<vmem>>
    %dma_start3A_39 = tpu.memref_squeeze %dma_start3A_38 : memref<1x6400xi32, #tpu.memory_space<vmem>> -> memref<6400xi32, #tpu.memory_space<vmem>>
    %dma_start3A_40 = tpu.memref_slice %arg2[%mul3A_35] : memref<819200xi32, #tpu.memory_space<hbm>> -> memref<6400xi32, #tpu.memory_space<hbm>>
    %dma_start3A_41 = arith.constant 0 : i32
    %dma_start3A_42 = tpu.memref_slice %arg5[%dma_start3A_36, %dma_start3A_41] : memref<2x6400xi32, #tpu.memory_space<vmem>> -> memref<1x6400xi32, #tpu.memory_space<vmem>>
    %dma_start3A_43 = tpu.memref_squeeze %dma_start3A_42 : memref<1x6400xi32, #tpu.memory_space<vmem>> -> memref<6400xi32, #tpu.memory_space<vmem>>
    %dma_start3A_44 = tpu.memref_slice %arg2[%mul3A_35] : memref<819200xi32, #tpu.memory_space<hbm>> -> memref<6400xi32, #tpu.memory_space<hbm>>
    tpu.enqueue_dma source(%dma_start3A_44 : memref<6400xi32, #tpu.memory_space<hbm>>) target(%dma_start3A_43 : memref<6400xi32, #tpu.memory_space<vmem>>) target_semaphore(%arg8 : memref<!tpu.dma_semaphore, #tpu.memory_space<semaphore_mem>>)
    %scan3A_45 = arith.constant 0 : i32
    %scan3A_46 = arith.constant 0 : i32
    %scan3A_47 = arith.constant 128 : i32
    %scan3A_48 = arith.addi %scan3A_46, %scan3A_47 : i32
    %scan3A_49 = arith.constant 1 : i32
    scf.for %scan3A_328 = %scan3A_46 to %scan3A_48 step %scan3A_49  : i32 {
      %swap3A = arith.constant 0 : i32
      %swap3A_329 = arith.index_cast %swap3A : i32 to index
      %swap3A_330 = arith.index_cast %scan3A_328 : i32 to index
      %swap3A_331 = arith.constant 0 : index
      %swap3A_332 = tpu.vector_load %arg7[%swap3A_329, %swap3A_330, %swap3A_331] {strides = array<i32>} : memref<2x128x32xf32, #tpu.memory_space<vmem>>, vector<16xf32>,
      tpu.vector_store %arg7[%swap3A_329, %swap3A_330, %swap3A_331], %broadcast_in_dim3A_3 {strides = array<i32>} : memref<2x128x32xf32, #tpu.memory_space<vmem>>, vector<16xf32>,
      %swap3A_333 = arith.constant 0 : i32
      %swap3A_334 = arith.index_cast %swap3A_333 : i32 to index
      %swap3A_335 = arith.index_cast %scan3A_328 : i32 to index
      %swap3A_336 = arith.constant 16 : index
      %swap3A_337 = tpu.vector_load %arg7[%swap3A_334, %swap3A_335, %swap3A_336] {strides = array<i32>} : memref<2x128x32xf32, #tpu.memory_space<vmem>>, vector<16xf32>,
      tpu.vector_store %arg7[%swap3A_334, %swap3A_335, %swap3A_336], %broadcast_in_dim3A_3 {strides = array<i32>} : memref<2x128x32xf32, #tpu.memory_space<vmem>>, vector<16xf32>,
    }
    %scan3A_50 = arith.constant 128 : i32
    %scan3A_51 = arith.constant 0 : i32
    %scan3A_52 = arith.constant 0 : i32
    %scan3A_53 = arith.constant 50 : i32
    %scan3A_54 = arith.addi %scan3A_52, %scan3A_53 : i32
    %scan3A_55 = arith.constant 1 : i32
    scf.for %scan3A_328 = %scan3A_52 to %scan3A_54 step %scan3A_55  : i32 {
      %dma_start3A_329 = arith.constant 0 : i32
      %dma_start3A_330 = arith.constant 0 : i32
      %dma_start3A_331 = arith.constant 0 : i32
      %dma_start3A_332 = arith.constant 0 : i32
      %dma_start3A_333 = tpu.memref_slice %arg7[%dma_start3A_330, %dma_start3A_331, %dma_start3A_332] : memref<2x128x32xf32, #tpu.memory_space<vmem>> -> memref<1x128x32xf32, #tpu.memory_space<vmem>>
      %dma_start3A_334 = tpu.memref_squeeze %dma_start3A_333 : memref<1x128x32xf32, #tpu.memory_space<vmem>> -> memref<128x32xf32, #tpu.memory_space<vmem>>
      %dma_start3A_335 = arith.constant 0 : i32
      %dma_start3A_336 = tpu.memref_slice %arg6[%dma_start3A_329, %scan3A_328, %dma_start3A_335] : memref<2x50x128xi32, #tpu.memory_space<vmem>> -> memref<1x1x128xi32, #tpu.memory_space<vmem>>
      %dma_start3A_337 = tpu.memref_squeeze %dma_start3A_336 : memref<1x1x128xi32, #tpu.memory_space<vmem>> -> memref<128xi32, #tpu.memory_space<vmem>>
      %dma_start3A_338 = arith.constant 0 : i32
      %dma_start3A_339 = arith.constant 0 : i32
      %dma_start3A_340 = tpu.memref_slice %arg3[%dma_start3A_338, %dma_start3A_339] : memref<4000000x32xf32, #tpu.memory_space<hbm>> -> memref<4000000x32xf32, #tpu.memory_space<hbm>>
      tpu.enqueue_indirect_dma source(%dma_start3A_340 : memref<4000000x32xf32, #tpu.memory_space<hbm>>) target(%dma_start3A_334 : memref<128x32xf32, #tpu.memory_space<vmem>>) offsets(%dma_start3A_337 : memref<128xi32, #tpu.memory_space<vmem>>) semaphore(%arg9 : memref<!tpu.dma_semaphore, #tpu.memory_space<semaphore_mem>>) {add = true}
    }
    %scan3A_56 = arith.constant 50 : i32
    %dma_wait3A_57 = arith.constant 1 : i32
    %dma_wait3A_58 = arith.constant 0 : i32
    %dma_wait3A_59 = tpu.memref_slice %arg5[%dma_wait3A_57, %dma_wait3A_58] : memref<2x6400xi32, #tpu.memory_space<vmem>> -> memref<1x6400xi32, #tpu.memory_space<vmem>>
    %dma_wait3A_60 = tpu.memref_squeeze %dma_wait3A_59 : memref<1x6400xi32, #tpu.memory_space<vmem>> -> memref<6400xi32, #tpu.memory_space<vmem>>
    %dma_wait3A_61 = tpu.memref_slice %arg2[%mul3A_35] : memref<819200xi32, #tpu.memory_space<hbm>> -> memref<6400xi32, #tpu.memory_space<hbm>>
    %dma_wait3A_62 = arith.constant 0 : i32
    %dma_wait3A_63 = tpu.memref_slice %arg5[%dma_wait3A_57, %dma_wait3A_62] : memref<2x6400xi32, #tpu.memory_space<vmem>> -> memref<1x6400xi32, #tpu.memory_space<vmem>>
    %dma_wait3A_64 = tpu.memref_squeeze %dma_wait3A_63 : memref<1x6400xi32, #tpu.memory_space<vmem>> -> memref<6400xi32, #tpu.memory_space<vmem>>
    %dma_wait3A_65 = tpu.memref_slice %arg2[%mul3A_35] : memref<819200xi32, #tpu.memory_space<hbm>> -> memref<6400xi32, #tpu.memory_space<hbm>>
    tpu.wait_dma2 semaphore(%arg8 : memref<!tpu.dma_semaphore, #tpu.memory_space<semaphore_mem>>) src(%dma_wait3A_65 : memref<6400xi32, #tpu.memory_space<hbm>>) dst(%dma_wait3A_64 : memref<6400xi32, #tpu.memory_space<vmem>>)
    %scan3A_66 = arith.constant 0 : i32
    %scan3A_67 = arith.constant 0 : i32
    %scan3A_68 = arith.constant 50 : i32
    %scan3A_69 = arith.addi %scan3A_67, %scan3A_68 : i32
    %scan3A_70 = arith.constant 1 : i32
    scf.for %scan3A_328 = %scan3A_67 to %scan3A_69 step %scan3A_70  : i32 {
      %add3A_329 = arith.constant 0 : i32
      %add3A_330 = arith.addi %add3A_329, %scan3A_328 : i32
      %add3A_331 = vector.broadcast %add3A_330 : i32 to vector<16xi32>
      %add3A_332 = arith.addi %mul3A_6, %add3A_331 : vector<16xi32>
      %gather3A = arith.constant 1 : i32
      %gather3A_333 = arith.constant 0 : i32
      %gather3A_334 = tpu.memref_slice %arg5[%gather3A, %gather3A_333] : memref<2x6400xi32, #tpu.memory_space<vmem>> -> memref<1x6400xi32, #tpu.memory_space<vmem>>
      %gather3A_335 = tpu.memref_squeeze %gather3A_334 : memref<1x6400xi32, #tpu.memory_space<vmem>> -> memref<6400xi32, #tpu.memory_space<vmem>>
      %gather3A_336 = tpu.vector_load_idx %gather3A_335[%add3A_332] : memref<6400xi32, #tpu.memory_space<vmem>>[vector<16xi32>], vector<16xi32>,
      %max3A = arith.constant 0 : i32
      %max3A_337 = vector.broadcast %max3A : i32 to vector<16xi32>
      %max3A_338 = arith.maxsi %gather3A_336, %max3A_337 : vector<16xi32>
      %shift_right_arithmetic3A = arith.constant 3 : i32
      %shift_right_arithmetic3A_339 = vector.broadcast %shift_right_arithmetic3A : i32 to vector<16xi32>
      %shift_right_arithmetic3A_340 = arith.shrsi %max3A_338, %shift_right_arithmetic3A_339 : vector<16xi32>
      %shift_left3A = arith.constant 5 : i32
      %shift_left3A_341 = vector.broadcast %shift_left3A : i32 to vector<16xi32>
      %shift_left3A_342 = arith.shli %shift_right_arithmetic3A_340, %shift_left3A_341 : vector<16xi32>
      %and3A = arith.constant 7 : i32
      %and3A_343 = vector.broadcast %and3A : i32 to vector<16xi32>
      %and3A_344 = arith.andi %max3A_338, %and3A_343 : vector<16xi32>
      %shift_left3A_345 = arith.constant 2 : i32
      %shift_left3A_346 = vector.broadcast %shift_left3A_345 : i32 to vector<16xi32>
      %shift_left3A_347 = arith.shli %and3A_344, %shift_left3A_346 : vector<16xi32>
      %or3A = arith.ori %shift_left3A_342, %shift_left3A_347 : vector<16xi32>
      %swap3A = arith.constant 1 : i32
      %swap3A_348 = arith.index_cast %swap3A : i32 to index
      %swap3A_349 = arith.index_cast %scan3A_328 : i32 to index
      %swap3A_350 = arith.constant 0 : index
      %swap3A_351 = tpu.vector_load %arg6[%swap3A_348, %swap3A_349, %swap3A_350] {strides = array<i32>} : memref<2x50x128xi32, #tpu.memory_space<vmem>>, vector<16xi32>,
      tpu.vector_store %arg6[%swap3A_348, %swap3A_349, %swap3A_350], %or3A {strides = array<i32>} : memref<2x50x128xi32, #tpu.memory_space<vmem>>, vector<16xi32>,
      %add3A_352 = arith.constant 800 : i32
      %add3A_353 = arith.addi %add3A_352, %scan3A_328 : i32
      %add3A_354 = vector.broadcast %add3A_353 : i32 to vector<16xi32>
      %add3A_355 = arith.addi %mul3A_6, %add3A_354 : vector<16xi32>
      %gather3A_356 = arith.constant 1 : i32
      %gather3A_357 = arith.constant 0 : i32
      %gather3A_358 = tpu.memref_slice %arg5[%gather3A_356, %gather3A_357] : memref<2x6400xi32, #tpu.memory_space<vmem>> -> memref<1x6400xi32, #tpu.memory_space<vmem>>
      %gather3A_359 = tpu.memref_squeeze %gather3A_358 : memref<1x6400xi32, #tpu.memory_space<vmem>> -> memref<6400xi32, #tpu.memory_space<vmem>>
      %gather3A_360 = tpu.vector_load_idx %gather3A_359[%add3A_355] : memref<6400xi32, #tpu.memory_space<vmem>>[vector<16xi32>], vector<16xi32>,
      %max3A_361 = arith.constant 0 : i32
      %max3A_362 = vector.broadcast %max3A_361 : i32 to vector<16xi32>
      %max3A_363 = arith.maxsi %gather3A_360, %max3A_362 : vector<16xi32>
      %shift_right_arithmetic3A_364 = arith.constant 3 : i32
      %shift_right_arithmetic3A_365 = vector.broadcast %shift_right_arithmetic3A_364 : i32 to vector<16xi32>
      %shift_right_arithmetic3A_366 = arith.shrsi %max3A_363, %shift_right_arithmetic3A_365 : vector<16xi32>
      %shift_left3A_367 = arith.constant 5 : i32
      %shift_left3A_368 = vector.broadcast %shift_left3A_367 : i32 to vector<16xi32>
      %shift_left3A_369 = arith.shli %shift_right_arithmetic3A_366, %shift_left3A_368 : vector<16xi32>
      %and3A_370 = arith.constant 7 : i32
      %and3A_371 = vector.broadcast %and3A_370 : i32 to vector<16xi32>
      %and3A_372 = arith.andi %max3A_363, %and3A_371 : vector<16xi32>
      %shift_left3A_373 = arith.constant 2 : i32
      %shift_left3A_374 = vector.broadcast %shift_left3A_373 : i32 to vector<16xi32>
      %shift_left3A_375 = arith.shli %and3A_372, %shift_left3A_374 : vector<16xi32>
      %or3A_376 = arith.ori %shift_left3A_369, %shift_left3A_375 : vector<16xi32>
      %swap3A_377 = arith.constant 1 : i32
      %swap3A_378 = arith.index_cast %swap3A_377 : i32 to index
      %swap3A_379 = arith.index_cast %scan3A_328 : i32 to index
      %swap3A_380 = arith.constant 16 : index
      %swap3A_381 = tpu.vector_load %arg6[%swap3A_378, %swap3A_379, %swap3A_380] {strides = array<i32>} : memref<2x50x128xi32, #tpu.memory_space<vmem>>, vector<16xi32>,
      tpu.vector_store %arg6[%swap3A_378, %swap3A_379, %swap3A_380], %or3A_376 {strides = array<i32>} : memref<2x50x128xi32, #tpu.memory_space<vmem>>, vector<16xi32>,
      %add3A_382 = arith.constant 1600 : i32
      %add3A_383 = arith.addi %add3A_382, %scan3A_328 : i32
      %add3A_384 = vector.broadcast %add3A_383 : i32 to vector<16xi32>
      %add3A_385 = arith.addi %mul3A_6, %add3A_384 : vector<16xi32>
      %gather3A_386 = arith.constant 1 : i32
      %gather3A_387 = arith.constant 0 : i32
      %gather3A_388 = tpu.memref_slice %arg5[%gather3A_386, %gather3A_387] : memref<2x6400xi32, #tpu.memory_space<vmem>> -> memref<1x6400xi32, #tpu.memory_space<vmem>>
      %gather3A_389 = tpu.memref_squeeze %gather3A_388 : memref<1x6400xi32, #tpu.memory_space<vmem>> -> memref<6400xi32, #tpu.memory_space<vmem>>
      %gather3A_390 = tpu.vector_load_idx %gather3A_389[%add3A_385] : memref<6400xi32, #tpu.memory_space<vmem>>[vector<16xi32>], vector<16xi32>,
      %max3A_391 = arith.constant 0 : i32
      %max3A_392 = vector.broadcast %max3A_391 : i32 to vector<16xi32>
      %max3A_393 = arith.maxsi %gather3A_390, %max3A_392 : vector<16xi32>
      %shift_right_arithmetic3A_394 = arith.constant 3 : i32
      %shift_right_arithmetic3A_395 = vector.broadcast %shift_right_arithmetic3A_394 : i32 to vector<16xi32>
      %shift_right_arithmetic3A_396 = arith.shrsi %max3A_393, %shift_right_arithmetic3A_395 : vector<16xi32>
      %shift_left3A_397 = arith.constant 5 : i32
      %shift_left3A_398 = vector.broadcast %shift_left3A_397 : i32 to vector<16xi32>
      %shift_left3A_399 = arith.shli %shift_right_arithmetic3A_396, %shift_left3A_398 : vector<16xi32>
      %and3A_400 = arith.constant 7 : i32
      %and3A_401 = vector.broadcast %and3A_400 : i32 to vector<16xi32>
      %and3A_402 = arith.andi %max3A_393, %and3A_401 : vector<16xi32>
      %shift_left3A_403 = arith.constant 2 : i32
      %shift_left3A_404 = vector.broadcast %shift_left3A_403 : i32 to vector<16xi32>
      %shift_left3A_405 = arith.shli %and3A_402, %shift_left3A_404 : vector<16xi32>
      %or3A_406 = arith.ori %shift_left3A_399, %shift_left3A_405 : vector<16xi32>
      %swap3A_407 = arith.constant 1 : i32
      %swap3A_408 = arith.index_cast %swap3A_407 : i32 to index
      %swap3A_409 = arith.index_cast %scan3A_328 : i32 to index
      %swap3A_410 = arith.constant 32 : index
      %swap3A_411 = tpu.vector_load %arg6[%swap3A_408, %swap3A_409, %swap3A_410] {strides = array<i32>} : memref<2x50x128xi32, #tpu.memory_space<vmem>>, vector<16xi32>,
      tpu.vector_store %arg6[%swap3A_408, %swap3A_409, %swap3A_410], %or3A_406 {strides = array<i32>} : memref<2x50x128xi32, #tpu.memory_space<vmem>>, vector<16xi32>,
      %add3A_412 = arith.constant 2400 : i32
      %add3A_413 = arith.addi %add3A_412, %scan3A_328 : i32
      %add3A_414 = vector.broadcast %add3A_413 : i32 to vector<16xi32>
      %add3A_415 = arith.addi %mul3A_6, %add3A_414 : vector<16xi32>
      %gather3A_416 = arith.constant 1 : i32
      %gather3A_417 = arith.constant 0 : i32
      %gather3A_418 = tpu.memref_slice %arg5[%gather3A_416, %gather3A_417] : memref<2x6400xi32, #tpu.memory_space<vmem>> -> memref<1x6400xi32, #tpu.memory_space<vmem>>
      %gather3A_419 = tpu.memref_squeeze %gather3A_418 : memref<1x6400xi32, #tpu.memory_space<vmem>> -> memref<6400xi32, #tpu.memory_space<vmem>>
      %gather3A_420 = tpu.vector_load_idx %gather3A_419[%add3A_415] : memref<6400xi32, #tpu.memory_space<vmem>>[vector<16xi32>], vector<16xi32>,
      %max3A_421 = arith.constant 0 : i32
      %max3A_422 = vector.broadcast %max3A_421 : i32 to vector<16xi32>
      %max3A_423 = arith.maxsi %gather3A_420, %max3A_422 : vector<16xi32>
      %shift_right_arithmetic3A_424 = arith.constant 3 : i32
      %shift_right_arithmetic3A_425 = vector.broadcast %shift_right_arithmetic3A_424 : i32 to vector<16xi32>
      %shift_right_arithmetic3A_426 = arith.shrsi %max3A_423, %shift_right_arithmetic3A_425 : vector<16xi32>
      %shift_left3A_427 = arith.constant 5 : i32
      %shift_left3A_428 = vector.broadcast %shift_left3A_427 : i32 to vector<16xi32>
      %shift_left3A_429 = arith.shli %shift_right_arithmetic3A_426, %shift_left3A_428 : vector<16xi32>
      %and3A_430 = arith.constant 7 : i32
      %and3A_431 = vector.broadcast %and3A_430 : i32 to vector<16xi32>
      %and3A_432 = arith.andi %max3A_423, %and3A_431 : vector<16xi32>
      %shift_left3A_433 = arith.constant 2 : i32
      %shift_left3A_434 = vector.broadcast %shift_left3A_433 : i32 to vector<16xi32>
      %shift_left3A_435 = arith.shli %and3A_432, %shift_left3A_434 : vector<16xi32>
      %or3A_436 = arith.ori %shift_left3A_429, %shift_left3A_435 : vector<16xi32>
      %swap3A_437 = arith.constant 1 : i32
      %swap3A_438 = arith.index_cast %swap3A_437 : i32 to index
      %swap3A_439 = arith.index_cast %scan3A_328 : i32 to index
      %swap3A_440 = arith.constant 48 : index
      %swap3A_441 = tpu.vector_load %arg6[%swap3A_438, %swap3A_439, %swap3A_440] {strides = array<i32>} : memref<2x50x128xi32, #tpu.memory_space<vmem>>, vector<16xi32>,
      tpu.vector_store %arg6[%swap3A_438, %swap3A_439, %swap3A_440], %or3A_436 {strides = array<i32>} : memref<2x50x128xi32, #tpu.memory_space<vmem>>, vector<16xi32>,
      %add3A_442 = arith.constant 3200 : i32
      %add3A_443 = arith.addi %add3A_442, %scan3A_328 : i32
      %add3A_444 = vector.broadcast %add3A_443 : i32 to vector<16xi32>
      %add3A_445 = arith.addi %mul3A_6, %add3A_444 : vector<16xi32>
      %gather3A_446 = arith.constant 1 : i32
      %gather3A_447 = arith.constant 0 : i32
      %gather3A_448 = tpu.memref_slice %arg5[%gather3A_446, %gather3A_447] : memref<2x6400xi32, #tpu.memory_space<vmem>> -> memref<1x6400xi32, #tpu.memory_space<vmem>>
      %gather3A_449 = tpu.memref_squeeze %gather3A_448 : memref<1x6400xi32, #tpu.memory_space<vmem>> -> memref<6400xi32, #tpu.memory_space<vmem>>
      %gather3A_450 = tpu.vector_load_idx %gather3A_449[%add3A_445] : memref<6400xi32, #tpu.memory_space<vmem>>[vector<16xi32>], vector<16xi32>,
      %max3A_451 = arith.constant 0 : i32
      %max3A_452 = vector.broadcast %max3A_451 : i32 to vector<16xi32>
      %max3A_453 = arith.maxsi %gather3A_450, %max3A_452 : vector<16xi32>
      %shift_right_arithmetic3A_454 = arith.constant 3 : i32
      %shift_right_arithmetic3A_455 = vector.broadcast %shift_right_arithmetic3A_454 : i32 to vector<16xi32>
      %shift_right_arithmetic3A_456 = arith.shrsi %max3A_453, %shift_right_arithmetic3A_455 : vector<16xi32>
      %shift_left3A_457 = arith.constant 5 : i32
      %shift_left3A_458 = vector.broadcast %shift_left3A_457 : i32 to vector<16xi32>
      %shift_left3A_459 = arith.shli %shift_right_arithmetic3A_456, %shift_left3A_458 : vector<16xi32>
      %and3A_460 = arith.constant 7 : i32
      %and3A_461 = vector.broadcast %and3A_460 : i32 to vector<16xi32>
      %and3A_462 = arith.andi %max3A_453, %and3A_461 : vector<16xi32>
      %shift_left3A_463 = arith.constant 2 : i32
      %shift_left3A_464 = vector.broadcast %shift_left3A_463 : i32 to vector<16xi32>
      %shift_left3A_465 = arith.shli %and3A_462, %shift_left3A_464 : vector<16xi32>
      %or3A_466 = arith.ori %shift_left3A_459, %shift_left3A_465 : vector<16xi32>
      %swap3A_467 = arith.constant 1 : i32
      %swap3A_468 = arith.index_cast %swap3A_467 : i32 to index
      %swap3A_469 = arith.index_cast %scan3A_328 : i32 to index
      %swap3A_470 = arith.constant 64 : index
      %swap3A_471 = tpu.vector_load %arg6[%swap3A_468, %swap3A_469, %swap3A_470] {strides = array<i32>} : memref<2x50x128xi32, #tpu.memory_space<vmem>>, vector<16xi32>,
      tpu.vector_store %arg6[%swap3A_468, %swap3A_469, %swap3A_470], %or3A_466 {strides = array<i32>} : memref<2x50x128xi32, #tpu.memory_space<vmem>>, vector<16xi32>,
      %add3A_472 = arith.constant 4000 : i32
      %add3A_473 = arith.addi %add3A_472, %scan3A_328 : i32
      %add3A_474 = vector.broadcast %add3A_473 : i32 to vector<16xi32>
      %add3A_475 = arith.addi %mul3A_6, %add3A_474 : vector<16xi32>
      %gather3A_476 = arith.constant 1 : i32
      %gather3A_477 = arith.constant 0 : i32
      %gather3A_478 = tpu.memref_slice %arg5[%gather3A_476, %gather3A_477] : memref<2x6400xi32, #tpu.memory_space<vmem>> -> memref<1x6400xi32, #tpu.memory_space<vmem>>
      %gather3A_479 = tpu.memref_squeeze %gather3A_478 : memref<1x6400xi32, #tpu.memory_space<vmem>> -> memref<6400xi32, #tpu.memory_space<vmem>>
      %gather3A_480 = tpu.vector_load_idx %gather3A_479[%add3A_475] : memref<6400xi32, #tpu.memory_space<vmem>>[vector<16xi32>], vector<16xi32>,
      %max3A_481 = arith.constant 0 : i32
      %max3A_482 = vector.broadcast %max3A_481 : i32 to vector<16xi32>
      %max3A_483 = arith.maxsi %gather3A_480, %max3A_482 : vector<16xi32>
      %shift_right_arithmetic3A_484 = arith.constant 3 : i32
      %shift_right_arithmetic3A_485 = vector.broadcast %shift_right_arithmetic3A_484 : i32 to vector<16xi32>
      %shift_right_arithmetic3A_486 = arith.shrsi %max3A_483, %shift_right_arithmetic3A_485 : vector<16xi32>
      %shift_left3A_487 = arith.constant 5 : i32
      %shift_left3A_488 = vector.broadcast %shift_left3A_487 : i32 to vector<16xi32>
      %shift_left3A_489 = arith.shli %shift_right_arithmetic3A_486, %shift_left3A_488 : vector<16xi32>
      %and3A_490 = arith.constant 7 : i32
      %and3A_491 = vector.broadcast %and3A_490 : i32 to vector<16xi32>
      %and3A_492 = arith.andi %max3A_483, %and3A_491 : vector<16xi32>
      %shift_left3A_493 = arith.constant 2 : i32
      %shift_left3A_494 = vector.broadcast %shift_left3A_493 : i32 to vector<16xi32>
      %shift_left3A_495 = arith.shli %and3A_492, %shift_left3A_494 : vector<16xi32>
      %or3A_496 = arith.ori %shift_left3A_489, %shift_left3A_495 : vector<16xi32>
      %swap3A_497 = arith.constant 1 : i32
      %swap3A_498 = arith.index_cast %swap3A_497 : i32 to index
      %swap3A_499 = arith.index_cast %scan3A_328 : i32 to index
      %swap3A_500 = arith.constant 80 : index
      %swap3A_501 = tpu.vector_load %arg6[%swap3A_498, %swap3A_499, %swap3A_500] {strides = array<i32>} : memref<2x50x128xi32, #tpu.memory_space<vmem>>, vector<16xi32>,
      tpu.vector_store %arg6[%swap3A_498, %swap3A_499, %swap3A_500], %or3A_496 {strides = array<i32>} : memref<2x50x128xi32, #tpu.memory_space<vmem>>, vector<16xi32>,
      %add3A_502 = arith.constant 4800 : i32
      %add3A_503 = arith.addi %add3A_502, %scan3A_328 : i32
      %add3A_504 = vector.broadcast %add3A_503 : i32 to vector<16xi32>
      %add3A_505 = arith.addi %mul3A_6, %add3A_504 : vector<16xi32>
      %gather3A_506 = arith.constant 1 : i32
      %gather3A_507 = arith.constant 0 : i32
      %gather3A_508 = tpu.memref_slice %arg5[%gather3A_506, %gather3A_507] : memref<2x6400xi32, #tpu.memory_space<vmem>> -> memref<1x6400xi32, #tpu.memory_space<vmem>>
      %gather3A_509 = tpu.memref_squeeze %gather3A_508 : memref<1x6400xi32, #tpu.memory_space<vmem>> -> memref<6400xi32, #tpu.memory_space<vmem>>
      %gather3A_510 = tpu.vector_load_idx %gather3A_509[%add3A_505] : memref<6400xi32, #tpu.memory_space<vmem>>[vector<16xi32>], vector<16xi32>,
      %max3A_511 = arith.constant 0 : i32
      %max3A_512 = vector.broadcast %max3A_511 : i32 to vector<16xi32>
      %max3A_513 = arith.maxsi %gather3A_510, %max3A_512 : vector<16xi32>
      %shift_right_arithmetic3A_514 = arith.constant 3 : i32
      %shift_right_arithmetic3A_515 = vector.broadcast %shift_right_arithmetic3A_514 : i32 to vector<16xi32>
      %shift_right_arithmetic3A_516 = arith.shrsi %max3A_513, %shift_right_arithmetic3A_515 : vector<16xi32>
      %shift_left3A_517 = arith.constant 5 : i32
      %shift_left3A_518 = vector.broadcast %shift_left3A_517 : i32 to vector<16xi32>
      %shift_left3A_519 = arith.shli %shift_right_arithmetic3A_516, %shift_left3A_518 : vector<16xi32>
      %and3A_520 = arith.constant 7 : i32
      %and3A_521 = vector.broadcast %and3A_520 : i32 to vector<16xi32>
      %and3A_522 = arith.andi %max3A_513, %and3A_521 : vector<16xi32>
      %shift_left3A_523 = arith.constant 2 : i32
      %shift_left3A_524 = vector.broadcast %shift_left3A_523 : i32 to vector<16xi32>
      %shift_left3A_525 = arith.shli %and3A_522, %shift_left3A_524 : vector<16xi32>
      %or3A_526 = arith.ori %shift_left3A_519, %shift_left3A_525 : vector<16xi32>
      %swap3A_527 = arith.constant 1 : i32
      %swap3A_528 = arith.index_cast %swap3A_527 : i32 to index
      %swap3A_529 = arith.index_cast %scan3A_328 : i32 to index
      %swap3A_530 = arith.constant 96 : index
      %swap3A_531 = tpu.vector_load %arg6[%swap3A_528, %swap3A_529, %swap3A_530] {strides = array<i32>} : memref<2x50x128xi32, #tpu.memory_space<vmem>>, vector<16xi32>,
      tpu.vector_store %arg6[%swap3A_528, %swap3A_529, %swap3A_530], %or3A_526 {strides = array<i32>} : memref<2x50x128xi32, #tpu.memory_space<vmem>>, vector<16xi32>,
      %add3A_532 = arith.constant 5600 : i32
      %add3A_533 = arith.addi %add3A_532, %scan3A_328 : i32
      %add3A_534 = vector.broadcast %add3A_533 : i32 to vector<16xi32>
      %add3A_535 = arith.addi %mul3A_6, %add3A_534 : vector<16xi32>
      %gather3A_536 = arith.constant 1 : i32
      %gather3A_537 = arith.constant 0 : i32
      %gather3A_538 = tpu.memref_slice %arg5[%gather3A_536, %gather3A_537] : memref<2x6400xi32, #tpu.memory_space<vmem>> -> memref<1x6400xi32, #tpu.memory_space<vmem>>
      %gather3A_539 = tpu.memref_squeeze %gather3A_538 : memref<1x6400xi32, #tpu.memory_space<vmem>> -> memref<6400xi32, #tpu.memory_space<vmem>>
      %gather3A_540 = tpu.vector_load_idx %gather3A_539[%add3A_535] : memref<6400xi32, #tpu.memory_space<vmem>>[vector<16xi32>], vector<16xi32>,
      %max3A_541 = arith.constant 0 : i32
      %max3A_542 = vector.broadcast %max3A_541 : i32 to vector<16xi32>
      %max3A_543 = arith.maxsi %gather3A_540, %max3A_542 : vector<16xi32>
      %shift_right_arithmetic3A_544 = arith.constant 3 : i32
      %shift_right_arithmetic3A_545 = vector.broadcast %shift_right_arithmetic3A_544 : i32 to vector<16xi32>
      %shift_right_arithmetic3A_546 = arith.shrsi %max3A_543, %shift_right_arithmetic3A_545 : vector<16xi32>
      %shift_left3A_547 = arith.constant 5 : i32
      %shift_left3A_548 = vector.broadcast %shift_left3A_547 : i32 to vector<16xi32>
      %shift_left3A_549 = arith.shli %shift_right_arithmetic3A_546, %shift_left3A_548 : vector<16xi32>
      %and3A_550 = arith.constant 7 : i32
      %and3A_551 = vector.broadcast %and3A_550 : i32 to vector<16xi32>
      %and3A_552 = arith.andi %max3A_543, %and3A_551 : vector<16xi32>
      %shift_left3A_553 = arith.constant 2 : i32
      %shift_left3A_554 = vector.broadcast %shift_left3A_553 : i32 to vector<16xi32>
      %shift_left3A_555 = arith.shli %and3A_552, %shift_left3A_554 : vector<16xi32>
      %or3A_556 = arith.ori %shift_left3A_549, %shift_left3A_555 : vector<16xi32>
      %swap3A_557 = arith.constant 1 : i32
      %swap3A_558 = arith.index_cast %swap3A_557 : i32 to index
      %swap3A_559 = arith.index_cast %scan3A_328 : i32 to index
      %swap3A_560 = arith.constant 112 : index
      %swap3A_561 = tpu.vector_load %arg6[%swap3A_558, %swap3A_559, %swap3A_560] {strides = array<i32>} : memref<2x50x128xi32, #tpu.memory_space<vmem>>, vector<16xi32>,
      tpu.vector_store %arg6[%swap3A_558, %swap3A_559, %swap3A_560], %or3A_556 {strides = array<i32>} : memref<2x50x128xi32, #tpu.memory_space<vmem>>, vector<16xi32>,
    }
    %scan3A_71 = arith.constant 50 : i32
    %add3A_72 = arith.constant 256 : i32
    %add3A_73 = arith.addi %mul3A_2, %add3A_72 : i32
    %mul3A_74 = arith.constant 50 : i32
    %mul3A_75 = arith.muli %add3A_73, %mul3A_74 : i32
    %dma_start3A_76 = arith.constant 0 : i32
    %dma_start3A_77 = arith.constant 0 : i32
    %dma_start3A_78 = tpu.memref_slice %arg5[%dma_start3A_76, %dma_start3A_77] : memref<2x6400xi32, #tpu.memory_space<vmem>> -> memref<1x6400xi32, #tpu.memory_space<vmem>>
    %dma_start3A_79 = tpu.memref_squeeze %dma_start3A_78 : memref<1x6400xi32, #tpu.memory_space<vmem>> -> memref<6400xi32, #tpu.memory_space<vmem>>
    %dma_start3A_80 = tpu.memref_slice %arg2[%mul3A_75] : memref<819200xi32, #tpu.memory_space<hbm>> -> memref<6400xi32, #tpu.memory_space<hbm>>
    %dma_start3A_81 = arith.constant 0 : i32
    %dma_start3A_82 = tpu.memref_slice %arg5[%dma_start3A_76, %dma_start3A_81] : memref<2x6400xi32, #tpu.memory_space<vmem>> -> memref<1x6400xi32, #tpu.memory_space<vmem>>
    %dma_start3A_83 = tpu.memref_squeeze %dma_start3A_82 : memref<1x6400xi32, #tpu.memory_space<vmem>> -> memref<6400xi32, #tpu.memory_space<vmem>>
    %dma_start3A_84 = tpu.memref_slice %arg2[%mul3A_75] : memref<819200xi32, #tpu.memory_space<hbm>> -> memref<6400xi32, #tpu.memory_space<hbm>>
    tpu.enqueue_dma source(%dma_start3A_84 : memref<6400xi32, #tpu.memory_space<hbm>>) target(%dma_start3A_83 : memref<6400xi32, #tpu.memory_space<vmem>>) target_semaphore(%arg8 : memref<!tpu.dma_semaphore, #tpu.memory_space<semaphore_mem>>)
    %scan3A_85 = arith.constant 0 : i32
    %scan3A_86 = arith.constant 0 : i32
    %scan3A_87 = arith.constant 128 : i32
    %scan3A_88 = arith.addi %scan3A_86, %scan3A_87 : i32
    %scan3A_89 = arith.constant 1 : i32
    scf.for %scan3A_328 = %scan3A_86 to %scan3A_88 step %scan3A_89  : i32 {
      %swap3A = arith.constant 1 : i32
      %swap3A_329 = arith.index_cast %swap3A : i32 to index
      %swap3A_330 = arith.index_cast %scan3A_328 : i32 to index
      %swap3A_331 = arith.constant 0 : index
      %swap3A_332 = tpu.vector_load %arg7[%swap3A_329, %swap3A_330, %swap3A_331] {strides = array<i32>} : memref<2x128x32xf32, #tpu.memory_space<vmem>>, vector<16xf32>,
      tpu.vector_store %arg7[%swap3A_329, %swap3A_330, %swap3A_331], %broadcast_in_dim3A_3 {strides = array<i32>} : memref<2x128x32xf32, #tpu.memory_space<vmem>>, vector<16xf32>,
      %swap3A_333 = arith.constant 1 : i32
      %swap3A_334 = arith.index_cast %swap3A_333 : i32 to index
      %swap3A_335 = arith.index_cast %scan3A_328 : i32 to index
      %swap3A_336 = arith.constant 16 : index
      %swap3A_337 = tpu.vector_load %arg7[%swap3A_334, %swap3A_335, %swap3A_336] {strides = array<i32>} : memref<2x128x32xf32, #tpu.memory_space<vmem>>, vector<16xf32>,
      tpu.vector_store %arg7[%swap3A_334, %swap3A_335, %swap3A_336], %broadcast_in_dim3A_3 {strides = array<i32>} : memref<2x128x32xf32, #tpu.memory_space<vmem>>, vector<16xf32>,
    }
    %scan3A_90 = arith.constant 128 : i32
    %scan3A_91 = arith.constant 0 : i32
    %scan3A_92 = arith.constant 0 : i32
    %scan3A_93 = arith.constant 50 : i32
    %scan3A_94 = arith.addi %scan3A_92, %scan3A_93 : i32
    %scan3A_95 = arith.constant 1 : i32
    scf.for %scan3A_328 = %scan3A_92 to %scan3A_94 step %scan3A_95  : i32 {
      %dma_start3A_329 = arith.constant 1 : i32
      %dma_start3A_330 = arith.constant 1 : i32
      %dma_start3A_331 = arith.constant 0 : i32
      %dma_start3A_332 = arith.constant 0 : i32
      %dma_start3A_333 = tpu.memref_slice %arg7[%dma_start3A_330, %dma_start3A_331, %dma_start3A_332] : memref<2x128x32xf32, #tpu.memory_space<vmem>> -> memref<1x128x32xf32, #tpu.memory_space<vmem>>
      %dma_start3A_334 = tpu.memref_squeeze %dma_start3A_333 : memref<1x128x32xf32, #tpu.memory_space<vmem>> -> memref<128x32xf32, #tpu.memory_space<vmem>>
      %dma_start3A_335 = arith.constant 0 : i32
      %dma_start3A_336 = tpu.memref_slice %arg6[%dma_start3A_329, %scan3A_328, %dma_start3A_335] : memref<2x50x128xi32, #tpu.memory_space<vmem>> -> memref<1x1x128xi32, #tpu.memory_space<vmem>>
      %dma_start3A_337 = tpu.memref_squeeze %dma_start3A_336 : memref<1x1x128xi32, #tpu.memory_space<vmem>> -> memref<128xi32, #tpu.memory_space<vmem>>
      %dma_start3A_338 = arith.constant 0 : i32
      %dma_start3A_339 = arith.constant 0 : i32
      %dma_start3A_340 = tpu.memref_slice %arg3[%dma_start3A_338, %dma_start3A_339] : memref<4000000x32xf32, #tpu.memory_space<hbm>> -> memref<4000000x32xf32, #tpu.memory_space<hbm>>
      tpu.enqueue_indirect_dma source(%dma_start3A_340 : memref<4000000x32xf32, #tpu.memory_space<hbm>>) target(%dma_start3A_334 : memref<128x32xf32, #tpu.memory_space<vmem>>) offsets(%dma_start3A_337 : memref<128xi32, #tpu.memory_space<vmem>>) semaphore(%arg10 : memref<!tpu.dma_semaphore, #tpu.memory_space<semaphore_mem>>) {add = true}
    }
    %scan3A_96 = arith.constant 50 : i32
    %scan3A_97 = arith.constant 0 : i32
    %scan3A_98 = arith.constant 0 : i32
    %scan3A_99 = arith.constant 50 : i32
    %scan3A_100 = arith.addi %scan3A_98, %scan3A_99 : i32
    %scan3A_101 = arith.constant 1 : i32
    scf.for %scan3A_328 = %scan3A_98 to %scan3A_100 step %scan3A_101  : i32 {
      %dma_wait3A_329 = arith.constant 0 : i32
      %dma_wait3A_330 = arith.constant 0 : i32
      %dma_wait3A_331 = arith.constant 0 : i32
      %dma_wait3A_332 = arith.constant 0 : i32
      %dma_wait3A_333 = tpu.memref_slice %arg7[%dma_wait3A_330, %dma_wait3A_331, %dma_wait3A_332] : memref<2x128x32xf32, #tpu.memory_space<vmem>> -> memref<1x128x32xf32, #tpu.memory_space<vmem>>
      %dma_wait3A_334 = tpu.memref_squeeze %dma_wait3A_333 : memref<1x128x32xf32, #tpu.memory_space<vmem>> -> memref<128x32xf32, #tpu.memory_space<vmem>>
      %dma_wait3A_335 = arith.constant 0 : i32
      %dma_wait3A_336 = tpu.memref_slice %arg6[%dma_wait3A_329, %scan3A_328, %dma_wait3A_335] : memref<2x50x128xi32, #tpu.memory_space<vmem>> -> memref<1x1x128xi32, #tpu.memory_space<vmem>>
      %dma_wait3A_337 = tpu.memref_squeeze %dma_wait3A_336 : memref<1x1x128xi32, #tpu.memory_space<vmem>> -> memref<128xi32, #tpu.memory_space<vmem>>
      %dma_wait3A_338 = arith.constant 0 : i32
      %dma_wait3A_339 = arith.constant 0 : i32
      %dma_wait3A_340 = tpu.memref_slice %arg3[%dma_wait3A_338, %dma_wait3A_339] : memref<4000000x32xf32, #tpu.memory_space<hbm>> -> memref<4000000x32xf32, #tpu.memory_space<hbm>>
      tpu.wait_indirect_dma semaphore(%arg9 : memref<!tpu.dma_semaphore, #tpu.memory_space<semaphore_mem>>) src(%dma_wait3A_340 : memref<4000000x32xf32, #tpu.memory_space<hbm>>) dst(%dma_wait3A_334 : memref<128x32xf32, #tpu.memory_space<vmem>>)
    }
    %scan3A_102 = arith.constant 50 : i32
    %scan3A_103 = arith.constant 0 : i32
    %scan3A_104 = arith.constant 2.000000e-02 : f32
    %scan3A_105 = arith.constant 0 : i32
    %scan3A_106 = arith.constant 128 : i32
    %scan3A_107 = arith.addi %scan3A_105, %scan3A_106 : i32
    %scan3A_108 = arith.constant 1 : i32
    scf.for %scan3A_328 = %scan3A_105 to %scan3A_107 step %scan3A_108  : i32 {
      %get3A = arith.constant 0 : i32
      %get3A_329 = arith.index_cast %get3A : i32 to index
      %get3A_330 = arith.index_cast %scan3A_328 : i32 to index
      %get3A_331 = arith.constant 0 : index
      %get3A_332 = tpu.vector_load %arg7[%get3A_329, %get3A_330, %get3A_331] {strides = array<i32>} : memref<2x128x32xf32, #tpu.memory_space<vmem>>, vector<16xf32>,
      %mul3A_333 = vector.broadcast %scan3A_104 : f32 to vector<16xf32>
      %mul3A_334 = arith.mulf %get3A_332, %mul3A_333 : vector<16xf32>
      %swap3A = arith.constant 0 : i32
      %swap3A_335 = arith.index_cast %swap3A : i32 to index
      %swap3A_336 = arith.index_cast %scan3A_328 : i32 to index
      %swap3A_337 = arith.constant 0 : index
      %swap3A_338 = tpu.vector_load %arg7[%swap3A_335, %swap3A_336, %swap3A_337] {strides = array<i32>} : memref<2x128x32xf32, #tpu.memory_space<vmem>>, vector<16xf32>,
      tpu.vector_store %arg7[%swap3A_335, %swap3A_336, %swap3A_337], %mul3A_334 {strides = array<i32>} : memref<2x128x32xf32, #tpu.memory_space<vmem>>, vector<16xf32>,
      %get3A_339 = arith.constant 0 : i32
      %get3A_340 = arith.index_cast %get3A_339 : i32 to index
      %get3A_341 = arith.index_cast %scan3A_328 : i32 to index
      %get3A_342 = arith.constant 16 : index
      %get3A_343 = tpu.vector_load %arg7[%get3A_340, %get3A_341, %get3A_342] {strides = array<i32>} : memref<2x128x32xf32, #tpu.memory_space<vmem>>, vector<16xf32>,
      %mul3A_344 = vector.broadcast %scan3A_104 : f32 to vector<16xf32>
      %mul3A_345 = arith.mulf %get3A_343, %mul3A_344 : vector<16xf32>
      %swap3A_346 = arith.constant 0 : i32
      %swap3A_347 = arith.index_cast %swap3A_346 : i32 to index
      %swap3A_348 = arith.index_cast %scan3A_328 : i32 to index
      %swap3A_349 = arith.constant 16 : index
      %swap3A_350 = tpu.vector_load %arg7[%swap3A_347, %swap3A_348, %swap3A_349] {strides = array<i32>} : memref<2x128x32xf32, #tpu.memory_space<vmem>>, vector<16xf32>,
      tpu.vector_store %arg7[%swap3A_347, %swap3A_348, %swap3A_349], %mul3A_345 {strides = array<i32>} : memref<2x128x32xf32, #tpu.memory_space<vmem>>, vector<16xf32>,
    }
    %scan3A_109 = arith.constant 128 : i32
    %add3A_110 = arith.constant 0 : i32
    %add3A_111 = arith.addi %mul3A_2, %add3A_110 : i32
    %dma_start3A_112 = arith.constant 0 : i32
    %dma_start3A_113 = arith.constant 0 : i32
    %dma_start3A_114 = arith.constant 0 : i32
    %dma_start3A_115 = tpu.memref_slice %arg7[%dma_start3A_112, %dma_start3A_113, %dma_start3A_114] : memref<2x128x32xf32, #tpu.memory_space<vmem>> -> memref<1x128x32xf32, #tpu.memory_space<vmem>>
    %dma_start3A_116 = tpu.memref_squeeze %dma_start3A_115 : memref<1x128x32xf32, #tpu.memory_space<vmem>> -> memref<128x32xf32, #tpu.memory_space<vmem>>
    %dma_start3A_117 = arith.constant 0 : i32
    %dma_start3A_118 = tpu.memref_slice %arg4[%add3A_111, %dma_start3A_117] : memref<16384x32xf32, #tpu.memory_space<hbm>> -> memref<128x32xf32, #tpu.memory_space<hbm>>
    %dma_start3A_119 = arith.constant 0 : i32
    %dma_start3A_120 = tpu.memref_slice %arg4[%add3A_111, %dma_start3A_119] : memref<16384x32xf32, #tpu.memory_space<hbm>> -> memref<128x32xf32, #tpu.memory_space<hbm>>
    %dma_start3A_121 = arith.constant 0 : i32
    %dma_start3A_122 = arith.constant 0 : i32
    %dma_start3A_123 = tpu.memref_slice %arg7[%dma_start3A_112, %dma_start3A_121, %dma_start3A_122] : memref<2x128x32xf32, #tpu.memory_space<vmem>> -> memref<1x128x32xf32, #tpu.memory_space<vmem>>
    %dma_start3A_124 = tpu.memref_squeeze %dma_start3A_123 : memref<1x128x32xf32, #tpu.memory_space<vmem>> -> memref<128x32xf32, #tpu.memory_space<vmem>>
    tpu.enqueue_dma source(%dma_start3A_124 : memref<128x32xf32, #tpu.memory_space<vmem>>) target(%dma_start3A_120 : memref<128x32xf32, #tpu.memory_space<hbm>>) target_semaphore(%arg11 : memref<!tpu.dma_semaphore, #tpu.memory_space<semaphore_mem>>)
    %dma_wait3A_125 = arith.constant 0 : i32
    %dma_wait3A_126 = arith.constant 0 : i32
    %dma_wait3A_127 = tpu.memref_slice %arg5[%dma_wait3A_125, %dma_wait3A_126] : memref<2x6400xi32, #tpu.memory_space<vmem>> -> memref<1x6400xi32, #tpu.memory_space<vmem>>
    %dma_wait3A_128 = tpu.memref_squeeze %dma_wait3A_127 : memref<1x6400xi32, #tpu.memory_space<vmem>> -> memref<6400xi32, #tpu.memory_space<vmem>>
    %dma_wait3A_129 = tpu.memref_slice %arg2[%mul3A_75] : memref<819200xi32, #tpu.memory_space<hbm>> -> memref<6400xi32, #tpu.memory_space<hbm>>
    %dma_wait3A_130 = arith.constant 0 : i32
    %dma_wait3A_131 = tpu.memref_slice %arg5[%dma_wait3A_125, %dma_wait3A_130] : memref<2x6400xi32, #tpu.memory_space<vmem>> -> memref<1x6400xi32, #tpu.memory_space<vmem>>
    %dma_wait3A_132 = tpu.memref_squeeze %dma_wait3A_131 : memref<1x6400xi32, #tpu.memory_space<vmem>> -> memref<6400xi32, #tpu.memory_space<vmem>>
    %dma_wait3A_133 = tpu.memref_slice %arg2[%mul3A_75] : memref<819200xi32, #tpu.memory_space<hbm>> -> memref<6400xi32, #tpu.memory_space<hbm>>
    tpu.wait_dma2 semaphore(%arg8 : memref<!tpu.dma_semaphore, #tpu.memory_space<semaphore_mem>>) src(%dma_wait3A_133 : memref<6400xi32, #tpu.memory_space<hbm>>) dst(%dma_wait3A_132 : memref<6400xi32, #tpu.memory_space<vmem>>)
    %scan3A_134 = arith.constant 0 : i32
    %scan3A_135 = arith.constant 0 : i32
    %scan3A_136 = arith.constant 50 : i32
    %scan3A_137 = arith.addi %scan3A_135, %scan3A_136 : i32
    %scan3A_138 = arith.constant 1 : i32
    scf.for %scan3A_328 = %scan3A_135 to %scan3A_137 step %scan3A_138  : i32 {
      %add3A_329 = arith.constant 0 : i32
      %add3A_330 = arith.addi %add3A_329, %scan3A_328 : i32
      %add3A_331 = vector.broadcast %add3A_330 : i32 to vector<16xi32>
      %add3A_332 = arith.addi %mul3A_6, %add3A_331 : vector<16xi32>
      %gather3A = arith.constant 0 : i32
      %gather3A_333 = arith.constant 0 : i32
      %gather3A_334 = tpu.memref_slice %arg5[%gather3A, %gather3A_333] : memref<2x6400xi32, #tpu.memory_space<vmem>> -> memref<1x6400xi32, #tpu.memory_space<vmem>>
      %gather3A_335 = tpu.memref_squeeze %gather3A_334 : memref<1x6400xi32, #tpu.memory_space<vmem>> -> memref<6400xi32, #tpu.memory_space<vmem>>
      %gather3A_336 = tpu.vector_load_idx %gather3A_335[%add3A_332] : memref<6400xi32, #tpu.memory_space<vmem>>[vector<16xi32>], vector<16xi32>,
      %max3A = arith.constant 0 : i32
      %max3A_337 = vector.broadcast %max3A : i32 to vector<16xi32>
      %max3A_338 = arith.maxsi %gather3A_336, %max3A_337 : vector<16xi32>
      %shift_right_arithmetic3A = arith.constant 3 : i32
      %shift_right_arithmetic3A_339 = vector.broadcast %shift_right_arithmetic3A : i32 to vector<16xi32>
      %shift_right_arithmetic3A_340 = arith.shrsi %max3A_338, %shift_right_arithmetic3A_339 : vector<16xi32>
      %shift_left3A = arith.constant 5 : i32
      %shift_left3A_341 = vector.broadcast %shift_left3A : i32 to vector<16xi32>
      %shift_left3A_342 = arith.shli %shift_right_arithmetic3A_340, %shift_left3A_341 : vector<16xi32>
      %and3A = arith.constant 7 : i32
      %and3A_343 = vector.broadcast %and3A : i32 to vector<16xi32>
      %and3A_344 = arith.andi %max3A_338, %and3A_343 : vector<16xi32>
      %shift_left3A_345 = arith.constant 2 : i32
      %shift_left3A_346 = vector.broadcast %shift_left3A_345 : i32 to vector<16xi32>
      %shift_left3A_347 = arith.shli %and3A_344, %shift_left3A_346 : vector<16xi32>
      %or3A = arith.ori %shift_left3A_342, %shift_left3A_347 : vector<16xi32>
      %swap3A = arith.constant 0 : i32
      %swap3A_348 = arith.index_cast %swap3A : i32 to index
      %swap3A_349 = arith.index_cast %scan3A_328 : i32 to index
      %swap3A_350 = arith.constant 0 : index
      %swap3A_351 = tpu.vector_load %arg6[%swap3A_348, %swap3A_349, %swap3A_350] {strides = array<i32>} : memref<2x50x128xi32, #tpu.memory_space<vmem>>, vector<16xi32>,
      tpu.vector_store %arg6[%swap3A_348, %swap3A_349, %swap3A_350], %or3A {strides = array<i32>} : memref<2x50x128xi32, #tpu.memory_space<vmem>>, vector<16xi32>,
      %add3A_352 = arith.constant 800 : i32
      %add3A_353 = arith.addi %add3A_352, %scan3A_328 : i32
      %add3A_354 = vector.broadcast %add3A_353 : i32 to vector<16xi32>
      %add3A_355 = arith.addi %mul3A_6, %add3A_354 : vector<16xi32>
      %gather3A_356 = arith.constant 0 : i32
      %gather3A_357 = arith.constant 0 : i32
      %gather3A_358 = tpu.memref_slice %arg5[%gather3A_356, %gather3A_357] : memref<2x6400xi32, #tpu.memory_space<vmem>> -> memref<1x6400xi32, #tpu.memory_space<vmem>>
      %gather3A_359 = tpu.memref_squeeze %gather3A_358 : memref<1x6400xi32, #tpu.memory_space<vmem>> -> memref<6400xi32, #tpu.memory_space<vmem>>
      %gather3A_360 = tpu.vector_load_idx %gather3A_359[%add3A_355] : memref<6400xi32, #tpu.memory_space<vmem>>[vector<16xi32>], vector<16xi32>,
      %max3A_361 = arith.constant 0 : i32
      %max3A_362 = vector.broadcast %max3A_361 : i32 to vector<16xi32>
      %max3A_363 = arith.maxsi %gather3A_360, %max3A_362 : vector<16xi32>
      %shift_right_arithmetic3A_364 = arith.constant 3 : i32
      %shift_right_arithmetic3A_365 = vector.broadcast %shift_right_arithmetic3A_364 : i32 to vector<16xi32>
      %shift_right_arithmetic3A_366 = arith.shrsi %max3A_363, %shift_right_arithmetic3A_365 : vector<16xi32>
      %shift_left3A_367 = arith.constant 5 : i32
      %shift_left3A_368 = vector.broadcast %shift_left3A_367 : i32 to vector<16xi32>
      %shift_left3A_369 = arith.shli %shift_right_arithmetic3A_366, %shift_left3A_368 : vector<16xi32>
      %and3A_370 = arith.constant 7 : i32
      %and3A_371 = vector.broadcast %and3A_370 : i32 to vector<16xi32>
      %and3A_372 = arith.andi %max3A_363, %and3A_371 : vector<16xi32>
      %shift_left3A_373 = arith.constant 2 : i32
      %shift_left3A_374 = vector.broadcast %shift_left3A_373 : i32 to vector<16xi32>
      %shift_left3A_375 = arith.shli %and3A_372, %shift_left3A_374 : vector<16xi32>
      %or3A_376 = arith.ori %shift_left3A_369, %shift_left3A_375 : vector<16xi32>
      %swap3A_377 = arith.constant 0 : i32
      %swap3A_378 = arith.index_cast %swap3A_377 : i32 to index
      %swap3A_379 = arith.index_cast %scan3A_328 : i32 to index
      %swap3A_380 = arith.constant 16 : index
      %swap3A_381 = tpu.vector_load %arg6[%swap3A_378, %swap3A_379, %swap3A_380] {strides = array<i32>} : memref<2x50x128xi32, #tpu.memory_space<vmem>>, vector<16xi32>,
      tpu.vector_store %arg6[%swap3A_378, %swap3A_379, %swap3A_380], %or3A_376 {strides = array<i32>} : memref<2x50x128xi32, #tpu.memory_space<vmem>>, vector<16xi32>,
      %add3A_382 = arith.constant 1600 : i32
      %add3A_383 = arith.addi %add3A_382, %scan3A_328 : i32
      %add3A_384 = vector.broadcast %add3A_383 : i32 to vector<16xi32>
      %add3A_385 = arith.addi %mul3A_6, %add3A_384 : vector<16xi32>
      %gather3A_386 = arith.constant 0 : i32
      %gather3A_387 = arith.constant 0 : i32
      %gather3A_388 = tpu.memref_slice %arg5[%gather3A_386, %gather3A_387] : memref<2x6400xi32, #tpu.memory_space<vmem>> -> memref<1x6400xi32, #tpu.memory_space<vmem>>
      %gather3A_389 = tpu.memref_squeeze %gather3A_388 : memref<1x6400xi32, #tpu.memory_space<vmem>> -> memref<6400xi32, #tpu.memory_space<vmem>>
      %gather3A_390 = tpu.vector_load_idx %gather3A_389[%add3A_385] : memref<6400xi32, #tpu.memory_space<vmem>>[vector<16xi32>], vector<16xi32>,
      %max3A_391 = arith.constant 0 : i32
      %max3A_392 = vector.broadcast %max3A_391 : i32 to vector<16xi32>
      %max3A_393 = arith.maxsi %gather3A_390, %max3A_392 : vector<16xi32>
      %shift_right_arithmetic3A_394 = arith.constant 3 : i32
      %shift_right_arithmetic3A_395 = vector.broadcast %shift_right_arithmetic3A_394 : i32 to vector<16xi32>
      %shift_right_arithmetic3A_396 = arith.shrsi %max3A_393, %shift_right_arithmetic3A_395 : vector<16xi32>
      %shift_left3A_397 = arith.constant 5 : i32
      %shift_left3A_398 = vector.broadcast %shift_left3A_397 : i32 to vector<16xi32>
      %shift_left3A_399 = arith.shli %shift_right_arithmetic3A_396, %shift_left3A_398 : vector<16xi32>
      %and3A_400 = arith.constant 7 : i32
      %and3A_401 = vector.broadcast %and3A_400 : i32 to vector<16xi32>
      %and3A_402 = arith.andi %max3A_393, %and3A_401 : vector<16xi32>
      %shift_left3A_403 = arith.constant 2 : i32
      %shift_left3A_404 = vector.broadcast %shift_left3A_403 : i32 to vector<16xi32>
      %shift_left3A_405 = arith.shli %and3A_402, %shift_left3A_404 : vector<16xi32>
      %or3A_406 = arith.ori %shift_left3A_399, %shift_left3A_405 : vector<16xi32>
      %swap3A_407 = arith.constant 0 : i32
      %swap3A_408 = arith.index_cast %swap3A_407 : i32 to index
      %swap3A_409 = arith.index_cast %scan3A_328 : i32 to index
      %swap3A_410 = arith.constant 32 : index
      %swap3A_411 = tpu.vector_load %arg6[%swap3A_408, %swap3A_409, %swap3A_410] {strides = array<i32>} : memref<2x50x128xi32, #tpu.memory_space<vmem>>, vector<16xi32>,
      tpu.vector_store %arg6[%swap3A_408, %swap3A_409, %swap3A_410], %or3A_406 {strides = array<i32>} : memref<2x50x128xi32, #tpu.memory_space<vmem>>, vector<16xi32>,
      %add3A_412 = arith.constant 2400 : i32
      %add3A_413 = arith.addi %add3A_412, %scan3A_328 : i32
      %add3A_414 = vector.broadcast %add3A_413 : i32 to vector<16xi32>
      %add3A_415 = arith.addi %mul3A_6, %add3A_414 : vector<16xi32>
      %gather3A_416 = arith.constant 0 : i32
      %gather3A_417 = arith.constant 0 : i32
      %gather3A_418 = tpu.memref_slice %arg5[%gather3A_416, %gather3A_417] : memref<2x6400xi32, #tpu.memory_space<vmem>> -> memref<1x6400xi32, #tpu.memory_space<vmem>>
      %gather3A_419 = tpu.memref_squeeze %gather3A_418 : memref<1x6400xi32, #tpu.memory_space<vmem>> -> memref<6400xi32, #tpu.memory_space<vmem>>
      %gather3A_420 = tpu.vector_load_idx %gather3A_419[%add3A_415] : memref<6400xi32, #tpu.memory_space<vmem>>[vector<16xi32>], vector<16xi32>,
      %max3A_421 = arith.constant 0 : i32
      %max3A_422 = vector.broadcast %max3A_421 : i32 to vector<16xi32>
      %max3A_423 = arith.maxsi %gather3A_420, %max3A_422 : vector<16xi32>
      %shift_right_arithmetic3A_424 = arith.constant 3 : i32
      %shift_right_arithmetic3A_425 = vector.broadcast %shift_right_arithmetic3A_424 : i32 to vector<16xi32>
      %shift_right_arithmetic3A_426 = arith.shrsi %max3A_423, %shift_right_arithmetic3A_425 : vector<16xi32>
      %shift_left3A_427 = arith.constant 5 : i32
      %shift_left3A_428 = vector.broadcast %shift_left3A_427 : i32 to vector<16xi32>
      %shift_left3A_429 = arith.shli %shift_right_arithmetic3A_426, %shift_left3A_428 : vector<16xi32>
      %and3A_430 = arith.constant 7 : i32
      %and3A_431 = vector.broadcast %and3A_430 : i32 to vector<16xi32>
      %and3A_432 = arith.andi %max3A_423, %and3A_431 : vector<16xi32>
      %shift_left3A_433 = arith.constant 2 : i32
      %shift_left3A_434 = vector.broadcast %shift_left3A_433 : i32 to vector<16xi32>
      %shift_left3A_435 = arith.shli %and3A_432, %shift_left3A_434 : vector<16xi32>
      %or3A_436 = arith.ori %shift_left3A_429, %shift_left3A_435 : vector<16xi32>
      %swap3A_437 = arith.constant 0 : i32
      %swap3A_438 = arith.index_cast %swap3A_437 : i32 to index
      %swap3A_439 = arith.index_cast %scan3A_328 : i32 to index
      %swap3A_440 = arith.constant 48 : index
      %swap3A_441 = tpu.vector_load %arg6[%swap3A_438, %swap3A_439, %swap3A_440] {strides = array<i32>} : memref<2x50x128xi32, #tpu.memory_space<vmem>>, vector<16xi32>,
      tpu.vector_store %arg6[%swap3A_438, %swap3A_439, %swap3A_440], %or3A_436 {strides = array<i32>} : memref<2x50x128xi32, #tpu.memory_space<vmem>>, vector<16xi32>,
      %add3A_442 = arith.constant 3200 : i32
      %add3A_443 = arith.addi %add3A_442, %scan3A_328 : i32
      %add3A_444 = vector.broadcast %add3A_443 : i32 to vector<16xi32>
      %add3A_445 = arith.addi %mul3A_6, %add3A_444 : vector<16xi32>
      %gather3A_446 = arith.constant 0 : i32
      %gather3A_447 = arith.constant 0 : i32
      %gather3A_448 = tpu.memref_slice %arg5[%gather3A_446, %gather3A_447] : memref<2x6400xi32, #tpu.memory_space<vmem>> -> memref<1x6400xi32, #tpu.memory_space<vmem>>
      %gather3A_449 = tpu.memref_squeeze %gather3A_448 : memref<1x6400xi32, #tpu.memory_space<vmem>> -> memref<6400xi32, #tpu.memory_space<vmem>>
      %gather3A_450 = tpu.vector_load_idx %gather3A_449[%add3A_445] : memref<6400xi32, #tpu.memory_space<vmem>>[vector<16xi32>], vector<16xi32>,
      %max3A_451 = arith.constant 0 : i32
      %max3A_452 = vector.broadcast %max3A_451 : i32 to vector<16xi32>
      %max3A_453 = arith.maxsi %gather3A_450, %max3A_452 : vector<16xi32>
      %shift_right_arithmetic3A_454 = arith.constant 3 : i32
      %shift_right_arithmetic3A_455 = vector.broadcast %shift_right_arithmetic3A_454 : i32 to vector<16xi32>
      %shift_right_arithmetic3A_456 = arith.shrsi %max3A_453, %shift_right_arithmetic3A_455 : vector<16xi32>
      %shift_left3A_457 = arith.constant 5 : i32
      %shift_left3A_458 = vector.broadcast %shift_left3A_457 : i32 to vector<16xi32>
      %shift_left3A_459 = arith.shli %shift_right_arithmetic3A_456, %shift_left3A_458 : vector<16xi32>
      %and3A_460 = arith.constant 7 : i32
      %and3A_461 = vector.broadcast %and3A_460 : i32 to vector<16xi32>
      %and3A_462 = arith.andi %max3A_453, %and3A_461 : vector<16xi32>
      %shift_left3A_463 = arith.constant 2 : i32
      %shift_left3A_464 = vector.broadcast %shift_left3A_463 : i32 to vector<16xi32>
      %shift_left3A_465 = arith.shli %and3A_462, %shift_left3A_464 : vector<16xi32>
      %or3A_466 = arith.ori %shift_left3A_459, %shift_left3A_465 : vector<16xi32>
      %swap3A_467 = arith.constant 0 : i32
      %swap3A_468 = arith.index_cast %swap3A_467 : i32 to index
      %swap3A_469 = arith.index_cast %scan3A_328 : i32 to index
      %swap3A_470 = arith.constant 64 : index
      %swap3A_471 = tpu.vector_load %arg6[%swap3A_468, %swap3A_469, %swap3A_470] {strides = array<i32>} : memref<2x50x128xi32, #tpu.memory_space<vmem>>, vector<16xi32>,
      tpu.vector_store %arg6[%swap3A_468, %swap3A_469, %swap3A_470], %or3A_466 {strides = array<i32>} : memref<2x50x128xi32, #tpu.memory_space<vmem>>, vector<16xi32>,
      %add3A_472 = arith.constant 4000 : i32
      %add3A_473 = arith.addi %add3A_472, %scan3A_328 : i32
      %add3A_474 = vector.broadcast %add3A_473 : i32 to vector<16xi32>
      %add3A_475 = arith.addi %mul3A_6, %add3A_474 : vector<16xi32>
      %gather3A_476 = arith.constant 0 : i32
      %gather3A_477 = arith.constant 0 : i32
      %gather3A_478 = tpu.memref_slice %arg5[%gather3A_476, %gather3A_477] : memref<2x6400xi32, #tpu.memory_space<vmem>> -> memref<1x6400xi32, #tpu.memory_space<vmem>>
      %gather3A_479 = tpu.memref_squeeze %gather3A_478 : memref<1x6400xi32, #tpu.memory_space<vmem>> -> memref<6400xi32, #tpu.memory_space<vmem>>
      %gather3A_480 = tpu.vector_load_idx %gather3A_479[%add3A_475] : memref<6400xi32, #tpu.memory_space<vmem>>[vector<16xi32>], vector<16xi32>,
      %max3A_481 = arith.constant 0 : i32
      %max3A_482 = vector.broadcast %max3A_481 : i32 to vector<16xi32>
      %max3A_483 = arith.maxsi %gather3A_480, %max3A_482 : vector<16xi32>
      %shift_right_arithmetic3A_484 = arith.constant 3 : i32
      %shift_right_arithmetic3A_485 = vector.broadcast %shift_right_arithmetic3A_484 : i32 to vector<16xi32>
      %shift_right_arithmetic3A_486 = arith.shrsi %max3A_483, %shift_right_arithmetic3A_485 : vector<16xi32>
      %shift_left3A_487 = arith.constant 5 : i32
      %shift_left3A_488 = vector.broadcast %shift_left3A_487 : i32 to vector<16xi32>
      %shift_left3A_489 = arith.shli %shift_right_arithmetic3A_486, %shift_left3A_488 : vector<16xi32>
      %and3A_490 = arith.constant 7 : i32
      %and3A_491 = vector.broadcast %and3A_490 : i32 to vector<16xi32>
      %and3A_492 = arith.andi %max3A_483, %and3A_491 : vector<16xi32>
      %shift_left3A_493 = arith.constant 2 : i32
      %shift_left3A_494 = vector.broadcast %shift_left3A_493 : i32 to vector<16xi32>
      %shift_left3A_495 = arith.shli %and3A_492, %shift_left3A_494 : vector<16xi32>
      %or3A_496 = arith.ori %shift_left3A_489, %shift_left3A_495 : vector<16xi32>
      %swap3A_497 = arith.constant 0 : i32
      %swap3A_498 = arith.index_cast %swap3A_497 : i32 to index
      %swap3A_499 = arith.index_cast %scan3A_328 : i32 to index
      %swap3A_500 = arith.constant 80 : index
      %swap3A_501 = tpu.vector_load %arg6[%swap3A_498, %swap3A_499, %swap3A_500] {strides = array<i32>} : memref<2x50x128xi32, #tpu.memory_space<vmem>>, vector<16xi32>,
      tpu.vector_store %arg6[%swap3A_498, %swap3A_499, %swap3A_500], %or3A_496 {strides = array<i32>} : memref<2x50x128xi32, #tpu.memory_space<vmem>>, vector<16xi32>,
      %add3A_502 = arith.constant 4800 : i32
      %add3A_503 = arith.addi %add3A_502, %scan3A_328 : i32
      %add3A_504 = vector.broadcast %add3A_503 : i32 to vector<16xi32>
      %add3A_505 = arith.addi %mul3A_6, %add3A_504 : vector<16xi32>
      %gather3A_506 = arith.constant 0 : i32
      %gather3A_507 = arith.constant 0 : i32
      %gather3A_508 = tpu.memref_slice %arg5[%gather3A_506, %gather3A_507] : memref<2x6400xi32, #tpu.memory_space<vmem>> -> memref<1x6400xi32, #tpu.memory_space<vmem>>
      %gather3A_509 = tpu.memref_squeeze %gather3A_508 : memref<1x6400xi32, #tpu.memory_space<vmem>> -> memref<6400xi32, #tpu.memory_space<vmem>>
      %gather3A_510 = tpu.vector_load_idx %gather3A_509[%add3A_505] : memref<6400xi32, #tpu.memory_space<vmem>>[vector<16xi32>], vector<16xi32>,
      %max3A_511 = arith.constant 0 : i32
      %max3A_512 = vector.broadcast %max3A_511 : i32 to vector<16xi32>
      %max3A_513 = arith.maxsi %gather3A_510, %max3A_512 : vector<16xi32>
      %shift_right_arithmetic3A_514 = arith.constant 3 : i32
      %shift_right_arithmetic3A_515 = vector.broadcast %shift_right_arithmetic3A_514 : i32 to vector<16xi32>
      %shift_right_arithmetic3A_516 = arith.shrsi %max3A_513, %shift_right_arithmetic3A_515 : vector<16xi32>
      %shift_left3A_517 = arith.constant 5 : i32
      %shift_left3A_518 = vector.broadcast %shift_left3A_517 : i32 to vector<16xi32>
      %shift_left3A_519 = arith.shli %shift_right_arithmetic3A_516, %shift_left3A_518 : vector<16xi32>
      %and3A_520 = arith.constant 7 : i32
      %and3A_521 = vector.broadcast %and3A_520 : i32 to vector<16xi32>
      %and3A_522 = arith.andi %max3A_513, %and3A_521 : vector<16xi32>
      %shift_left3A_523 = arith.constant 2 : i32
      %shift_left3A_524 = vector.broadcast %shift_left3A_523 : i32 to vector<16xi32>
      %shift_left3A_525 = arith.shli %and3A_522, %shift_left3A_524 : vector<16xi32>
      %or3A_526 = arith.ori %shift_left3A_519, %shift_left3A_525 : vector<16xi32>
      %swap3A_527 = arith.constant 0 : i32
      %swap3A_528 = arith.index_cast %swap3A_527 : i32 to index
      %swap3A_529 = arith.index_cast %scan3A_328 : i32 to index
      %swap3A_530 = arith.constant 96 : index
      %swap3A_531 = tpu.vector_load %arg6[%swap3A_528, %swap3A_529, %swap3A_530] {strides = array<i32>} : memref<2x50x128xi32, #tpu.memory_space<vmem>>, vector<16xi32>,
      tpu.vector_store %arg6[%swap3A_528, %swap3A_529, %swap3A_530], %or3A_526 {strides = array<i32>} : memref<2x50x128xi32, #tpu.memory_space<vmem>>, vector<16xi32>,
      %add3A_532 = arith.constant 5600 : i32
      %add3A_533 = arith.addi %add3A_532, %scan3A_328 : i32
      %add3A_534 = vector.broadcast %add3A_533 : i32 to vector<16xi32>
      %add3A_535 = arith.addi %mul3A_6, %add3A_534 : vector<16xi32>
      %gather3A_536 = arith.constant 0 : i32
      %gather3A_537 = arith.constant 0 : i32
      %gather3A_538 = tpu.memref_slice %arg5[%gather3A_536, %gather3A_537] : memref<2x6400xi32, #tpu.memory_space<vmem>> -> memref<1x6400xi32, #tpu.memory_space<vmem>>
      %gather3A_539 = tpu.memref_squeeze %gather3A_538 : memref<1x6400xi32, #tpu.memory_space<vmem>> -> memref<6400xi32, #tpu.memory_space<vmem>>
      %gather3A_540 = tpu.vector_load_idx %gather3A_539[%add3A_535] : memref<6400xi32, #tpu.memory_space<vmem>>[vector<16xi32>], vector<16xi32>,
      %max3A_541 = arith.constant 0 : i32
      %max3A_542 = vector.broadcast %max3A_541 : i32 to vector<16xi32>
      %max3A_543 = arith.maxsi %gather3A_540, %max3A_542 : vector<16xi32>
      %shift_right_arithmetic3A_544 = arith.constant 3 : i32
      %shift_right_arithmetic3A_545 = vector.broadcast %shift_right_arithmetic3A_544 : i32 to vector<16xi32>
      %shift_right_arithmetic3A_546 = arith.shrsi %max3A_543, %shift_right_arithmetic3A_545 : vector<16xi32>
      %shift_left3A_547 = arith.constant 5 : i32
      %shift_left3A_548 = vector.broadcast %shift_left3A_547 : i32 to vector<16xi32>
      %shift_left3A_549 = arith.shli %shift_right_arithmetic3A_546, %shift_left3A_548 : vector<16xi32>
      %and3A_550 = arith.constant 7 : i32
      %and3A_551 = vector.broadcast %and3A_550 : i32 to vector<16xi32>
      %and3A_552 = arith.andi %max3A_543, %and3A_551 : vector<16xi32>
      %shift_left3A_553 = arith.constant 2 : i32
      %shift_left3A_554 = vector.broadcast %shift_left3A_553 : i32 to vector<16xi32>
      %shift_left3A_555 = arith.shli %and3A_552, %shift_left3A_554 : vector<16xi32>
      %or3A_556 = arith.ori %shift_left3A_549, %shift_left3A_555 : vector<16xi32>
      %swap3A_557 = arith.constant 0 : i32
      %swap3A_558 = arith.index_cast %swap3A_557 : i32 to index
      %swap3A_559 = arith.index_cast %scan3A_328 : i32 to index
      %swap3A_560 = arith.constant 112 : index
      %swap3A_561 = tpu.vector_load %arg6[%swap3A_558, %swap3A_559, %swap3A_560] {strides = array<i32>} : memref<2x50x128xi32, #tpu.memory_space<vmem>>, vector<16xi32>,
      tpu.vector_store %arg6[%swap3A_558, %swap3A_559, %swap3A_560], %or3A_556 {strides = array<i32>} : memref<2x50x128xi32, #tpu.memory_space<vmem>>, vector<16xi32>,
    }
    %scan3A_139 = arith.constant 50 : i32
    %add3A_140 = arith.constant 384 : i32
    %add3A_141 = arith.addi %mul3A_2, %add3A_140 : i32
    %mul3A_142 = arith.constant 50 : i32
    %mul3A_143 = arith.muli %add3A_141, %mul3A_142 : i32
    %dma_start3A_144 = arith.constant 1 : i32
    %dma_start3A_145 = arith.constant 0 : i32
    %dma_start3A_146 = tpu.memref_slice %arg5[%dma_start3A_144, %dma_start3A_145] : memref<2x6400xi32, #tpu.memory_space<vmem>> -> memref<1x6400xi32, #tpu.memory_space<vmem>>
    %dma_start3A_147 = tpu.memref_squeeze %dma_start3A_146 : memref<1x6400xi32, #tpu.memory_space<vmem>> -> memref<6400xi32, #tpu.memory_space<vmem>>
    %dma_start3A_148 = tpu.memref_slice %arg2[%mul3A_143] : memref<819200xi32, #tpu.memory_space<hbm>> -> memref<6400xi32, #tpu.memory_space<hbm>>
    %dma_start3A_149 = arith.constant 0 : i32
    %dma_start3A_150 = tpu.memref_slice %arg5[%dma_start3A_144, %dma_start3A_149] : memref<2x6400xi32, #tpu.memory_space<vmem>> -> memref<1x6400xi32, #tpu.memory_space<vmem>>
    %dma_start3A_151 = tpu.memref_squeeze %dma_start3A_150 : memref<1x6400xi32, #tpu.memory_space<vmem>> -> memref<6400xi32, #tpu.memory_space<vmem>>
    %dma_start3A_152 = tpu.memref_slice %arg2[%mul3A_143] : memref<819200xi32, #tpu.memory_space<hbm>> -> memref<6400xi32, #tpu.memory_space<hbm>>
    tpu.enqueue_dma source(%dma_start3A_152 : memref<6400xi32, #tpu.memory_space<hbm>>) target(%dma_start3A_151 : memref<6400xi32, #tpu.memory_space<vmem>>) target_semaphore(%arg8 : memref<!tpu.dma_semaphore, #tpu.memory_space<semaphore_mem>>)
    %dma_wait3A_153 = arith.constant 0 : i32
    %dma_wait3A_154 = arith.constant 0 : i32
    %dma_wait3A_155 = arith.constant 0 : i32
    %dma_wait3A_156 = tpu.memref_slice %arg7[%dma_wait3A_153, %dma_wait3A_154, %dma_wait3A_155] : memref<2x128x32xf32, #tpu.memory_space<vmem>> -> memref<1x128x32xf32, #tpu.memory_space<vmem>>
    %dma_wait3A_157 = tpu.memref_squeeze %dma_wait3A_156 : memref<1x128x32xf32, #tpu.memory_space<vmem>> -> memref<128x32xf32, #tpu.memory_space<vmem>>
    %dma_wait3A_158 = arith.constant 0 : i32
    %dma_wait3A_159 = tpu.memref_slice %arg4[%add3A_111, %dma_wait3A_158] : memref<16384x32xf32, #tpu.memory_space<hbm>> -> memref<128x32xf32, #tpu.memory_space<hbm>>
    %dma_wait3A_160 = arith.constant 0 : i32
    %dma_wait3A_161 = tpu.memref_slice %arg4[%add3A_111, %dma_wait3A_160] : memref<16384x32xf32, #tpu.memory_space<hbm>> -> memref<128x32xf32, #tpu.memory_space<hbm>>
    %dma_wait3A_162 = arith.constant 0 : i32
    %dma_wait3A_163 = arith.constant 0 : i32
    %dma_wait3A_164 = tpu.memref_slice %arg7[%dma_wait3A_153, %dma_wait3A_162, %dma_wait3A_163] : memref<2x128x32xf32, #tpu.memory_space<vmem>> -> memref<1x128x32xf32, #tpu.memory_space<vmem>>
    %dma_wait3A_165 = tpu.memref_squeeze %dma_wait3A_164 : memref<1x128x32xf32, #tpu.memory_space<vmem>> -> memref<128x32xf32, #tpu.memory_space<vmem>>
    tpu.wait_dma2 semaphore(%arg11 : memref<!tpu.dma_semaphore, #tpu.memory_space<semaphore_mem>>) src(%dma_wait3A_165 : memref<128x32xf32, #tpu.memory_space<vmem>>) dst(%dma_wait3A_161 : memref<128x32xf32, #tpu.memory_space<hbm>>)
    %scan3A_166 = arith.constant 0 : i32
    %scan3A_167 = arith.constant 0 : i32
    %scan3A_168 = arith.constant 128 : i32
    %scan3A_169 = arith.addi %scan3A_167, %scan3A_168 : i32
    %scan3A_170 = arith.constant 1 : i32
    scf.for %scan3A_328 = %scan3A_167 to %scan3A_169 step %scan3A_170  : i32 {
      %swap3A = arith.constant 0 : i32
      %swap3A_329 = arith.index_cast %swap3A : i32 to index
      %swap3A_330 = arith.index_cast %scan3A_328 : i32 to index
      %swap3A_331 = arith.constant 0 : index
      %swap3A_332 = tpu.vector_load %arg7[%swap3A_329, %swap3A_330, %swap3A_331] {strides = array<i32>} : memref<2x128x32xf32, #tpu.memory_space<vmem>>, vector<16xf32>,
      tpu.vector_store %arg7[%swap3A_329, %swap3A_330, %swap3A_331], %broadcast_in_dim3A_3 {strides = array<i32>} : memref<2x128x32xf32, #tpu.memory_space<vmem>>, vector<16xf32>,
      %swap3A_333 = arith.constant 0 : i32
      %swap3A_334 = arith.index_cast %swap3A_333 : i32 to index
      %swap3A_335 = arith.index_cast %scan3A_328 : i32 to index
      %swap3A_336 = arith.constant 16 : index
      %swap3A_337 = tpu.vector_load %arg7[%swap3A_334, %swap3A_335, %swap3A_336] {strides = array<i32>} : memref<2x128x32xf32, #tpu.memory_space<vmem>>, vector<16xf32>,
      tpu.vector_store %arg7[%swap3A_334, %swap3A_335, %swap3A_336], %broadcast_in_dim3A_3 {strides = array<i32>} : memref<2x128x32xf32, #tpu.memory_space<vmem>>, vector<16xf32>,
    }
    %scan3A_171 = arith.constant 128 : i32
    %scan3A_172 = arith.constant 0 : i32
    %scan3A_173 = arith.constant 0 : i32
    %scan3A_174 = arith.constant 50 : i32
    %scan3A_175 = arith.addi %scan3A_173, %scan3A_174 : i32
    %scan3A_176 = arith.constant 1 : i32
    scf.for %scan3A_328 = %scan3A_173 to %scan3A_175 step %scan3A_176  : i32 {
      %dma_start3A_329 = arith.constant 0 : i32
      %dma_start3A_330 = arith.constant 0 : i32
      %dma_start3A_331 = arith.constant 0 : i32
      %dma_start3A_332 = arith.constant 0 : i32
      %dma_start3A_333 = tpu.memref_slice %arg7[%dma_start3A_330, %dma_start3A_331, %dma_start3A_332] : memref<2x128x32xf32, #tpu.memory_space<vmem>> -> memref<1x128x32xf32, #tpu.memory_space<vmem>>
      %dma_start3A_334 = tpu.memref_squeeze %dma_start3A_333 : memref<1x128x32xf32, #tpu.memory_space<vmem>> -> memref<128x32xf32, #tpu.memory_space<vmem>>
      %dma_start3A_335 = arith.constant 0 : i32
      %dma_start3A_336 = tpu.memref_slice %arg6[%dma_start3A_329, %scan3A_328, %dma_start3A_335] : memref<2x50x128xi32, #tpu.memory_space<vmem>> -> memref<1x1x128xi32, #tpu.memory_space<vmem>>
      %dma_start3A_337 = tpu.memref_squeeze %dma_start3A_336 : memref<1x1x128xi32, #tpu.memory_space<vmem>> -> memref<128xi32, #tpu.memory_space<vmem>>
      %dma_start3A_338 = arith.constant 0 : i32
      %dma_start3A_339 = arith.constant 0 : i32
      %dma_start3A_340 = tpu.memref_slice %arg3[%dma_start3A_338, %dma_start3A_339] : memref<4000000x32xf32, #tpu.memory_space<hbm>> -> memref<4000000x32xf32, #tpu.memory_space<hbm>>
      tpu.enqueue_indirect_dma source(%dma_start3A_340 : memref<4000000x32xf32, #tpu.memory_space<hbm>>) target(%dma_start3A_334 : memref<128x32xf32, #tpu.memory_space<vmem>>) offsets(%dma_start3A_337 : memref<128xi32, #tpu.memory_space<vmem>>) semaphore(%arg9 : memref<!tpu.dma_semaphore, #tpu.memory_space<semaphore_mem>>) {add = true}
    }
    %scan3A_177 = arith.constant 50 : i32
    %scan3A_178 = arith.constant 0 : i32
    %scan3A_179 = arith.constant 0 : i32
    %scan3A_180 = arith.constant 50 : i32
    %scan3A_181 = arith.addi %scan3A_179, %scan3A_180 : i32
    %scan3A_182 = arith.constant 1 : i32
    scf.for %scan3A_328 = %scan3A_179 to %scan3A_181 step %scan3A_182  : i32 {
      %dma_wait3A_329 = arith.constant 1 : i32
      %dma_wait3A_330 = arith.constant 1 : i32
      %dma_wait3A_331 = arith.constant 0 : i32
      %dma_wait3A_332 = arith.constant 0 : i32
      %dma_wait3A_333 = tpu.memref_slice %arg7[%dma_wait3A_330, %dma_wait3A_331, %dma_wait3A_332] : memref<2x128x32xf32, #tpu.memory_space<vmem>> -> memref<1x128x32xf32, #tpu.memory_space<vmem>>
      %dma_wait3A_334 = tpu.memref_squeeze %dma_wait3A_333 : memref<1x128x32xf32, #tpu.memory_space<vmem>> -> memref<128x32xf32, #tpu.memory_space<vmem>>
      %dma_wait3A_335 = arith.constant 0 : i32
      %dma_wait3A_336 = tpu.memref_slice %arg6[%dma_wait3A_329, %scan3A_328, %dma_wait3A_335] : memref<2x50x128xi32, #tpu.memory_space<vmem>> -> memref<1x1x128xi32, #tpu.memory_space<vmem>>
      %dma_wait3A_337 = tpu.memref_squeeze %dma_wait3A_336 : memref<1x1x128xi32, #tpu.memory_space<vmem>> -> memref<128xi32, #tpu.memory_space<vmem>>
      %dma_wait3A_338 = arith.constant 0 : i32
      %dma_wait3A_339 = arith.constant 0 : i32
      %dma_wait3A_340 = tpu.memref_slice %arg3[%dma_wait3A_338, %dma_wait3A_339] : memref<4000000x32xf32, #tpu.memory_space<hbm>> -> memref<4000000x32xf32, #tpu.memory_space<hbm>>
      tpu.wait_indirect_dma semaphore(%arg10 : memref<!tpu.dma_semaphore, #tpu.memory_space<semaphore_mem>>) src(%dma_wait3A_340 : memref<4000000x32xf32, #tpu.memory_space<hbm>>) dst(%dma_wait3A_334 : memref<128x32xf32, #tpu.memory_space<vmem>>)
    }
    %scan3A_183 = arith.constant 50 : i32
    %scan3A_184 = arith.constant 0 : i32
    %scan3A_185 = arith.constant 2.000000e-02 : f32
    %scan3A_186 = arith.constant 0 : i32
    %scan3A_187 = arith.constant 128 : i32
    %scan3A_188 = arith.addi %scan3A_186, %scan3A_187 : i32
    %scan3A_189 = arith.constant 1 : i32
    scf.for %scan3A_328 = %scan3A_186 to %scan3A_188 step %scan3A_189  : i32 {
      %get3A = arith.constant 1 : i32
      %get3A_329 = arith.index_cast %get3A : i32 to index
      %get3A_330 = arith.index_cast %scan3A_328 : i32 to index
      %get3A_331 = arith.constant 0 : index
      %get3A_332 = tpu.vector_load %arg7[%get3A_329, %get3A_330, %get3A_331] {strides = array<i32>} : memref<2x128x32xf32, #tpu.memory_space<vmem>>, vector<16xf32>,
      %mul3A_333 = vector.broadcast %scan3A_185 : f32 to vector<16xf32>
      %mul3A_334 = arith.mulf %get3A_332, %mul3A_333 : vector<16xf32>
      %swap3A = arith.constant 1 : i32
      %swap3A_335 = arith.index_cast %swap3A : i32 to index
      %swap3A_336 = arith.index_cast %scan3A_328 : i32 to index
      %swap3A_337 = arith.constant 0 : index
      %swap3A_338 = tpu.vector_load %arg7[%swap3A_335, %swap3A_336, %swap3A_337] {strides = array<i32>} : memref<2x128x32xf32, #tpu.memory_space<vmem>>, vector<16xf32>,
      tpu.vector_store %arg7[%swap3A_335, %swap3A_336, %swap3A_337], %mul3A_334 {strides = array<i32>} : memref<2x128x32xf32, #tpu.memory_space<vmem>>, vector<16xf32>,
      %get3A_339 = arith.constant 1 : i32
      %get3A_340 = arith.index_cast %get3A_339 : i32 to index
      %get3A_341 = arith.index_cast %scan3A_328 : i32 to index
      %get3A_342 = arith.constant 16 : index
      %get3A_343 = tpu.vector_load %arg7[%get3A_340, %get3A_341, %get3A_342] {strides = array<i32>} : memref<2x128x32xf32, #tpu.memory_space<vmem>>, vector<16xf32>,
      %mul3A_344 = vector.broadcast %scan3A_185 : f32 to vector<16xf32>
      %mul3A_345 = arith.mulf %get3A_343, %mul3A_344 : vector<16xf32>
      %swap3A_346 = arith.constant 1 : i32
      %swap3A_347 = arith.index_cast %swap3A_346 : i32 to index
      %swap3A_348 = arith.index_cast %scan3A_328 : i32 to index
      %swap3A_349 = arith.constant 16 : index
      %swap3A_350 = tpu.vector_load %arg7[%swap3A_347, %swap3A_348, %swap3A_349] {strides = array<i32>} : memref<2x128x32xf32, #tpu.memory_space<vmem>>, vector<16xf32>,
      tpu.vector_store %arg7[%swap3A_347, %swap3A_348, %swap3A_349], %mul3A_345 {strides = array<i32>} : memref<2x128x32xf32, #tpu.memory_space<vmem>>, vector<16xf32>,
    }
    %scan3A_190 = arith.constant 128 : i32
    %add3A_191 = arith.constant 128 : i32
    %add3A_192 = arith.addi %mul3A_2, %add3A_191 : i32
    %dma_start3A_193 = arith.constant 1 : i32
    %dma_start3A_194 = arith.constant 0 : i32
    %dma_start3A_195 = arith.constant 0 : i32
    %dma_start3A_196 = tpu.memref_slice %arg7[%dma_start3A_193, %dma_start3A_194, %dma_start3A_195] : memref<2x128x32xf32, #tpu.memory_space<vmem>> -> memref<1x128x32xf32, #tpu.memory_space<vmem>>
    %dma_start3A_197 = tpu.memref_squeeze %dma_start3A_196 : memref<1x128x32xf32, #tpu.memory_space<vmem>> -> memref<128x32xf32, #tpu.memory_space<vmem>>
    %dma_start3A_198 = arith.constant 0 : i32
    %dma_start3A_199 = tpu.memref_slice %arg4[%add3A_192, %dma_start3A_198] : memref<16384x32xf32, #tpu.memory_space<hbm>> -> memref<128x32xf32, #tpu.memory_space<hbm>>
    %dma_start3A_200 = arith.constant 0 : i32
    %dma_start3A_201 = tpu.memref_slice %arg4[%add3A_192, %dma_start3A_200] : memref<16384x32xf32, #tpu.memory_space<hbm>> -> memref<128x32xf32, #tpu.memory_space<hbm>>
    %dma_start3A_202 = arith.constant 0 : i32
    %dma_start3A_203 = arith.constant 0 : i32
    %dma_start3A_204 = tpu.memref_slice %arg7[%dma_start3A_193, %dma_start3A_202, %dma_start3A_203] : memref<2x128x32xf32, #tpu.memory_space<vmem>> -> memref<1x128x32xf32, #tpu.memory_space<vmem>>
    %dma_start3A_205 = tpu.memref_squeeze %dma_start3A_204 : memref<1x128x32xf32, #tpu.memory_space<vmem>> -> memref<128x32xf32, #tpu.memory_space<vmem>>
    tpu.enqueue_dma source(%dma_start3A_205 : memref<128x32xf32, #tpu.memory_space<vmem>>) target(%dma_start3A_201 : memref<128x32xf32, #tpu.memory_space<hbm>>) target_semaphore(%arg12 : memref<!tpu.dma_semaphore, #tpu.memory_space<semaphore_mem>>)
    %dma_wait3A_206 = arith.constant 1 : i32
    %dma_wait3A_207 = arith.constant 0 : i32
    %dma_wait3A_208 = tpu.memref_slice %arg5[%dma_wait3A_206, %dma_wait3A_207] : memref<2x6400xi32, #tpu.memory_space<vmem>> -> memref<1x6400xi32, #tpu.memory_space<vmem>>
    %dma_wait3A_209 = tpu.memref_squeeze %dma_wait3A_208 : memref<1x6400xi32, #tpu.memory_space<vmem>> -> memref<6400xi32, #tpu.memory_space<vmem>>
    %dma_wait3A_210 = tpu.memref_slice %arg2[%mul3A_143] : memref<819200xi32, #tpu.memory_space<hbm>> -> memref<6400xi32, #tpu.memory_space<hbm>>
    %dma_wait3A_211 = arith.constant 0 : i32
    %dma_wait3A_212 = tpu.memref_slice %arg5[%dma_wait3A_206, %dma_wait3A_211] : memref<2x6400xi32, #tpu.memory_space<vmem>> -> memref<1x6400xi32, #tpu.memory_space<vmem>>
    %dma_wait3A_213 = tpu.memref_squeeze %dma_wait3A_212 : memref<1x6400xi32, #tpu.memory_space<vmem>> -> memref<6400xi32, #tpu.memory_space<vmem>>
    %dma_wait3A_214 = tpu.memref_slice %arg2[%mul3A_143] : memref<819200xi32, #tpu.memory_space<hbm>> -> memref<6400xi32, #tpu.memory_space<hbm>>
    tpu.wait_dma2 semaphore(%arg8 : memref<!tpu.dma_semaphore, #tpu.memory_space<semaphore_mem>>) src(%dma_wait3A_214 : memref<6400xi32, #tpu.memory_space<hbm>>) dst(%dma_wait3A_213 : memref<6400xi32, #tpu.memory_space<vmem>>)
    %scan3A_215 = arith.constant 0 : i32
    %scan3A_216 = arith.constant 0 : i32
    %scan3A_217 = arith.constant 50 : i32
    %scan3A_218 = arith.addi %scan3A_216, %scan3A_217 : i32
    %scan3A_219 = arith.constant 1 : i32
    scf.for %scan3A_328 = %scan3A_216 to %scan3A_218 step %scan3A_219  : i32 {
      %add3A_329 = arith.constant 0 : i32
      %add3A_330 = arith.addi %add3A_329, %scan3A_328 : i32
      %add3A_331 = vector.broadcast %add3A_330 : i32 to vector<16xi32>
      %add3A_332 = arith.addi %mul3A_6, %add3A_331 : vector<16xi32>
      %gather3A = arith.constant 1 : i32
      %gather3A_333 = arith.constant 0 : i32
      %gather3A_334 = tpu.memref_slice %arg5[%gather3A, %gather3A_333] : memref<2x6400xi32, #tpu.memory_space<vmem>> -> memref<1x6400xi32, #tpu.memory_space<vmem>>
      %gather3A_335 = tpu.memref_squeeze %gather3A_334 : memref<1x6400xi32, #tpu.memory_space<vmem>> -> memref<6400xi32, #tpu.memory_space<vmem>>
      %gather3A_336 = tpu.vector_load_idx %gather3A_335[%add3A_332] : memref<6400xi32, #tpu.memory_space<vmem>>[vector<16xi32>], vector<16xi32>,
      %max3A = arith.constant 0 : i32
      %max3A_337 = vector.broadcast %max3A : i32 to vector<16xi32>
      %max3A_338 = arith.maxsi %gather3A_336, %max3A_337 : vector<16xi32>
      %shift_right_arithmetic3A = arith.constant 3 : i32
      %shift_right_arithmetic3A_339 = vector.broadcast %shift_right_arithmetic3A : i32 to vector<16xi32>
      %shift_right_arithmetic3A_340 = arith.shrsi %max3A_338, %shift_right_arithmetic3A_339 : vector<16xi32>
      %shift_left3A = arith.constant 5 : i32
      %shift_left3A_341 = vector.broadcast %shift_left3A : i32 to vector<16xi32>
      %shift_left3A_342 = arith.shli %shift_right_arithmetic3A_340, %shift_left3A_341 : vector<16xi32>
      %and3A = arith.constant 7 : i32
      %and3A_343 = vector.broadcast %and3A : i32 to vector<16xi32>
      %and3A_344 = arith.andi %max3A_338, %and3A_343 : vector<16xi32>
      %shift_left3A_345 = arith.constant 2 : i32
      %shift_left3A_346 = vector.broadcast %shift_left3A_345 : i32 to vector<16xi32>
      %shift_left3A_347 = arith.shli %and3A_344, %shift_left3A_346 : vector<16xi32>
      %or3A = arith.ori %shift_left3A_342, %shift_left3A_347 : vector<16xi32>
      %swap3A = arith.constant 1 : i32
      %swap3A_348 = arith.index_cast %swap3A : i32 to index
      %swap3A_349 = arith.index_cast %scan3A_328 : i32 to index
      %swap3A_350 = arith.constant 0 : index
      %swap3A_351 = tpu.vector_load %arg6[%swap3A_348, %swap3A_349, %swap3A_350] {strides = array<i32>} : memref<2x50x128xi32, #tpu.memory_space<vmem>>, vector<16xi32>,
      tpu.vector_store %arg6[%swap3A_348, %swap3A_349, %swap3A_350], %or3A {strides = array<i32>} : memref<2x50x128xi32, #tpu.memory_space<vmem>>, vector<16xi32>,
      %add3A_352 = arith.constant 800 : i32
      %add3A_353 = arith.addi %add3A_352, %scan3A_328 : i32
      %add3A_354 = vector.broadcast %add3A_353 : i32 to vector<16xi32>
      %add3A_355 = arith.addi %mul3A_6, %add3A_354 : vector<16xi32>
      %gather3A_356 = arith.constant 1 : i32
      %gather3A_357 = arith.constant 0 : i32
      %gather3A_358 = tpu.memref_slice %arg5[%gather3A_356, %gather3A_357] : memref<2x6400xi32, #tpu.memory_space<vmem>> -> memref<1x6400xi32, #tpu.memory_space<vmem>>
      %gather3A_359 = tpu.memref_squeeze %gather3A_358 : memref<1x6400xi32, #tpu.memory_space<vmem>> -> memref<6400xi32, #tpu.memory_space<vmem>>
      %gather3A_360 = tpu.vector_load_idx %gather3A_359[%add3A_355] : memref<6400xi32, #tpu.memory_space<vmem>>[vector<16xi32>], vector<16xi32>,
      %max3A_361 = arith.constant 0 : i32
      %max3A_362 = vector.broadcast %max3A_361 : i32 to vector<16xi32>
      %max3A_363 = arith.maxsi %gather3A_360, %max3A_362 : vector<16xi32>
      %shift_right_arithmetic3A_364 = arith.constant 3 : i32
      %shift_right_arithmetic3A_365 = vector.broadcast %shift_right_arithmetic3A_364 : i32 to vector<16xi32>
      %shift_right_arithmetic3A_366 = arith.shrsi %max3A_363, %shift_right_arithmetic3A_365 : vector<16xi32>
      %shift_left3A_367 = arith.constant 5 : i32
      %shift_left3A_368 = vector.broadcast %shift_left3A_367 : i32 to vector<16xi32>
      %shift_left3A_369 = arith.shli %shift_right_arithmetic3A_366, %shift_left3A_368 : vector<16xi32>
      %and3A_370 = arith.constant 7 : i32
      %and3A_371 = vector.broadcast %and3A_370 : i32 to vector<16xi32>
      %and3A_372 = arith.andi %max3A_363, %and3A_371 : vector<16xi32>
      %shift_left3A_373 = arith.constant 2 : i32
      %shift_left3A_374 = vector.broadcast %shift_left3A_373 : i32 to vector<16xi32>
      %shift_left3A_375 = arith.shli %and3A_372, %shift_left3A_374 : vector<16xi32>
      %or3A_376 = arith.ori %shift_left3A_369, %shift_left3A_375 : vector<16xi32>
      %swap3A_377 = arith.constant 1 : i32
      %swap3A_378 = arith.index_cast %swap3A_377 : i32 to index
      %swap3A_379 = arith.index_cast %scan3A_328 : i32 to index
      %swap3A_380 = arith.constant 16 : index
      %swap3A_381 = tpu.vector_load %arg6[%swap3A_378, %swap3A_379, %swap3A_380] {strides = array<i32>} : memref<2x50x128xi32, #tpu.memory_space<vmem>>, vector<16xi32>,
      tpu.vector_store %arg6[%swap3A_378, %swap3A_379, %swap3A_380], %or3A_376 {strides = array<i32>} : memref<2x50x128xi32, #tpu.memory_space<vmem>>, vector<16xi32>,
      %add3A_382 = arith.constant 1600 : i32
      %add3A_383 = arith.addi %add3A_382, %scan3A_328 : i32
      %add3A_384 = vector.broadcast %add3A_383 : i32 to vector<16xi32>
      %add3A_385 = arith.addi %mul3A_6, %add3A_384 : vector<16xi32>
      %gather3A_386 = arith.constant 1 : i32
      %gather3A_387 = arith.constant 0 : i32
      %gather3A_388 = tpu.memref_slice %arg5[%gather3A_386, %gather3A_387] : memref<2x6400xi32, #tpu.memory_space<vmem>> -> memref<1x6400xi32, #tpu.memory_space<vmem>>
      %gather3A_389 = tpu.memref_squeeze %gather3A_388 : memref<1x6400xi32, #tpu.memory_space<vmem>> -> memref<6400xi32, #tpu.memory_space<vmem>>
      %gather3A_390 = tpu.vector_load_idx %gather3A_389[%add3A_385] : memref<6400xi32, #tpu.memory_space<vmem>>[vector<16xi32>], vector<16xi32>,
      %max3A_391 = arith.constant 0 : i32
      %max3A_392 = vector.broadcast %max3A_391 : i32 to vector<16xi32>
      %max3A_393 = arith.maxsi %gather3A_390, %max3A_392 : vector<16xi32>
      %shift_right_arithmetic3A_394 = arith.constant 3 : i32
      %shift_right_arithmetic3A_395 = vector.broadcast %shift_right_arithmetic3A_394 : i32 to vector<16xi32>
      %shift_right_arithmetic3A_396 = arith.shrsi %max3A_393, %shift_right_arithmetic3A_395 : vector<16xi32>
      %shift_left3A_397 = arith.constant 5 : i32
      %shift_left3A_398 = vector.broadcast %shift_left3A_397 : i32 to vector<16xi32>
      %shift_left3A_399 = arith.shli %shift_right_arithmetic3A_396, %shift_left3A_398 : vector<16xi32>
      %and3A_400 = arith.constant 7 : i32
      %and3A_401 = vector.broadcast %and3A_400 : i32 to vector<16xi32>
      %and3A_402 = arith.andi %max3A_393, %and3A_401 : vector<16xi32>
      %shift_left3A_403 = arith.constant 2 : i32
      %shift_left3A_404 = vector.broadcast %shift_left3A_403 : i32 to vector<16xi32>
      %shift_left3A_405 = arith.shli %and3A_402, %shift_left3A_404 : vector<16xi32>
      %or3A_406 = arith.ori %shift_left3A_399, %shift_left3A_405 : vector<16xi32>
      %swap3A_407 = arith.constant 1 : i32
      %swap3A_408 = arith.index_cast %swap3A_407 : i32 to index
      %swap3A_409 = arith.index_cast %scan3A_328 : i32 to index
      %swap3A_410 = arith.constant 32 : index
      %swap3A_411 = tpu.vector_load %arg6[%swap3A_408, %swap3A_409, %swap3A_410] {strides = array<i32>} : memref<2x50x128xi32, #tpu.memory_space<vmem>>, vector<16xi32>,
      tpu.vector_store %arg6[%swap3A_408, %swap3A_409, %swap3A_410], %or3A_406 {strides = array<i32>} : memref<2x50x128xi32, #tpu.memory_space<vmem>>, vector<16xi32>,
      %add3A_412 = arith.constant 2400 : i32
      %add3A_413 = arith.addi %add3A_412, %scan3A_328 : i32
      %add3A_414 = vector.broadcast %add3A_413 : i32 to vector<16xi32>
      %add3A_415 = arith.addi %mul3A_6, %add3A_414 : vector<16xi32>
      %gather3A_416 = arith.constant 1 : i32
      %gather3A_417 = arith.constant 0 : i32
      %gather3A_418 = tpu.memref_slice %arg5[%gather3A_416, %gather3A_417] : memref<2x6400xi32, #tpu.memory_space<vmem>> -> memref<1x6400xi32, #tpu.memory_space<vmem>>
      %gather3A_419 = tpu.memref_squeeze %gather3A_418 : memref<1x6400xi32, #tpu.memory_space<vmem>> -> memref<6400xi32, #tpu.memory_space<vmem>>
      %gather3A_420 = tpu.vector_load_idx %gather3A_419[%add3A_415] : memref<6400xi32, #tpu.memory_space<vmem>>[vector<16xi32>], vector<16xi32>,
      %max3A_421 = arith.constant 0 : i32
      %max3A_422 = vector.broadcast %max3A_421 : i32 to vector<16xi32>
      %max3A_423 = arith.maxsi %gather3A_420, %max3A_422 : vector<16xi32>
      %shift_right_arithmetic3A_424 = arith.constant 3 : i32
      %shift_right_arithmetic3A_425 = vector.broadcast %shift_right_arithmetic3A_424 : i32 to vector<16xi32>
      %shift_right_arithmetic3A_426 = arith.shrsi %max3A_423, %shift_right_arithmetic3A_425 : vector<16xi32>
      %shift_left3A_427 = arith.constant 5 : i32
      %shift_left3A_428 = vector.broadcast %shift_left3A_427 : i32 to vector<16xi32>
      %shift_left3A_429 = arith.shli %shift_right_arithmetic3A_426, %shift_left3A_428 : vector<16xi32>
      %and3A_430 = arith.constant 7 : i32
      %and3A_431 = vector.broadcast %and3A_430 : i32 to vector<16xi32>
      %and3A_432 = arith.andi %max3A_423, %and3A_431 : vector<16xi32>
      %shift_left3A_433 = arith.constant 2 : i32
      %shift_left3A_434 = vector.broadcast %shift_left3A_433 : i32 to vector<16xi32>
      %shift_left3A_435 = arith.shli %and3A_432, %shift_left3A_434 : vector<16xi32>
      %or3A_436 = arith.ori %shift_left3A_429, %shift_left3A_435 : vector<16xi32>
      %swap3A_437 = arith.constant 1 : i32
      %swap3A_438 = arith.index_cast %swap3A_437 : i32 to index
      %swap3A_439 = arith.index_cast %scan3A_328 : i32 to index
      %swap3A_440 = arith.constant 48 : index
      %swap3A_441 = tpu.vector_load %arg6[%swap3A_438, %swap3A_439, %swap3A_440] {strides = array<i32>} : memref<2x50x128xi32, #tpu.memory_space<vmem>>, vector<16xi32>,
      tpu.vector_store %arg6[%swap3A_438, %swap3A_439, %swap3A_440], %or3A_436 {strides = array<i32>} : memref<2x50x128xi32, #tpu.memory_space<vmem>>, vector<16xi32>,
      %add3A_442 = arith.constant 3200 : i32
      %add3A_443 = arith.addi %add3A_442, %scan3A_328 : i32
      %add3A_444 = vector.broadcast %add3A_443 : i32 to vector<16xi32>
      %add3A_445 = arith.addi %mul3A_6, %add3A_444 : vector<16xi32>
      %gather3A_446 = arith.constant 1 : i32
      %gather3A_447 = arith.constant 0 : i32
      %gather3A_448 = tpu.memref_slice %arg5[%gather3A_446, %gather3A_447] : memref<2x6400xi32, #tpu.memory_space<vmem>> -> memref<1x6400xi32, #tpu.memory_space<vmem>>
      %gather3A_449 = tpu.memref_squeeze %gather3A_448 : memref<1x6400xi32, #tpu.memory_space<vmem>> -> memref<6400xi32, #tpu.memory_space<vmem>>
      %gather3A_450 = tpu.vector_load_idx %gather3A_449[%add3A_445] : memref<6400xi32, #tpu.memory_space<vmem>>[vector<16xi32>], vector<16xi32>,
      %max3A_451 = arith.constant 0 : i32
      %max3A_452 = vector.broadcast %max3A_451 : i32 to vector<16xi32>
      %max3A_453 = arith.maxsi %gather3A_450, %max3A_452 : vector<16xi32>
      %shift_right_arithmetic3A_454 = arith.constant 3 : i32
      %shift_right_arithmetic3A_455 = vector.broadcast %shift_right_arithmetic3A_454 : i32 to vector<16xi32>
      %shift_right_arithmetic3A_456 = arith.shrsi %max3A_453, %shift_right_arithmetic3A_455 : vector<16xi32>
      %shift_left3A_457 = arith.constant 5 : i32
      %shift_left3A_458 = vector.broadcast %shift_left3A_457 : i32 to vector<16xi32>
      %shift_left3A_459 = arith.shli %shift_right_arithmetic3A_456, %shift_left3A_458 : vector<16xi32>
      %and3A_460 = arith.constant 7 : i32
      %and3A_461 = vector.broadcast %and3A_460 : i32 to vector<16xi32>
      %and3A_462 = arith.andi %max3A_453, %and3A_461 : vector<16xi32>
      %shift_left3A_463 = arith.constant 2 : i32
      %shift_left3A_464 = vector.broadcast %shift_left3A_463 : i32 to vector<16xi32>
      %shift_left3A_465 = arith.shli %and3A_462, %shift_left3A_464 : vector<16xi32>
      %or3A_466 = arith.ori %shift_left3A_459, %shift_left3A_465 : vector<16xi32>
      %swap3A_467 = arith.constant 1 : i32
      %swap3A_468 = arith.index_cast %swap3A_467 : i32 to index
      %swap3A_469 = arith.index_cast %scan3A_328 : i32 to index
      %swap3A_470 = arith.constant 64 : index
      %swap3A_471 = tpu.vector_load %arg6[%swap3A_468, %swap3A_469, %swap3A_470] {strides = array<i32>} : memref<2x50x128xi32, #tpu.memory_space<vmem>>, vector<16xi32>,
      tpu.vector_store %arg6[%swap3A_468, %swap3A_469, %swap3A_470], %or3A_466 {strides = array<i32>} : memref<2x50x128xi32, #tpu.memory_space<vmem>>, vector<16xi32>,
      %add3A_472 = arith.constant 4000 : i32
      %add3A_473 = arith.addi %add3A_472, %scan3A_328 : i32
      %add3A_474 = vector.broadcast %add3A_473 : i32 to vector<16xi32>
      %add3A_475 = arith.addi %mul3A_6, %add3A_474 : vector<16xi32>
      %gather3A_476 = arith.constant 1 : i32
      %gather3A_477 = arith.constant 0 : i32
      %gather3A_478 = tpu.memref_slice %arg5[%gather3A_476, %gather3A_477] : memref<2x6400xi32, #tpu.memory_space<vmem>> -> memref<1x6400xi32, #tpu.memory_space<vmem>>
      %gather3A_479 = tpu.memref_squeeze %gather3A_478 : memref<1x6400xi32, #tpu.memory_space<vmem>> -> memref<6400xi32, #tpu.memory_space<vmem>>
      %gather3A_480 = tpu.vector_load_idx %gather3A_479[%add3A_475] : memref<6400xi32, #tpu.memory_space<vmem>>[vector<16xi32>], vector<16xi32>,
      %max3A_481 = arith.constant 0 : i32
      %max3A_482 = vector.broadcast %max3A_481 : i32 to vector<16xi32>
      %max3A_483 = arith.maxsi %gather3A_480, %max3A_482 : vector<16xi32>
      %shift_right_arithmetic3A_484 = arith.constant 3 : i32
      %shift_right_arithmetic3A_485 = vector.broadcast %shift_right_arithmetic3A_484 : i32 to vector<16xi32>
      %shift_right_arithmetic3A_486 = arith.shrsi %max3A_483, %shift_right_arithmetic3A_485 : vector<16xi32>
      %shift_left3A_487 = arith.constant 5 : i32
      %shift_left3A_488 = vector.broadcast %shift_left3A_487 : i32 to vector<16xi32>
      %shift_left3A_489 = arith.shli %shift_right_arithmetic3A_486, %shift_left3A_488 : vector<16xi32>
      %and3A_490 = arith.constant 7 : i32
      %and3A_491 = vector.broadcast %and3A_490 : i32 to vector<16xi32>
      %and3A_492 = arith.andi %max3A_483, %and3A_491 : vector<16xi32>
      %shift_left3A_493 = arith.constant 2 : i32
      %shift_left3A_494 = vector.broadcast %shift_left3A_493 : i32 to vector<16xi32>
      %shift_left3A_495 = arith.shli %and3A_492, %shift_left3A_494 : vector<16xi32>
      %or3A_496 = arith.ori %shift_left3A_489, %shift_left3A_495 : vector<16xi32>
      %swap3A_497 = arith.constant 1 : i32
      %swap3A_498 = arith.index_cast %swap3A_497 : i32 to index
      %swap3A_499 = arith.index_cast %scan3A_328 : i32 to index
      %swap3A_500 = arith.constant 80 : index
      %swap3A_501 = tpu.vector_load %arg6[%swap3A_498, %swap3A_499, %swap3A_500] {strides = array<i32>} : memref<2x50x128xi32, #tpu.memory_space<vmem>>, vector<16xi32>,
      tpu.vector_store %arg6[%swap3A_498, %swap3A_499, %swap3A_500], %or3A_496 {strides = array<i32>} : memref<2x50x128xi32, #tpu.memory_space<vmem>>, vector<16xi32>,
      %add3A_502 = arith.constant 4800 : i32
      %add3A_503 = arith.addi %add3A_502, %scan3A_328 : i32
      %add3A_504 = vector.broadcast %add3A_503 : i32 to vector<16xi32>
      %add3A_505 = arith.addi %mul3A_6, %add3A_504 : vector<16xi32>
      %gather3A_506 = arith.constant 1 : i32
      %gather3A_507 = arith.constant 0 : i32
      %gather3A_508 = tpu.memref_slice %arg5[%gather3A_506, %gather3A_507] : memref<2x6400xi32, #tpu.memory_space<vmem>> -> memref<1x6400xi32, #tpu.memory_space<vmem>>
      %gather3A_509 = tpu.memref_squeeze %gather3A_508 : memref<1x6400xi32, #tpu.memory_space<vmem>> -> memref<6400xi32, #tpu.memory_space<vmem>>
      %gather3A_510 = tpu.vector_load_idx %gather3A_509[%add3A_505] : memref<6400xi32, #tpu.memory_space<vmem>>[vector<16xi32>], vector<16xi32>,
      %max3A_511 = arith.constant 0 : i32
      %max3A_512 = vector.broadcast %max3A_511 : i32 to vector<16xi32>
      %max3A_513 = arith.maxsi %gather3A_510, %max3A_512 : vector<16xi32>
      %shift_right_arithmetic3A_514 = arith.constant 3 : i32
      %shift_right_arithmetic3A_515 = vector.broadcast %shift_right_arithmetic3A_514 : i32 to vector<16xi32>
      %shift_right_arithmetic3A_516 = arith.shrsi %max3A_513, %shift_right_arithmetic3A_515 : vector<16xi32>
      %shift_left3A_517 = arith.constant 5 : i32
      %shift_left3A_518 = vector.broadcast %shift_left3A_517 : i32 to vector<16xi32>
      %shift_left3A_519 = arith.shli %shift_right_arithmetic3A_516, %shift_left3A_518 : vector<16xi32>
      %and3A_520 = arith.constant 7 : i32
      %and3A_521 = vector.broadcast %and3A_520 : i32 to vector<16xi32>
      %and3A_522 = arith.andi %max3A_513, %and3A_521 : vector<16xi32>
      %shift_left3A_523 = arith.constant 2 : i32
      %shift_left3A_524 = vector.broadcast %shift_left3A_523 : i32 to vector<16xi32>
      %shift_left3A_525 = arith.shli %and3A_522, %shift_left3A_524 : vector<16xi32>
      %or3A_526 = arith.ori %shift_left3A_519, %shift_left3A_525 : vector<16xi32>
      %swap3A_527 = arith.constant 1 : i32
      %swap3A_528 = arith.index_cast %swap3A_527 : i32 to index
      %swap3A_529 = arith.index_cast %scan3A_328 : i32 to index
      %swap3A_530 = arith.constant 96 : index
      %swap3A_531 = tpu.vector_load %arg6[%swap3A_528, %swap3A_529, %swap3A_530] {strides = array<i32>} : memref<2x50x128xi32, #tpu.memory_space<vmem>>, vector<16xi32>,
      tpu.vector_store %arg6[%swap3A_528, %swap3A_529, %swap3A_530], %or3A_526 {strides = array<i32>} : memref<2x50x128xi32, #tpu.memory_space<vmem>>, vector<16xi32>,
      %add3A_532 = arith.constant 5600 : i32
      %add3A_533 = arith.addi %add3A_532, %scan3A_328 : i32
      %add3A_534 = vector.broadcast %add3A_533 : i32 to vector<16xi32>
      %add3A_535 = arith.addi %mul3A_6, %add3A_534 : vector<16xi32>
      %gather3A_536 = arith.constant 1 : i32
      %gather3A_537 = arith.constant 0 : i32
      %gather3A_538 = tpu.memref_slice %arg5[%gather3A_536, %gather3A_537] : memref<2x6400xi32, #tpu.memory_space<vmem>> -> memref<1x6400xi32, #tpu.memory_space<vmem>>
      %gather3A_539 = tpu.memref_squeeze %gather3A_538 : memref<1x6400xi32, #tpu.memory_space<vmem>> -> memref<6400xi32, #tpu.memory_space<vmem>>
      %gather3A_540 = tpu.vector_load_idx %gather3A_539[%add3A_535] : memref<6400xi32, #tpu.memory_space<vmem>>[vector<16xi32>], vector<16xi32>,
      %max3A_541 = arith.constant 0 : i32
      %max3A_542 = vector.broadcast %max3A_541 : i32 to vector<16xi32>
      %max3A_543 = arith.maxsi %gather3A_540, %max3A_542 : vector<16xi32>
      %shift_right_arithmetic3A_544 = arith.constant 3 : i32
      %shift_right_arithmetic3A_545 = vector.broadcast %shift_right_arithmetic3A_544 : i32 to vector<16xi32>
      %shift_right_arithmetic3A_546 = arith.shrsi %max3A_543, %shift_right_arithmetic3A_545 : vector<16xi32>
      %shift_left3A_547 = arith.constant 5 : i32
      %shift_left3A_548 = vector.broadcast %shift_left3A_547 : i32 to vector<16xi32>
      %shift_left3A_549 = arith.shli %shift_right_arithmetic3A_546, %shift_left3A_548 : vector<16xi32>
      %and3A_550 = arith.constant 7 : i32
      %and3A_551 = vector.broadcast %and3A_550 : i32 to vector<16xi32>
      %and3A_552 = arith.andi %max3A_543, %and3A_551 : vector<16xi32>
      %shift_left3A_553 = arith.constant 2 : i32
      %shift_left3A_554 = vector.broadcast %shift_left3A_553 : i32 to vector<16xi32>
      %shift_left3A_555 = arith.shli %and3A_552, %shift_left3A_554 : vector<16xi32>
      %or3A_556 = arith.ori %shift_left3A_549, %shift_left3A_555 : vector<16xi32>
      %swap3A_557 = arith.constant 1 : i32
      %swap3A_558 = arith.index_cast %swap3A_557 : i32 to index
      %swap3A_559 = arith.index_cast %scan3A_328 : i32 to index
      %swap3A_560 = arith.constant 112 : index
      %swap3A_561 = tpu.vector_load %arg6[%swap3A_558, %swap3A_559, %swap3A_560] {strides = array<i32>} : memref<2x50x128xi32, #tpu.memory_space<vmem>>, vector<16xi32>,
      tpu.vector_store %arg6[%swap3A_558, %swap3A_559, %swap3A_560], %or3A_556 {strides = array<i32>} : memref<2x50x128xi32, #tpu.memory_space<vmem>>, vector<16xi32>,
    }
    %scan3A_220 = arith.constant 50 : i32
    %dma_wait3A_221 = arith.constant 1 : i32
    %dma_wait3A_222 = arith.constant 0 : i32
    %dma_wait3A_223 = arith.constant 0 : i32
    %dma_wait3A_224 = tpu.memref_slice %arg7[%dma_wait3A_221, %dma_wait3A_222, %dma_wait3A_223] : memref<2x128x32xf32, #tpu.memory_space<vmem>> -> memref<1x128x32xf32, #tpu.memory_space<vmem>>
    %dma_wait3A_225 = tpu.memref_squeeze %dma_wait3A_224 : memref<1x128x32xf32, #tpu.memory_space<vmem>> -> memref<128x32xf32, #tpu.memory_space<vmem>>
    %dma_wait3A_226 = arith.constant 0 : i32
    %dma_wait3A_227 = tpu.memref_slice %arg4[%add3A_192, %dma_wait3A_226] : memref<16384x32xf32, #tpu.memory_space<hbm>> -> memref<128x32xf32, #tpu.memory_space<hbm>>
    %dma_wait3A_228 = arith.constant 0 : i32
    %dma_wait3A_229 = tpu.memref_slice %arg4[%add3A_192, %dma_wait3A_228] : memref<16384x32xf32, #tpu.memory_space<hbm>> -> memref<128x32xf32, #tpu.memory_space<hbm>>
    %dma_wait3A_230 = arith.constant 0 : i32
    %dma_wait3A_231 = arith.constant 0 : i32
    %dma_wait3A_232 = tpu.memref_slice %arg7[%dma_wait3A_221, %dma_wait3A_230, %dma_wait3A_231] : memref<2x128x32xf32, #tpu.memory_space<vmem>> -> memref<1x128x32xf32, #tpu.memory_space<vmem>>
    %dma_wait3A_233 = tpu.memref_squeeze %dma_wait3A_232 : memref<1x128x32xf32, #tpu.memory_space<vmem>> -> memref<128x32xf32, #tpu.memory_space<vmem>>
    tpu.wait_dma2 semaphore(%arg12 : memref<!tpu.dma_semaphore, #tpu.memory_space<semaphore_mem>>) src(%dma_wait3A_233 : memref<128x32xf32, #tpu.memory_space<vmem>>) dst(%dma_wait3A_229 : memref<128x32xf32, #tpu.memory_space<hbm>>)
    %scan3A_234 = arith.constant 0 : i32
    %scan3A_235 = arith.constant 0 : i32
    %scan3A_236 = arith.constant 128 : i32
    %scan3A_237 = arith.addi %scan3A_235, %scan3A_236 : i32
    %scan3A_238 = arith.constant 1 : i32
    scf.for %scan3A_328 = %scan3A_235 to %scan3A_237 step %scan3A_238  : i32 {
      %swap3A = arith.constant 1 : i32
      %swap3A_329 = arith.index_cast %swap3A : i32 to index
      %swap3A_330 = arith.index_cast %scan3A_328 : i32 to index
      %swap3A_331 = arith.constant 0 : index
      %swap3A_332 = tpu.vector_load %arg7[%swap3A_329, %swap3A_330, %swap3A_331] {strides = array<i32>} : memref<2x128x32xf32, #tpu.memory_space<vmem>>, vector<16xf32>,
      tpu.vector_store %arg7[%swap3A_329, %swap3A_330, %swap3A_331], %broadcast_in_dim3A_3 {strides = array<i32>} : memref<2x128x32xf32, #tpu.memory_space<vmem>>, vector<16xf32>,
      %swap3A_333 = arith.constant 1 : i32
      %swap3A_334 = arith.index_cast %swap3A_333 : i32 to index
      %swap3A_335 = arith.index_cast %scan3A_328 : i32 to index
      %swap3A_336 = arith.constant 16 : index
      %swap3A_337 = tpu.vector_load %arg7[%swap3A_334, %swap3A_335, %swap3A_336] {strides = array<i32>} : memref<2x128x32xf32, #tpu.memory_space<vmem>>, vector<16xf32>,
      tpu.vector_store %arg7[%swap3A_334, %swap3A_335, %swap3A_336], %broadcast_in_dim3A_3 {strides = array<i32>} : memref<2x128x32xf32, #tpu.memory_space<vmem>>, vector<16xf32>,
    }
    %scan3A_239 = arith.constant 128 : i32
    %scan3A_240 = arith.constant 0 : i32
    %scan3A_241 = arith.constant 0 : i32
    %scan3A_242 = arith.constant 50 : i32
    %scan3A_243 = arith.addi %scan3A_241, %scan3A_242 : i32
    %scan3A_244 = arith.constant 1 : i32
    scf.for %scan3A_328 = %scan3A_241 to %scan3A_243 step %scan3A_244  : i32 {
      %dma_start3A_329 = arith.constant 1 : i32
      %dma_start3A_330 = arith.constant 1 : i32
      %dma_start3A_331 = arith.constant 0 : i32
      %dma_start3A_332 = arith.constant 0 : i32
      %dma_start3A_333 = tpu.memref_slice %arg7[%dma_start3A_330, %dma_start3A_331, %dma_start3A_332] : memref<2x128x32xf32, #tpu.memory_space<vmem>> -> memref<1x128x32xf32, #tpu.memory_space<vmem>>
      %dma_start3A_334 = tpu.memref_squeeze %dma_start3A_333 : memref<1x128x32xf32, #tpu.memory_space<vmem>> -> memref<128x32xf32, #tpu.memory_space<vmem>>
      %dma_start3A_335 = arith.constant 0 : i32
      %dma_start3A_336 = tpu.memref_slice %arg6[%dma_start3A_329, %scan3A_328, %dma_start3A_335] : memref<2x50x128xi32, #tpu.memory_space<vmem>> -> memref<1x1x128xi32, #tpu.memory_space<vmem>>
      %dma_start3A_337 = tpu.memref_squeeze %dma_start3A_336 : memref<1x1x128xi32, #tpu.memory_space<vmem>> -> memref<128xi32, #tpu.memory_space<vmem>>
      %dma_start3A_338 = arith.constant 0 : i32
      %dma_start3A_339 = arith.constant 0 : i32
      %dma_start3A_340 = tpu.memref_slice %arg3[%dma_start3A_338, %dma_start3A_339] : memref<4000000x32xf32, #tpu.memory_space<hbm>> -> memref<4000000x32xf32, #tpu.memory_space<hbm>>
      tpu.enqueue_indirect_dma source(%dma_start3A_340 : memref<4000000x32xf32, #tpu.memory_space<hbm>>) target(%dma_start3A_334 : memref<128x32xf32, #tpu.memory_space<vmem>>) offsets(%dma_start3A_337 : memref<128xi32, #tpu.memory_space<vmem>>) semaphore(%arg10 : memref<!tpu.dma_semaphore, #tpu.memory_space<semaphore_mem>>) {add = true}
    }
    %scan3A_245 = arith.constant 50 : i32
    %scan3A_246 = arith.constant 0 : i32
    %scan3A_247 = arith.constant 0 : i32
    %scan3A_248 = arith.constant 50 : i32
    %scan3A_249 = arith.addi %scan3A_247, %scan3A_248 : i32
    %scan3A_250 = arith.constant 1 : i32
    scf.for %scan3A_328 = %scan3A_247 to %scan3A_249 step %scan3A_250  : i32 {
      %dma_wait3A_329 = arith.constant 0 : i32
      %dma_wait3A_330 = arith.constant 0 : i32
      %dma_wait3A_331 = arith.constant 0 : i32
      %dma_wait3A_332 = arith.constant 0 : i32
      %dma_wait3A_333 = tpu.memref_slice %arg7[%dma_wait3A_330, %dma_wait3A_331, %dma_wait3A_332] : memref<2x128x32xf32, #tpu.memory_space<vmem>> -> memref<1x128x32xf32, #tpu.memory_space<vmem>>
      %dma_wait3A_334 = tpu.memref_squeeze %dma_wait3A_333 : memref<1x128x32xf32, #tpu.memory_space<vmem>> -> memref<128x32xf32, #tpu.memory_space<vmem>>
      %dma_wait3A_335 = arith.constant 0 : i32
      %dma_wait3A_336 = tpu.memref_slice %arg6[%dma_wait3A_329, %scan3A_328, %dma_wait3A_335] : memref<2x50x128xi32, #tpu.memory_space<vmem>> -> memref<1x1x128xi32, #tpu.memory_space<vmem>>
      %dma_wait3A_337 = tpu.memref_squeeze %dma_wait3A_336 : memref<1x1x128xi32, #tpu.memory_space<vmem>> -> memref<128xi32, #tpu.memory_space<vmem>>
      %dma_wait3A_338 = arith.constant 0 : i32
      %dma_wait3A_339 = arith.constant 0 : i32
      %dma_wait3A_340 = tpu.memref_slice %arg3[%dma_wait3A_338, %dma_wait3A_339] : memref<4000000x32xf32, #tpu.memory_space<hbm>> -> memref<4000000x32xf32, #tpu.memory_space<hbm>>
      tpu.wait_indirect_dma semaphore(%arg9 : memref<!tpu.dma_semaphore, #tpu.memory_space<semaphore_mem>>) src(%dma_wait3A_340 : memref<4000000x32xf32, #tpu.memory_space<hbm>>) dst(%dma_wait3A_334 : memref<128x32xf32, #tpu.memory_space<vmem>>)
    }
    %scan3A_251 = arith.constant 50 : i32
    %scan3A_252 = arith.constant 0 : i32
    %scan3A_253 = arith.constant 2.000000e-02 : f32
    %scan3A_254 = arith.constant 0 : i32
    %scan3A_255 = arith.constant 128 : i32
    %scan3A_256 = arith.addi %scan3A_254, %scan3A_255 : i32
    %scan3A_257 = arith.constant 1 : i32
    scf.for %scan3A_328 = %scan3A_254 to %scan3A_256 step %scan3A_257  : i32 {
      %get3A = arith.constant 0 : i32
      %get3A_329 = arith.index_cast %get3A : i32 to index
      %get3A_330 = arith.index_cast %scan3A_328 : i32 to index
      %get3A_331 = arith.constant 0 : index
      %get3A_332 = tpu.vector_load %arg7[%get3A_329, %get3A_330, %get3A_331] {strides = array<i32>} : memref<2x128x32xf32, #tpu.memory_space<vmem>>, vector<16xf32>,
      %mul3A_333 = vector.broadcast %scan3A_253 : f32 to vector<16xf32>
      %mul3A_334 = arith.mulf %get3A_332, %mul3A_333 : vector<16xf32>
      %swap3A = arith.constant 0 : i32
      %swap3A_335 = arith.index_cast %swap3A : i32 to index
      %swap3A_336 = arith.index_cast %scan3A_328 : i32 to index
      %swap3A_337 = arith.constant 0 : index
      %swap3A_338 = tpu.vector_load %arg7[%swap3A_335, %swap3A_336, %swap3A_337] {strides = array<i32>} : memref<2x128x32xf32, #tpu.memory_space<vmem>>, vector<16xf32>,
      tpu.vector_store %arg7[%swap3A_335, %swap3A_336, %swap3A_337], %mul3A_334 {strides = array<i32>} : memref<2x128x32xf32, #tpu.memory_space<vmem>>, vector<16xf32>,
      %get3A_339 = arith.constant 0 : i32
      %get3A_340 = arith.index_cast %get3A_339 : i32 to index
      %get3A_341 = arith.index_cast %scan3A_328 : i32 to index
      %get3A_342 = arith.constant 16 : index
      %get3A_343 = tpu.vector_load %arg7[%get3A_340, %get3A_341, %get3A_342] {strides = array<i32>} : memref<2x128x32xf32, #tpu.memory_space<vmem>>, vector<16xf32>,
      %mul3A_344 = vector.broadcast %scan3A_253 : f32 to vector<16xf32>
      %mul3A_345 = arith.mulf %get3A_343, %mul3A_344 : vector<16xf32>
      %swap3A_346 = arith.constant 0 : i32
      %swap3A_347 = arith.index_cast %swap3A_346 : i32 to index
      %swap3A_348 = arith.index_cast %scan3A_328 : i32 to index
      %swap3A_349 = arith.constant 16 : index
      %swap3A_350 = tpu.vector_load %arg7[%swap3A_347, %swap3A_348, %swap3A_349] {strides = array<i32>} : memref<2x128x32xf32, #tpu.memory_space<vmem>>, vector<16xf32>,
      tpu.vector_store %arg7[%swap3A_347, %swap3A_348, %swap3A_349], %mul3A_345 {strides = array<i32>} : memref<2x128x32xf32, #tpu.memory_space<vmem>>, vector<16xf32>,
    }
    %scan3A_258 = arith.constant 128 : i32
    %add3A_259 = arith.constant 256 : i32
    %add3A_260 = arith.addi %mul3A_2, %add3A_259 : i32
    %dma_start3A_261 = arith.constant 0 : i32
    %dma_start3A_262 = arith.constant 0 : i32
    %dma_start3A_263 = arith.constant 0 : i32
    %dma_start3A_264 = tpu.memref_slice %arg7[%dma_start3A_261, %dma_start3A_262, %dma_start3A_263] : memref<2x128x32xf32, #tpu.memory_space<vmem>> -> memref<1x128x32xf32, #tpu.memory_space<vmem>>
    %dma_start3A_265 = tpu.memref_squeeze %dma_start3A_264 : memref<1x128x32xf32, #tpu.memory_space<vmem>> -> memref<128x32xf32, #tpu.memory_space<vmem>>
    %dma_start3A_266 = arith.constant 0 : i32
    %dma_start3A_267 = tpu.memref_slice %arg4[%add3A_260, %dma_start3A_266] : memref<16384x32xf32, #tpu.memory_space<hbm>> -> memref<128x32xf32, #tpu.memory_space<hbm>>
    %dma_start3A_268 = arith.constant 0 : i32
    %dma_start3A_269 = tpu.memref_slice %arg4[%add3A_260, %dma_start3A_268] : memref<16384x32xf32, #tpu.memory_space<hbm>> -> memref<128x32xf32, #tpu.memory_space<hbm>>
    %dma_start3A_270 = arith.constant 0 : i32
    %dma_start3A_271 = arith.constant 0 : i32
    %dma_start3A_272 = tpu.memref_slice %arg7[%dma_start3A_261, %dma_start3A_270, %dma_start3A_271] : memref<2x128x32xf32, #tpu.memory_space<vmem>> -> memref<1x128x32xf32, #tpu.memory_space<vmem>>
    %dma_start3A_273 = tpu.memref_squeeze %dma_start3A_272 : memref<1x128x32xf32, #tpu.memory_space<vmem>> -> memref<128x32xf32, #tpu.memory_space<vmem>>
    tpu.enqueue_dma source(%dma_start3A_273 : memref<128x32xf32, #tpu.memory_space<vmem>>) target(%dma_start3A_269 : memref<128x32xf32, #tpu.memory_space<hbm>>) target_semaphore(%arg11 : memref<!tpu.dma_semaphore, #tpu.memory_space<semaphore_mem>>)
    %scan3A_274 = arith.constant 0 : i32
    %scan3A_275 = arith.constant 0 : i32
    %scan3A_276 = arith.constant 50 : i32
    %scan3A_277 = arith.addi %scan3A_275, %scan3A_276 : i32
    %scan3A_278 = arith.constant 1 : i32
    scf.for %scan3A_328 = %scan3A_275 to %scan3A_277 step %scan3A_278  : i32 {
      %dma_wait3A_329 = arith.constant 1 : i32
      %dma_wait3A_330 = arith.constant 1 : i32
      %dma_wait3A_331 = arith.constant 0 : i32
      %dma_wait3A_332 = arith.constant 0 : i32
      %dma_wait3A_333 = tpu.memref_slice %arg7[%dma_wait3A_330, %dma_wait3A_331, %dma_wait3A_332] : memref<2x128x32xf32, #tpu.memory_space<vmem>> -> memref<1x128x32xf32, #tpu.memory_space<vmem>>
      %dma_wait3A_334 = tpu.memref_squeeze %dma_wait3A_333 : memref<1x128x32xf32, #tpu.memory_space<vmem>> -> memref<128x32xf32, #tpu.memory_space<vmem>>
      %dma_wait3A_335 = arith.constant 0 : i32
      %dma_wait3A_336 = tpu.memref_slice %arg6[%dma_wait3A_329, %scan3A_328, %dma_wait3A_335] : memref<2x50x128xi32, #tpu.memory_space<vmem>> -> memref<1x1x128xi32, #tpu.memory_space<vmem>>
      %dma_wait3A_337 = tpu.memref_squeeze %dma_wait3A_336 : memref<1x1x128xi32, #tpu.memory_space<vmem>> -> memref<128xi32, #tpu.memory_space<vmem>>
      %dma_wait3A_338 = arith.constant 0 : i32
      %dma_wait3A_339 = arith.constant 0 : i32
      %dma_wait3A_340 = tpu.memref_slice %arg3[%dma_wait3A_338, %dma_wait3A_339] : memref<4000000x32xf32, #tpu.memory_space<hbm>> -> memref<4000000x32xf32, #tpu.memory_space<hbm>>
      tpu.wait_indirect_dma semaphore(%arg10 : memref<!tpu.dma_semaphore, #tpu.memory_space<semaphore_mem>>) src(%dma_wait3A_340 : memref<4000000x32xf32, #tpu.memory_space<hbm>>) dst(%dma_wait3A_334 : memref<128x32xf32, #tpu.memory_space<vmem>>)
    }
    %scan3A_279 = arith.constant 50 : i32
    %scan3A_280 = arith.constant 0 : i32
    %scan3A_281 = arith.constant 2.000000e-02 : f32
    %scan3A_282 = arith.constant 0 : i32
    %scan3A_283 = arith.constant 128 : i32
    %scan3A_284 = arith.addi %scan3A_282, %scan3A_283 : i32
    %scan3A_285 = arith.constant 1 : i32
    scf.for %scan3A_328 = %scan3A_282 to %scan3A_284 step %scan3A_285  : i32 {
      %get3A = arith.constant 1 : i32
      %get3A_329 = arith.index_cast %get3A : i32 to index
      %get3A_330 = arith.index_cast %scan3A_328 : i32 to index
      %get3A_331 = arith.constant 0 : index
      %get3A_332 = tpu.vector_load %arg7[%get3A_329, %get3A_330, %get3A_331] {strides = array<i32>} : memref<2x128x32xf32, #tpu.memory_space<vmem>>, vector<16xf32>,
      %mul3A_333 = vector.broadcast %scan3A_281 : f32 to vector<16xf32>
      %mul3A_334 = arith.mulf %get3A_332, %mul3A_333 : vector<16xf32>
      %swap3A = arith.constant 1 : i32
      %swap3A_335 = arith.index_cast %swap3A : i32 to index
      %swap3A_336 = arith.index_cast %scan3A_328 : i32 to index
      %swap3A_337 = arith.constant 0 : index
      %swap3A_338 = tpu.vector_load %arg7[%swap3A_335, %swap3A_336, %swap3A_337] {strides = array<i32>} : memref<2x128x32xf32, #tpu.memory_space<vmem>>, vector<16xf32>,
      tpu.vector_store %arg7[%swap3A_335, %swap3A_336, %swap3A_337], %mul3A_334 {strides = array<i32>} : memref<2x128x32xf32, #tpu.memory_space<vmem>>, vector<16xf32>,
      %get3A_339 = arith.constant 1 : i32
      %get3A_340 = arith.index_cast %get3A_339 : i32 to index
      %get3A_341 = arith.index_cast %scan3A_328 : i32 to index
      %get3A_342 = arith.constant 16 : index
      %get3A_343 = tpu.vector_load %arg7[%get3A_340, %get3A_341, %get3A_342] {strides = array<i32>} : memref<2x128x32xf32, #tpu.memory_space<vmem>>, vector<16xf32>,
      %mul3A_344 = vector.broadcast %scan3A_281 : f32 to vector<16xf32>
      %mul3A_345 = arith.mulf %get3A_343, %mul3A_344 : vector<16xf32>
      %swap3A_346 = arith.constant 1 : i32
      %swap3A_347 = arith.index_cast %swap3A_346 : i32 to index
      %swap3A_348 = arith.index_cast %scan3A_328 : i32 to index
      %swap3A_349 = arith.constant 16 : index
      %swap3A_350 = tpu.vector_load %arg7[%swap3A_347, %swap3A_348, %swap3A_349] {strides = array<i32>} : memref<2x128x32xf32, #tpu.memory_space<vmem>>, vector<16xf32>,
      tpu.vector_store %arg7[%swap3A_347, %swap3A_348, %swap3A_349], %mul3A_345 {strides = array<i32>} : memref<2x128x32xf32, #tpu.memory_space<vmem>>, vector<16xf32>,
    }
    %scan3A_286 = arith.constant 128 : i32
    %add3A_287 = arith.constant 384 : i32
    %add3A_288 = arith.addi %mul3A_2, %add3A_287 : i32
    %dma_start3A_289 = arith.constant 1 : i32
    %dma_start3A_290 = arith.constant 0 : i32
    %dma_start3A_291 = arith.constant 0 : i32
    %dma_start3A_292 = tpu.memref_slice %arg7[%dma_start3A_289, %dma_start3A_290, %dma_start3A_291] : memref<2x128x32xf32, #tpu.memory_space<vmem>> -> memref<1x128x32xf32, #tpu.memory_space<vmem>>
    %dma_start3A_293 = tpu.memref_squeeze %dma_start3A_292 : memref<1x128x32xf32, #tpu.memory_space<vmem>> -> memref<128x32xf32, #tpu.memory_space<vmem>>
    %dma_start3A_294 = arith.constant 0 : i32
    %dma_start3A_295 = tpu.memref_slice %arg4[%add3A_288, %dma_start3A_294] : memref<16384x32xf32, #tpu.memory_space<hbm>> -> memref<128x32xf32, #tpu.memory_space<hbm>>
    %dma_start3A_296 = arith.constant 0 : i32
    %dma_start3A_297 = tpu.memref_slice %arg4[%add3A_288, %dma_start3A_296] : memref<16384x32xf32, #tpu.memory_space<hbm>> -> memref<128x32xf32, #tpu.memory_space<hbm>>
    %dma_start3A_298 = arith.constant 0 : i32
    %dma_start3A_299 = arith.constant 0 : i32
    %dma_start3A_300 = tpu.memref_slice %arg7[%dma_start3A_289, %dma_start3A_298, %dma_start3A_299] : memref<2x128x32xf32, #tpu.memory_space<vmem>> -> memref<1x128x32xf32, #tpu.memory_space<vmem>>
    %dma_start3A_301 = tpu.memref_squeeze %dma_start3A_300 : memref<1x128x32xf32, #tpu.memory_space<vmem>> -> memref<128x32xf32, #tpu.memory_space<vmem>>
    tpu.enqueue_dma source(%dma_start3A_301 : memref<128x32xf32, #tpu.memory_space<vmem>>) target(%dma_start3A_297 : memref<128x32xf32, #tpu.memory_space<hbm>>) target_semaphore(%arg12 : memref<!tpu.dma_semaphore, #tpu.memory_space<semaphore_mem>>)
    %dma_wait3A_302 = arith.constant 0 : i32
    %dma_wait3A_303 = arith.constant 0 : i32
    %dma_wait3A_304 = arith.constant 0 : i32
    %dma_wait3A_305 = tpu.memref_slice %arg7[%dma_wait3A_302, %dma_wait3A_303, %dma_wait3A_304] : memref<2x128x32xf32, #tpu.memory_space<vmem>> -> memref<1x128x32xf32, #tpu.memory_space<vmem>>
    %dma_wait3A_306 = tpu.memref_squeeze %dma_wait3A_305 : memref<1x128x32xf32, #tpu.memory_space<vmem>> -> memref<128x32xf32, #tpu.memory_space<vmem>>
    %dma_wait3A_307 = arith.constant 0 : i32
    %dma_wait3A_308 = tpu.memref_slice %arg4[%add3A_260, %dma_wait3A_307] : memref<16384x32xf32, #tpu.memory_space<hbm>> -> memref<128x32xf32, #tpu.memory_space<hbm>>
    %dma_wait3A_309 = arith.constant 0 : i32
    %dma_wait3A_310 = tpu.memref_slice %arg4[%add3A_260, %dma_wait3A_309] : memref<16384x32xf32, #tpu.memory_space<hbm>> -> memref<128x32xf32, #tpu.memory_space<hbm>>
    %dma_wait3A_311 = arith.constant 0 : i32
    %dma_wait3A_312 = arith.constant 0 : i32
    %dma_wait3A_313 = tpu.memref_slice %arg7[%dma_wait3A_302, %dma_wait3A_311, %dma_wait3A_312] : memref<2x128x32xf32, #tpu.memory_space<vmem>> -> memref<1x128x32xf32, #tpu.memory_space<vmem>>
    %dma_wait3A_314 = tpu.memref_squeeze %dma_wait3A_313 : memref<1x128x32xf32, #tpu.memory_space<vmem>> -> memref<128x32xf32, #tpu.memory_space<vmem>>
    tpu.wait_dma2 semaphore(%arg11 : memref<!tpu.dma_semaphore, #tpu.memory_space<semaphore_mem>>) src(%dma_wait3A_314 : memref<128x32xf32, #tpu.memory_space<vmem>>) dst(%dma_wait3A_310 : memref<128x32xf32, #tpu.memory_space<hbm>>)
    %dma_wait3A_315 = arith.constant 1 : i32
    %dma_wait3A_316 = arith.constant 0 : i32
    %dma_wait3A_317 = arith.constant 0 : i32
    %dma_wait3A_318 = tpu.memref_slice %arg7[%dma_wait3A_315, %dma_wait3A_316, %dma_wait3A_317] : memref<2x128x32xf32, #tpu.memory_space<vmem>> -> memref<1x128x32xf32, #tpu.memory_space<vmem>>
    %dma_wait3A_319 = tpu.memref_squeeze %dma_wait3A_318 : memref<1x128x32xf32, #tpu.memory_space<vmem>> -> memref<128x32xf32, #tpu.memory_space<vmem>>
    %dma_wait3A_320 = arith.constant 0 : i32
    %dma_wait3A_321 = tpu.memref_slice %arg4[%add3A_288, %dma_wait3A_320] : memref<16384x32xf32, #tpu.memory_space<hbm>> -> memref<128x32xf32, #tpu.memory_space<hbm>>
    %dma_wait3A_322 = arith.constant 0 : i32
    %dma_wait3A_323 = tpu.memref_slice %arg4[%add3A_288, %dma_wait3A_322] : memref<16384x32xf32, #tpu.memory_space<hbm>> -> memref<128x32xf32, #tpu.memory_space<hbm>>
    %dma_wait3A_324 = arith.constant 0 : i32
    %dma_wait3A_325 = arith.constant 0 : i32
    %dma_wait3A_326 = tpu.memref_slice %arg7[%dma_wait3A_315, %dma_wait3A_324, %dma_wait3A_325] : memref<2x128x32xf32, #tpu.memory_space<vmem>> -> memref<1x128x32xf32, #tpu.memory_space<vmem>>
    %dma_wait3A_327 = tpu.memref_squeeze %dma_wait3A_326 : memref<1x128x32xf32, #tpu.memory_space<vmem>> -> memref<128x32xf32, #tpu.memory_space<vmem>>
    tpu.wait_dma2 semaphore(%arg12 : memref<!tpu.dma_semaphore, #tpu.memory_space<semaphore_mem>>) src(%dma_wait3A_327 : memref<128x32xf32, #tpu.memory_space<vmem>>) dst(%dma_wait3A_323 : memref<128x32xf32, #tpu.memory_space<hbm>>)
    return
  }
}

</mosaic_0001>

<sc_bundles>
// kernel: kernel.3.cloned.1.call-start
scs
__scs_entry_jumppad:
0x0: {  	(pc) =	sbr.rel $0x88, $3  }
0x1: {  	(tag) =	ssettag $0x0;
	lr =	simm.s32 $0x1  }
0x2: {  	[smem:$0x3F9F] =	sst lr;
	_ =	strace $0xD0000000  }
0x3: {  	_ = 	snop  }
0x4: {  	_ = 	snop  }
0x5: {  	_ = 	snop  }
0x6: {  	_ = 	snop  }
0x7: {  	_ = 	snop  }
__scs_overlays_trampoline_lowered:
0x8: {  	[smem:$0x3FAE] =	sst s0  }
0x9: {  	[smem:$0x3FAF] =	sst s1  }
0xa: {  	[smem:$0x3FB0] =	sst s2  }
0xb: {  	[smem:$0x3FB1] =	sst s3  }
0xc: {  	[smem:$0x3FB2] =	sst s4  }
0xd: {  	[smem:$0x3FB3] =	sst s5  }
0xe: {  	[smem:$0x3FB4] =	sst s6  }
0xf: {  	[smem:$0x3FB5] =	sst s7  }
0x10: {  	[smem:$0x3FB6] =	sst s8  }
0x11: {  	[smem:$0x3FB7] =	sst s9;
	s0 =	simm.s32 @!p0 $0x0  }
0x12: {  	s1 =	sld [smem:$0x3F9D];
	s0 =	simm.s32 @p0 $0x1  }
0x13: {  	[smem:$0x3FB8] =	sst s0;
	s0 =	simm.s32 @!p1 $0x0  }
0x14: {  	s2 =	sld [smem:$0x3F9C];
	s0 =	simm.s32 @p1 $0x1  }
0x15: {  	[smem:$0x3FB9] =	sst s0;
	s0 =	simm.s32 @!p2 $0x0  }
0x16: {  	s3 =	sld [smem:$0x3FDB];
	s0 =	simm.s32 @p2 $0x1  }
0x17: {  	s4 =	simm.s32 $0x1BF5;
	[smem:$0x3FBB] =	sst s0  }
0x18: {  	s0 =	sld [smem:$0x3F9E];
	_ =	swait.ge [sflag:s4], $0x0  }
0x19: {  	s7 =	sld [smem:$0x3F9F]  }
0x1a: {  	s8 =	sadd.s32 $0xFFFFE003, lr  }
0x1b: {  	s9 =	sadd.s32 $0xFFFFFEF7, lr;
	s5 =	simm.s32 $0xFFFFFFFF;
	p2 =	slt.u32 s8, $0xFFFFF086  }
0x1c: {  	p1 =	slt.u32 s9, $0xF7A;
	s5 =	simm.s32 @!p2 $0x0  }
0x1d: {  	s5 =	simm.s32 @p1 $0x1;
	p0 =	seq.s32 s7, s2  }
0x1e: {  	s7 =	smul.u32 @!p0 $0xF7A, s2;
	p2 =	seq.s32 @!p0 s5, $0x0  }
0x1f: {  	s9 =	smul.u32 $0xF7A, s1;
	s8 =	simm.s32 @!p0 $0x1BF5;
	p2 =	por !p2, p0  }
0x20: {  	[sflag:s8] =	ssyncset.s32 @!p0 $0xFFFFF086;
	s6 =	sadd.s32 @!p0 s3, s7;
	s7 =	simm.s32 @!p0 $0x108  }
0x21: {  	s3 =	sadd.s32 s3, s9;
	s6 =	sadd.s32 @!p0 $0x88, s6;
	s7 =	simm.s32 @p2 $0x1082  }
0x22: {  	[simem:s7], [sflag:s8] =	dma.local @!p0 [hbm:s6], $0xF7A  }
0x23: {  	s9 =	sor.u32 $0xD0000000, s2;
	s6 =	simm.s32 $0x108;
	_ =	swait.ge @!p0 [sflag:s8], $0x0  }
0x24: {  	s3 =	sadd.s32 $0x88, s3;
	s6 =	simm.s32 @!p1 $0x1082;
	[sflag:s4] =	ssyncset.s32 $0xFFFFF086  }
0x25: {  	[simem:s6], [sflag:s4] =	dma.local [hbm:s3], $0xF7A  }
0x26: {  	[smem:$0x3F9F] =	sst s1;
	(tag) =	ssettag s2;
	_ =	strace s9  }
0x27: {  	s1 =	sld [smem:$0x3FAF]  }
0x28: {  	s2 =	sld [smem:$0x3FB0]  }
0x29: {  	s4 =	sld [smem:$0x3FB2]  }
0x2a: {  	p0 =	seq.s32 s5, $0x0;
	s5 =	sld [smem:$0x3FB3]  }
0x2b: {  	s6 =	sld [smem:$0x3FB4]  }
0x2c: {  	s7 =	sld [smem:$0x3FB5]  }
0x2d: {  	s3 =	simm.s32 $0x108;
	s8 =	sld [smem:$0x3FB6]  }
0x2e: {  	s3 =	simm.s32 @!p0 $0x1082;
	s9 =	sld [smem:$0x3FB7]  }
0x2f: {  	lr =	sadd.s32 s0, s3;
	s0 =	sld [smem:$0x3FAE]  }
0x30: {  	s3 =	sld [smem:$0x3FB1]  }
0x31: {  	[smem:$0x3FBA] =	sst s10  }
0x32: {  	s10 =	sld [smem:$0x3FB8];
	_ =	sdelay $0x3  }
0x33: {  	p0 =	seq.s32 s10, $0x1;
	s10 =	sld [smem:$0x3FBA];
	_ =	sdelay $0x3  }
0x34: {  	[smem:$0x3FBA] =	sst s10  }
0x35: {  	s10 =	sld [smem:$0x3FB9];
	_ =	sdelay $0x3  }
0x36: {  	p1 =	seq.s32 s10, $0x1;
	s10 =	sld [smem:$0x3FBA];
	_ =	sdelay $0x3  }
0x37: {  	[smem:$0x3FBA] =	sst s10  }
0x38: {  	s10 =	sld [smem:$0x3FBB]  }
0x39: {  	_ = 	snop;
	(pc) =	sbr.ind lr, $3  }
0x3a: {  	_ = 	snop  }
0x3b: {  	_ = 	snop  }
0x3c: {  	p2 =	seq.s32 s10, $0x1;
	s10 =	sld [smem:$0x3FBA]  }
0x3d: {  	_ =	shalt  }
0x3e: {  	_ =	shalt  }
0x3f: {  	_ =	shalt  }
0x40: {  	_ =	shalt  }
0x41: {  	_ =	shalt  }
0x42: {  	_ =	shalt  }
0x43: {  	_ =	shalt  }
0x44: {  	_ =	shalt  }
0x45: {  	_ =	shalt  }
0x46: {  	_ =	shalt  }
0x47: {  	_ =	shalt  }
0x48: {  	_ =	shalt  }
0x49: {  	_ =	shalt  }
0x4a: {  	_ =	shalt  }
0x4b: {  	_ =	shalt  }
0x4c: {  	_ =	shalt  }
0x4d: {  	_ =	shalt  }
0x4e: {  	_ =	shalt  }
0x4f: {  	_ =	shalt  }
0x50: {  	_ =	shalt  }
0x51: {  	_ =	shalt  }
0x52: {  	_ =	shalt  }
0x53: {  	_ =	shalt  }
0x54: {  	_ =	shalt  }
0x55: {  	_ =	shalt  }
0x56: {  	_ =	shalt  }
0x57: {  	_ =	shalt  }
0x58: {  	_ =	shalt  }
0x59: {  	_ =	shalt  }
0x5a: {  	_ =	shalt  }
0x5b: {  	_ =	shalt  }
0x5c: {  	_ =	shalt  }
0x5d: {  	_ =	shalt  }
0x5e: {  	_ =	shalt  }
0x5f: {  	_ =	shalt  }
0x60: {  	_ =	shalt  }
0x61: {  	_ =	shalt  }
0x62: {  	_ =	shalt  }
0x63: {  	_ =	shalt  }
0x64: {  	_ =	shalt  }
0x65: {  	_ =	shalt  }
0x66: {  	_ =	shalt  }
0x67: {  	_ =	shalt  }
0x68: {  	_ =	shalt  }
0x69: {  	_ =	shalt  }
0x6a: {  	_ =	shalt  }
0x6b: {  	_ =	shalt  }
0x6c: {  	_ =	shalt  }
0x6d: {  	_ =	shalt  }
0x6e: {  	_ =	shalt  }
0x6f: {  	_ =	shalt  }
0x70: {  	_ =	shalt  }
0x71: {  	_ =	shalt  }
0x72: {  	_ =	shalt  }
0x73: {  	_ =	shalt  }
0x74: {  	_ =	shalt  }
0x75: {  	_ =	shalt  }
0x76: {  	_ =	shalt  }
0x77: {  	_ =	shalt  }
0x78: {  	_ =	shalt  }
0x79: {  	_ =	shalt  }
0x7a: {  	_ =	shalt  }
0x7b: {  	_ =	shalt  }
0x7c: {  	_ =	shalt  }
0x7d: {  	_ =	shalt  }
0x7e: {  	_ =	shalt  }
0x7f: {  	_ =	shalt  }
0x80: {  	_ =	shalt  }
0x81: {  	_ =	shalt  }
0x82: {  	_ =	shalt  }
0x83: {  	_ =	shalt  }
0x84: {  	_ =	shalt  }
0x85: {  	_ =	shalt  }
0x86: {  	_ =	shalt  }
0x87: {  	_ =	shalt  }
.Lfunc_end0:
.L_simem_size_0:
called_computation.1_lowered:
.L_overlay_start_0:
0x88: {  	s2 =	sld [smem:$0x3FD9]  }
0x89: {  	s3 =	sld [smem:$0x3FFE];
	_ =	sdelay $0x1  }
0x8a: {  	s1 =	srdreg.scid  }
0x8b: {  	s0 =	sand.u32 $0x1, s1  }
0x8c: {  	s17 =	sshll.u32 s0, $0xA;
	s2 =	sadd.s32 s3, s2  }
0x8d: {  	s2 =	sadd.s32 s2, s17  }
0x8e: {  	[smem:$0x3FC6] =	sst s2  }
0x8f: {  	_ = 	snop  }
0x90: {  	s2 =	sld [smem:$0x3FD0];
	(tm) =	ssettm $0x1  }
0x91: {  	s18 =	sld [smem:$0x3FFB];
	_ =	sdelay $0x3  }
0x92: {  	_ =	strace s18  }
0x93: {  	s3 =	sld [smem:$0x3FFC];
	_ =	sdelay $0x3  }
0x94: {  	_ =	strace s3  }
0x95: {  	s3 =	sld [smem:$0x3FFD];
	_ =	sdelay $0x3  }
0x96: {  	_ =	strace s3  }
0x97: {  	_ =	strace $0x8FFFFFFF  }
0x98: {  	s19 =	sld [smem:$0x3FDB];
	_ =	sdelay $0x1  }
0x99: {  	s4 =	simm.s32 $_scs_section_size  }
0x9a: {  	s5 =	simm.s32 $_size__tile_overlayer_lowered;
	s6 =	simm.s32 $_tile_overlayer_lowered  }
0x9b: {  	s22 =	simm.s32 $0x1BFF;
	s21 =	sshll.u32 s6, $0x1;
	s3 =	sadd.s32 s4, s19  }
0x9c: {  	s7 =	simm.s32 $0x0;
	s20 =	sshll.u32 s5, $0x1;
	s5 =	sadd.s32 s21, s3  }
0x9d: {  	[timem:s7], [sflag:s22] =	dma.local [hbm:s5], s20  }
0x9e: {  	_ =	swait.ge [sflag:s22], s20  }
0x9f: {  	s4 =	ssub.s32 $0x0, s20;
	[sflag:s22] =	ssyncset.done $0x0  }
0xa0: {  	[sflag:s22] =	ssyncadd.s32 s4;
	_ =	sdelay $0x1  }
0xa1: {  	s23 =	simm.s32 $0x1B8B  }
0xa2: {  	_ =	swait.ge [sflag:s23], $0x1  }
0xa3: {  	[sflag:s23] =	ssyncset.done $0x0  }
0xa4: {  	s25 =	simm.s32 $0x1B8E;
	s24 =	sld [smem:$0x3FFE];
	[sflag:s23] =	ssyncadd.s32 $0xFFFFFFFF  }
0xa5: {  	s26 =	simm.s32 $execute0_lowered;
	[smem:$0x3FD2] =	sst s25  }
0xa6: {  	s5 =	sshll.u32 s26, $0x1;
	_ =	strace $0x80000049;
	[dreg:$0x1] =	wrdreg $0xFFFFFFFF  }
0xa7: {  	s28 =	simm.s32 $_size_execute0_lowered;
	s3 =	sadd.s32 s3, s5;
	[dreg:$0x0] =	wrdreg $0x0  }
0xa8: {  	s5 =	sshll.u32 s28, $0x1;
	[dreg:$0x2] =	wrdreg s3  }
0xa9: {  	[dreg:$0x3] =	wrdreg s5  }
0xaa: {  	[dreg:$0x4] =	wrdreg $0xC0  }
0xab: {  	_ =	task [dreg:s7], $0x5FFFF  }
0xac: {  	[dreg:$0x1] =	wrdreg $0xFFFFFFFF  }
0xad: {  	[dreg:$0x0] =	wrdreg $0x60  }
0xae: {  	[dreg:$0x2] =	wrdreg s24  }
0xaf: {  	[dreg:$0x3] =	wrdreg s2  }
0xb0: {  	[dreg:$0x4] =	wrdreg $0x9  }
0xb1: {  	_ =	task.clear_ibuf [dreg:s7], $0x5FFFF;
	_ =	strace $0x90000049  }
0xb2: {  	s29 =	simm.s32 $0x9;
	_ =	strace $0x8000004B  }
0xb3: {  	_ =	swait.ge [sflag:s29], $0x1  }
0xb4: {  	[sflag:s29] =	ssyncadd.s32 $0xFFFFFFFF  }
0xb5: {  	_ =	strace $0x9000004B  }
0xb6: {  	_ =	sfence  }
0xb7: {  	s30 =	sld [smem:$0x0];
	_ =	sdelay $0x2  }
0xb8: {  	s31 =	sshll.u32 s1, $0xD;
	s1 =	sshrl.u32 s1, $0x2  }
0xb9: {  	s3 =	sand.u32 $0x4000, s31;
	s1 =	sadd.s32 s1, s30  }
0xba: {  	s0 =	sor.u32 s3, s0;
	s1 =	sshll.u32 s1, $0x11  }
0xbb: {  	s0 =	sor.u32 s1, s0  }
0xbc: {  	s0 =	sadd.s32 $0x8F2B, s0  }
0xbd: {  	[sflag:s0] =	ssyncadd.remote.s32 $0x1  }
0xbe: {  	_ =	sfence.sel $0xFFFF  }
0xbf: {  	[dreg:$0x0] =	wrdreg $0xFFFFFFFF;
	(pc) =	sbr.abs _section_cstart, $3  }
0xc0: {  	[dreg:$0x1] =	wrdreg $0xFFFFFFFF  }
0xc1: {  	_ =	task.clear_ibuf [dreg:s7], $0x2FFFF;
	_ =	strace $0x9FFFFFFF  }
0xc2: {  	(tm) =	ssettm $0x7FFFFFFF  }
0xc3: {  	_ =	shalt  }
tec
execute0_lowered:
.L_overlay_start_1:
0x0: {  	(tag) =	ssettag $0x1  }
0x1: {  	s3 =	rddreg [dreg:$0x0]  }
0x2: {  	s11 =	rddreg [dreg:$0x1]  }
0x3: {  	s0 =	rddreg [dreg:$0x2];
	s2 =	simm.s32 $0x0;
	s4 =	srdreg.scid  }
0x4: {  	s1 =	stileid.u32;
	s16 =	simm.s32 $0x6400;
	s17 =	simm.s32 $0x7400  }
0x5: {  	s18 =	simm.s32 $0x2;
	s19 =	simm.s32 $0x4;
	s20 =	simm.s32 $0x3  }
0x6: {  	s21 =	simm.s32 $0x5;
	s22 =	simm.s32 $0x0;
	[smem:$0x7FF] =	sst s2  }
0x7: {  	s4 =	sand.u32 $0x1, s4;
	s5 =	sshll.u32 s1, $0x1;
	s8 =	sadd.s32 $0xF43000, s3  }
0x8: {  	s3 =	sadd.s32 $0xF5C000, s3;
	_ =	strace $0x8000004A;
	s6 =	sor.u32 s4, s5  }
0x9: {  	s4 =	ssub.s32 $0x2, s4;
	s5 =	sshll.u32 s6, $0x9;
	s7 =	smul.u32 $0xC80, s6  }
0xa: {  	s10 =	sshrl.u32 s4, $0x1;
	s28 =	sshll.u32 s6, $0xB;
	s9 =	sor.u32 $0x80, s5  }
0xb: {  	s13 =	sor.u32 $0x100, s5;
	s14 =	ssub.s32 s4, s10;
	s12 =	smul.u32 $0x32, s9  }
0xc: {  	s15 =	sor.u32 $0x180, s5;
	s23 =	smul.u32 $0x32, s13;
	s4 =	sadd.s32 s8, s7  }
0xd: {  	s25 =	smul.u32 $0x32, s15;
	s7 =	sadd.s32 s11, s28;
	s9 =	sshll.u32 s9, $0x2  }
0xe: {  	s30 =	sshll.u32 s13, $0x2;
	s31 =	sshll.u32 s15, $0x2;
	s13 =	simm.s32 $0x1  }
0xf: {  	s15 =	simm.s32 $0x80;
	s9 =	sadd.s32 s11, s9;
	s10 =	sadd.s32 s11, s30  }
0x10: {  	s11 =	sadd.s32 s11, s31;
	s24 =	sshrl.u32 s12, $0x3;
	s26 =	sshrl.u32 s23, $0x3  }
0x11: {  	v0 =	vlaneseq.u32;
	s29 =	sshrl.u32 s25, $0x3;
	s12 =	smax.u32 s14, $0x1;
	s14 =	simm.s32 $0x1900  }
0x12: {  	v1 =	vimm.f32 $0.0e+00;
	v0 =	vmul.u32 $0x32, v0;
	s5 =	sadd.s32 s8, s24;
	s6 =	sadd.s32 s8, s26;
	s8 =	sadd.s32 s8, s29  }
.LBB2_1:
0x13: {  	_ = 	snop  }
0x14: {  	v2 =	vadd.s32 s2, v0  }
0x15: {  	[tilespmem:s2], [sflag:$0x1] =	stream.linear.gather [hbm4b:s4+s2], $0x1900, $0x38;
	[tilespmem:$0x8400] =	vst v63  }
0x16: {  	_ =	swait.ge [sflag:s13], $0x1900  }
0x17: {  	[sflag:s13] =	ssyncset.done $0x0  }
0x18: {  	[sflag:s13] =	ssyncadd.s32 $0xFFFFE700  }
0x19: {  	v2 =	vld.idx.msk [tilespmem:v2+s2+$0x0], $0xffff;
	_ =	sdelay $0x2  }
0x1a: {  	s23 =	simm.s32 $0x320  }
0x1b: {  	v3 =	vadd.s32 s23, v0  }
0x1c: {  	vm0 =	vgt.s32 v2, $0x0  }
0x1d: {  	v2 =	vnsel vm0, $0x0, v2  }
0x1e: {  	s23 =	simm.s32 $0x3240;
	v2 =	vshll.u32 v2, $0x2  }
0x1f: {  	[tilespmem:s23+$0xFFFFFFC0] =	vst v2  }
0x20: {  	v2 =	vld.idx.msk [tilespmem:v3+s2+$0x0], $0xffff;
	_ =	sdelay $0x2  }
0x21: {  	s24 =	simm.s32 $0x640  }
0x22: {  	v3 =	vadd.s32 s24, v0  }
0x23: {  	vm10 =	vgt.s32 v2, $0x0  }
0x24: {  	v2 =	vnsel vm10, $0x0, v2  }
0x25: {  	v2 =	vshll.u32 v2, $0x2  }
0x26: {  	[tilespmem:s23+$0xFFFFFFD0] =	vst v2  }
0x27: {  	v2 =	vld.idx.msk [tilespmem:v3+s2+$0x0], $0xffff;
	_ =	sdelay $0x2  }
0x28: {  	s26 =	simm.s32 $0x960  }
0x29: {  	v3 =	vadd.s32 s26, v0  }
0x2a: {  	vm11 =	vgt.s32 v2, $0x0  }
0x2b: {  	v2 =	vnsel vm11, $0x0, v2  }
0x2c: {  	v2 =	vshll.u32 v2, $0x2  }
0x2d: {  	[tilespmem:s23+$0xFFFFFFE0] =	vst v2  }
0x2e: {  	v2 =	vld.idx.msk [tilespmem:v3+s2+$0x0], $0xffff;
	_ =	sdelay $0x2  }
0x2f: {  	s28 =	simm.s32 $0xC80  }
0x30: {  	v3 =	vadd.s32 s28, v0  }
0x31: {  	vm12 =	vgt.s32 v2, $0x0  }
0x32: {  	v2 =	vnsel vm12, $0x0, v2  }
0x33: {  	v2 =	vshll.u32 v2, $0x2  }
0x34: {  	[tilespmem:s23+$0xFFFFFFF0] =	vst v2  }
0x35: {  	v2 =	vld.idx.msk [tilespmem:v3+s2+$0x0], $0xffff;
	_ =	sdelay $0x2  }
0x36: {  	s29 =	simm.s32 $0xFA0  }
0x37: {  	v3 =	vadd.s32 s29, v0  }
0x38: {  	vm13 =	vgt.s32 v2, $0x0  }
0x39: {  	v2 =	vnsel vm13, $0x0, v2  }
0x3a: {  	v2 =	vshll.u32 v2, $0x2  }
0x3b: {  	[tilespmem:s23+$0x0] =	vst v2  }
0x3c: {  	v2 =	vld.idx.msk [tilespmem:v3+s2+$0x0], $0xffff;
	_ =	sdelay $0x2  }
0x3d: {  	s30 =	simm.s32 $0x12C0  }
0x3e: {  	v3 =	vadd.s32 s30, v0  }
0x3f: {  	vm14 =	vgt.s32 v2, $0x0  }
0x40: {  	v2 =	vnsel vm14, $0x0, v2  }
0x41: {  	v2 =	vshll.u32 v2, $0x2  }
0x42: {  	[tilespmem:s23+$0x10] =	vst v2  }
0x43: {  	v2 =	vld.idx.msk [tilespmem:v3+s2+$0x0], $0xffff;
	_ =	sdelay $0x2  }
0x44: {  	s31 =	simm.s32 $0x15E0  }
0x45: {  	v3 =	vadd.s32 s31, v0  }
0x46: {  	vm15 =	vgt.s32 v2, $0x0  }
0x47: {  	v2 =	vnsel vm15, $0x0, v2  }
0x48: {  	v2 =	vshll.u32 v2, $0x2  }
0x49: {  	[tilespmem:s23+$0x20] =	vst v2  }
0x4a: {  	v3 =	vld.idx.msk [tilespmem:v3+s2+$0x0], $0xffff;
	_ =	sdelay $0x2  }
0x4b: {  	s24 =	simm.s32 $0x1  }
0x4c: {  	s25 =	simm.s32 $0x2;
	v2 =	vadd.s32 s24, v0  }
.LBB2_2:
0x4d: {  	p0 =	sne.s32 s25, $0x31;
	vm0 =	vgt.s32 v3, $0x0  }
0x4e: {  	v3 =	vnsel vm0, $0x0, v3  }
0x4f: {  	v3 =	vshll.u32 v3, $0x2  }
0x50: {  	[tilespmem:s23+$0x30] =	vst v3  }
0x51: {  	v2 =	vld.idx.msk [tilespmem:v2+s2+$0x0], $0xffff;
	_ =	sdelay $0x3  }
0x52: {  	s26 =	sadd.s32 $0x320, s24  }
0x53: {  	v3 =	vadd.s32 s26, v0  }
0x54: {  	vm0 =	vgt.s32 v2, $0x0  }
0x55: {  	v2 =	vnsel vm0, $0x0, v2  }
0x56: {  	s23 =	sadd.s32 $0x80, s23;
	v2 =	vshll.u32 v2, $0x2  }
0x57: {  	[tilespmem:s23+$0xFFFFFFC0] =	vst v2  }
0x58: {  	v2 =	vld.idx.msk [tilespmem:v3+s2+$0x0], $0xffff;
	_ =	sdelay $0x3  }
0x59: {  	s26 =	sadd.s32 $0x640, s24  }
0x5a: {  	v3 =	vadd.s32 s26, v0  }
0x5b: {  	vm0 =	vgt.s32 v2, $0x0  }
0x5c: {  	v2 =	vnsel vm0, $0x0, v2  }
0x5d: {  	v2 =	vshll.u32 v2, $0x2  }
0x5e: {  	[tilespmem:s23+$0xFFFFFFD0] =	vst v2  }
0x5f: {  	v2 =	vld.idx.msk [tilespmem:v3+s2+$0x0], $0xffff;
	_ =	sdelay $0x3  }
0x60: {  	s26 =	sadd.s32 $0x960, s24  }
0x61: {  	v3 =	vadd.s32 s26, v0  }
0x62: {  	vm0 =	vgt.s32 v2, $0x0  }
0x63: {  	v2 =	vnsel vm0, $0x0, v2  }
0x64: {  	v2 =	vshll.u32 v2, $0x2  }
0x65: {  	[tilespmem:s23+$0xFFFFFFE0] =	vst v2  }
0x66: {  	v2 =	vld.idx.msk [tilespmem:v3+s2+$0x0], $0xffff;
	_ =	sdelay $0x3  }
0x67: {  	s26 =	sadd.s32 $0xC80, s24  }
0x68: {  	v3 =	vadd.s32 s26, v0  }
0x69: {  	vm0 =	vgt.s32 v2, $0x0  }
0x6a: {  	v2 =	vnsel vm0, $0x0, v2  }
0x6b: {  	v2 =	vshll.u32 v2, $0x2  }
0x6c: {  	[tilespmem:s23+$0xFFFFFFF0] =	vst v2  }
0x6d: {  	v2 =	vld.idx.msk [tilespmem:v3+s2+$0x0], $0xffff;
	_ =	sdelay $0x3  }
0x6e: {  	s26 =	sadd.s32 $0xFA0, s24  }
0x6f: {  	v3 =	vadd.s32 s26, v0  }
0x70: {  	vm0 =	vgt.s32 v2, $0x0  }
0x71: {  	v2 =	vnsel vm0, $0x0, v2  }
0x72: {  	v2 =	vshll.u32 v2, $0x2  }
0x73: {  	[tilespmem:s23+$0x0] =	vst v2  }
0x74: {  	v2 =	vld.idx.msk [tilespmem:v3+s2+$0x0], $0xffff;
	_ =	sdelay $0x3  }
0x75: {  	s26 =	sadd.s32 $0x12C0, s24  }
0x76: {  	v3 =	vadd.s32 s26, v0  }
0x77: {  	vm0 =	vgt.s32 v2, $0x0  }
0x78: {  	v2 =	vnsel vm0, $0x0, v2  }
0x79: {  	v2 =	vshll.u32 v2, $0x2  }
0x7a: {  	[tilespmem:s23+$0x10] =	vst v2  }
0x7b: {  	v2 =	vld.idx.msk [tilespmem:v3+s2+$0x0], $0xffff;
	_ =	sdelay $0x3  }
0x7c: {  	s26 =	sadd.s32 $0x15E0, s24;
	s24 =	smov.u32 s25  }
0x7d: {  	v3 =	vadd.s32 s26, v0  }
0x7e: {  	vm0 =	vgt.s32 v2, $0x0  }
0x7f: {  	v2 =	vnsel vm0, $0x0, v2  }
0x80: {  	v2 =	vshll.u32 v2, $0x2  }
0x81: {  	[tilespmem:s23+$0x20] =	vst v2  }
0x82: {  	v3 =	vld.idx.msk [tilespmem:v3+s2+$0x0], $0xffff  }
.Ltmp0:
0x83: {  	(pc) =	sbr.rel @p0 .LBB2_2-.Ltmp0, $2  }
0x84: {  	_ =	sdelay $0x2  }
0x85: {  	s25 =	sadd.s32 $0x1, s25;
	v2 =	vadd.s32 s24, v0  }
0x86: {  	vm0 =	vgt.s32 v3, $0x0  }
0x87: {  	v3 =	vnsel vm0, $0x0, v3  }
0x88: {  	v3 =	vshll.u32 v3, $0x2  }
0x89: {  	[tilespmem:s23+$0x30] =	vst v3  }
0x8a: {  	v2 =	vld.idx.msk [tilespmem:v2+s2+$0x0], $0xffff;
	_ =	sdelay $0x2  }
0x8b: {  	s25 =	sadd.s32 $0x320, s24  }
0x8c: {  	v3 =	vadd.s32 s25, v0  }
0x8d: {  	vm8 =	vgt.s32 v2, $0x0  }
0x8e: {  	v2 =	vnsel vm8, $0x0, v2  }
0x8f: {  	s23 =	sadd.s32 $0x80, s23;
	v2 =	vshll.u32 v2, $0x2  }
0x90: {  	[tilespmem:s23+$0xFFFFFFC0] =	vst v2  }
0x91: {  	v2 =	vld.idx.msk [tilespmem:v3+s2+$0x0], $0xffff;
	_ =	sdelay $0x2  }
0x92: {  	s30 =	sadd.s32 $0x640, s24  }
0x93: {  	v3 =	vadd.s32 s30, v0  }
0x94: {  	vm9 =	vgt.s32 v2, $0x0  }
0x95: {  	v2 =	vnsel vm9, $0x0, v2  }
0x96: {  	v2 =	vshll.u32 v2, $0x2  }
0x97: {  	[tilespmem:s23+$0xFFFFFFD0] =	vst v2  }
0x98: {  	v2 =	vld.idx.msk [tilespmem:v3+s2+$0x0], $0xffff;
	_ =	sdelay $0x2  }
0x99: {  	s31 =	sadd.s32 $0x960, s24  }
0x9a: {  	v3 =	vadd.s32 s31, v0  }
0x9b: {  	vm10 =	vgt.s32 v2, $0x0  }
0x9c: {  	v2 =	vnsel vm10, $0x0, v2  }
0x9d: {  	v2 =	vshll.u32 v2, $0x2  }
0x9e: {  	[tilespmem:s23+$0xFFFFFFE0] =	vst v2  }
0x9f: {  	v2 =	vld.idx.msk [tilespmem:v3+s2+$0x0], $0xffff;
	_ =	sdelay $0x2  }
0xa0: {  	s26 =	sadd.s32 $0xC80, s24  }
0xa1: {  	v3 =	vadd.s32 s26, v0  }
0xa2: {  	vm11 =	vgt.s32 v2, $0x0  }
0xa3: {  	v2 =	vnsel vm11, $0x0, v2  }
0xa4: {  	v2 =	vshll.u32 v2, $0x2  }
0xa5: {  	[tilespmem:s23+$0xFFFFFFF0] =	vst v2  }
0xa6: {  	v2 =	vld.idx.msk [tilespmem:v3+s2+$0x0], $0xffff;
	_ =	sdelay $0x2  }
0xa7: {  	s28 =	sadd.s32 $0xFA0, s24  }
0xa8: {  	v3 =	vadd.s32 s28, v0  }
0xa9: {  	vm12 =	vgt.s32 v2, $0x0  }
0xaa: {  	v2 =	vnsel vm12, $0x0, v2  }
0xab: {  	v2 =	vshll.u32 v2, $0x2  }
0xac: {  	[tilespmem:s23+$0x0] =	vst v2  }
0xad: {  	v2 =	vld.idx.msk [tilespmem:v3+s2+$0x0], $0xffff;
	_ =	sdelay $0x2  }
0xae: {  	s29 =	sadd.s32 $0x12C0, s24  }
0xaf: {  	v3 =	vadd.s32 s29, v0  }
0xb0: {  	vm13 =	vgt.s32 v2, $0x0  }
0xb1: {  	v2 =	vnsel vm13, $0x0, v2  }
0xb2: {  	v2 =	vshll.u32 v2, $0x2  }
0xb3: {  	[tilespmem:s23+$0x10] =	vst v2  }
0xb4: {  	v2 =	vld.idx.msk [tilespmem:v3+s2+$0x0], $0xffff;
	_ =	sdelay $0x2  }
0xb5: {  	s30 =	sadd.s32 $0x15E0, s24  }
0xb6: {  	v3 =	vadd.s32 s30, v0  }
0xb7: {  	vm14 =	vgt.s32 v2, $0x0  }
0xb8: {  	v2 =	vnsel vm14, $0x0, v2  }
0xb9: {  	v2 =	vshll.u32 v2, $0x2  }
0xba: {  	[tilespmem:s23+$0x20] =	vst v2  }
0xbb: {  	v2 =	vld.idx.msk [tilespmem:v3+s2+$0x0], $0xffff;
	_ =	sdelay $0x4  }
0xbc: {  	vm15 =	vgt.s32 v2, $0x0  }
0xbd: {  	v2 =	vnsel vm15, $0x0, v2  }
0xbe: {  	v2 =	vshll.u32 v2, $0x2  }
0xbf: {  	s24 =	simm.s32 $0x0;
	s31 =	simm.s32 $0x0;
	[tilespmem:s23+$0x30] =	vst v2;
	s23 =	simm.s32 $0x80  }
0xc0: {  	[tilespmem:s14], [sflag:$0x1] =	stream.linear.gather [hbm4b:s5+s31], $0x1900, $0x38;
	[tilespmem:$0x8400] =	vst v63  }
.LBB2_4:
0xc1: {  	p0 =	sne.s32 s23, $0x3F80;
	[tilespmem:s24+$0x6400] =	vst v1;
	s25 =	smov.u32 s23;
	s23 =	sadd.s32 $0x80, s23  }
.Ltmp1:
0xc2: {  	[tilespmem:s24+$0x6410] =	vst v1;
	(pc) =	sbr.rel @p0 .LBB2_4-.Ltmp1, $2  }
0xc3: {  	_ =	sdelay $0x2  }
0xc4: {  	s24 =	sshra.s32 s25, $0x2  }
0xc5: {  	[tilespmem:s24+$0x6400] =	vst v1  }
0xc6: {  	[tilespmem:s24+$0x6410] =	vst v1;
	s23 =	simm.s32 $0x200;
	s24 =	simm.s32 $0x3200  }
.LBB2_6:
0xc7: {  	[tilespmem:s16], [sflag:$0x2] =	stream.indirect.gather.add.f32 [hbm:s3], $0x20, s24, s15, $0xb8;
	[tilespmem:$0x8400] =	vst v63  }
0xc8: {  	s24 =	smov.u32 s23;
	p0 =	sne.s32 s23, $0x6200  }
.Ltmp2:
0xc9: {  	s23 =	sadd.s32 $0x200, s23;
	(pc) =	sbr.rel @p0 .LBB2_6-.Ltmp2, $3  }
0xca: {  	_ =	sdelay $0x1  }
0xcb: {  	s24 =	sshra.s32 s24, $0x2  }
0xcc: {  	s24 =	sadd.s32 $0x3200, s24  }
0xcd: {  	s23 =	simm.s32 $0x0  }
0xce: {  	v2 =	vadd.s32 s23, v0  }
0xcf: {  	[tilespmem:s16], [sflag:$0x2] =	stream.indirect.gather.add.f32 [hbm:s3], $0x20, s24, s15, $0xb8;
	[tilespmem:$0x8400] =	vst v63  }
0xd0: {  	_ =	swait.ge [sflag:s13], $0x1900  }
0xd1: {  	[sflag:s13] =	ssyncset.done $0x0  }
0xd2: {  	[sflag:s13] =	ssyncadd.s32 $0xFFFFE700  }
0xd3: {  	v2 =	vld.idx.msk [tilespmem:v2+s14+$0x0], $0xffff;
	_ =	sdelay $0x2  }
0xd4: {  	s24 =	simm.s32 $0x320  }
0xd5: {  	v3 =	vadd.s32 s24, v0  }
0xd6: {  	vm0 =	vgt.s32 v2, $0x0  }
0xd7: {  	v2 =	vnsel vm0, $0x0, v2  }
0xd8: {  	s23 =	simm.s32 $0x4B70;
	v2 =	vshll.u32 v2, $0x2  }
0xd9: {  	[tilespmem:s23+$0xFFFFFF90] =	vst v2  }
0xda: {  	v2 =	vld.idx.msk [tilespmem:v3+s14+$0x0], $0xffff;
	_ =	sdelay $0x2  }
0xdb: {  	s25 =	simm.s32 $0x640  }
0xdc: {  	v3 =	vadd.s32 s25, v0  }
0xdd: {  	vm10 =	vgt.s32 v2, $0x0  }
0xde: {  	v2 =	vnsel vm10, $0x0, v2  }
0xdf: {  	v2 =	vshll.u32 v2, $0x2  }
0xe0: {  	[tilespmem:s23+$0xFFFFFFA0] =	vst v2  }
0xe1: {  	v2 =	vld.idx.msk [tilespmem:v3+s14+$0x0], $0xffff;
	_ =	sdelay $0x2  }
0xe2: {  	s26 =	simm.s32 $0x960  }
0xe3: {  	v3 =	vadd.s32 s26, v0  }
0xe4: {  	vm11 =	vgt.s32 v2, $0x0  }
0xe5: {  	v2 =	vnsel vm11, $0x0, v2  }
0xe6: {  	v2 =	vshll.u32 v2, $0x2  }
0xe7: {  	[tilespmem:s23+$0xFFFFFFB0] =	vst v2  }
0xe8: {  	v2 =	vld.idx.msk [tilespmem:v3+s14+$0x0], $0xffff;
	_ =	sdelay $0x2  }
0xe9: {  	s28 =	simm.s32 $0xC80  }
0xea: {  	v3 =	vadd.s32 s28, v0  }
0xeb: {  	vm12 =	vgt.s32 v2, $0x0  }
0xec: {  	v2 =	vnsel vm12, $0x0, v2  }
0xed: {  	v2 =	vshll.u32 v2, $0x2  }
0xee: {  	[tilespmem:s23+$0xFFFFFFC0] =	vst v2  }
0xef: {  	v2 =	vld.idx.msk [tilespmem:v3+s14+$0x0], $0xffff;
	_ =	sdelay $0x2  }
0xf0: {  	s29 =	simm.s32 $0xFA0  }
0xf1: {  	v3 =	vadd.s32 s29, v0  }
0xf2: {  	vm13 =	vgt.s32 v2, $0x0  }
0xf3: {  	v2 =	vnsel vm13, $0x0, v2  }
0xf4: {  	v2 =	vshll.u32 v2, $0x2  }
0xf5: {  	[tilespmem:s23+$0xFFFFFFD0] =	vst v2  }
0xf6: {  	v2 =	vld.idx.msk [tilespmem:v3+s14+$0x0], $0xffff;
	_ =	sdelay $0x2  }
0xf7: {  	s30 =	simm.s32 $0x12C0  }
0xf8: {  	v3 =	vadd.s32 s30, v0  }
0xf9: {  	vm14 =	vgt.s32 v2, $0x0  }
0xfa: {  	v2 =	vnsel vm14, $0x0, v2  }
0xfb: {  	v2 =	vshll.u32 v2, $0x2  }
0xfc: {  	[tilespmem:s23+$0xFFFFFFE0] =	vst v2  }
0xfd: {  	v2 =	vld.idx.msk [tilespmem:v3+s14+$0x0], $0xffff;
	_ =	sdelay $0x2  }
0xfe: {  	s31 =	simm.s32 $0x15E0  }
0xff: {  	v3 =	vadd.s32 s31, v0  }
0x100: {  	vm15 =	vgt.s32 v2, $0x0  }
0x101: {  	v2 =	vnsel vm15, $0x0, v2  }
0x102: {  	v2 =	vshll.u32 v2, $0x2  }
0x103: {  	[tilespmem:s23+$0xFFFFFFF0] =	vst v2  }
0x104: {  	v3 =	vld.idx.msk [tilespmem:v3+s14+$0x0], $0xffff;
	_ =	sdelay $0x2  }
0x105: {  	s24 =	simm.s32 $0x1  }
0x106: {  	s25 =	simm.s32 $0x2;
	v2 =	vadd.s32 s24, v0  }
.LBB2_8:
0x107: {  	p0 =	sne.s32 s25, $0x31;
	vm0 =	vgt.s32 v3, $0x0  }
0x108: {  	v3 =	vnsel vm0, $0x0, v3  }
0x109: {  	v3 =	vshll.u32 v3, $0x2  }
0x10a: {  	[tilespmem:s23+$0x0] =	vst v3  }
0x10b: {  	v2 =	vld.idx.msk [tilespmem:v2+s14+$0x0], $0xffff;
	_ =	sdelay $0x3  }
0x10c: {  	s26 =	sadd.s32 $0x320, s24  }
0x10d: {  	v3 =	vadd.s32 s26, v0  }
0x10e: {  	vm0 =	vgt.s32 v2, $0x0  }
0x10f: {  	v2 =	vnsel vm0, $0x0, v2  }
0x110: {  	s23 =	sadd.s32 $0x80, s23;
	v2 =	vshll.u32 v2, $0x2  }
0x111: {  	[tilespmem:s23+$0xFFFFFF90] =	vst v2  }
0x112: {  	v2 =	vld.idx.msk [tilespmem:v3+s14+$0x0], $0xffff;
	_ =	sdelay $0x3  }
0x113: {  	s26 =	sadd.s32 $0x640, s24  }
0x114: {  	v3 =	vadd.s32 s26, v0  }
0x115: {  	vm0 =	vgt.s32 v2, $0x0  }
0x116: {  	v2 =	vnsel vm0, $0x0, v2  }
0x117: {  	v2 =	vshll.u32 v2, $0x2  }
0x118: {  	[tilespmem:s23+$0xFFFFFFA0] =	vst v2  }
0x119: {  	v2 =	vld.idx.msk [tilespmem:v3+s14+$0x0], $0xffff;
	_ =	sdelay $0x3  }
0x11a: {  	s26 =	sadd.s32 $0x960, s24  }
0x11b: {  	v3 =	vadd.s32 s26, v0  }
0x11c: {  	vm0 =	vgt.s32 v2, $0x0  }
0x11d: {  	v2 =	vnsel vm0, $0x0, v2  }
0x11e: {  	v2 =	vshll.u32 v2, $0x2  }
0x11f: {  	[tilespmem:s23+$0xFFFFFFB0] =	vst v2  }
0x120: {  	v2 =	vld.idx.msk [tilespmem:v3+s14+$0x0], $0xffff;
	_ =	sdelay $0x3  }
0x121: {  	s26 =	sadd.s32 $0xC80, s24  }
0x122: {  	v3 =	vadd.s32 s26, v0  }
0x123: {  	vm0 =	vgt.s32 v2, $0x0  }
0x124: {  	v2 =	vnsel vm0, $0x0, v2  }
0x125: {  	v2 =	vshll.u32 v2, $0x2  }
0x126: {  	[tilespmem:s23+$0xFFFFFFC0] =	vst v2  }
0x127: {  	v2 =	vld.idx.msk [tilespmem:v3+s14+$0x0], $0xffff;
	_ =	sdelay $0x3  }
0x128: {  	s26 =	sadd.s32 $0xFA0, s24  }
0x129: {  	v3 =	vadd.s32 s26, v0  }
0x12a: {  	vm0 =	vgt.s32 v2, $0x0  }
0x12b: {  	v2 =	vnsel vm0, $0x0, v2  }
0x12c: {  	v2 =	vshll.u32 v2, $0x2  }
0x12d: {  	[tilespmem:s23+$0xFFFFFFD0] =	vst v2  }
0x12e: {  	v2 =	vld.idx.msk [tilespmem:v3+s14+$0x0], $0xffff;
	_ =	sdelay $0x3  }
0x12f: {  	s26 =	sadd.s32 $0x12C0, s24  }
0x130: {  	v3 =	vadd.s32 s26, v0  }
0x131: {  	vm0 =	vgt.s32 v2, $0x0  }
0x132: {  	v2 =	vnsel vm0, $0x0, v2  }
0x133: {  	v2 =	vshll.u32 v2, $0x2  }
0x134: {  	[tilespmem:s23+$0xFFFFFFE0] =	vst v2  }
0x135: {  	v2 =	vld.idx.msk [tilespmem:v3+s14+$0x0], $0xffff;
	_ =	sdelay $0x3  }
0x136: {  	s26 =	sadd.s32 $0x15E0, s24;
	s24 =	smov.u32 s25  }
0x137: {  	v3 =	vadd.s32 s26, v0  }
0x138: {  	vm0 =	vgt.s32 v2, $0x0  }
0x139: {  	v2 =	vnsel vm0, $0x0, v2  }
0x13a: {  	v2 =	vshll.u32 v2, $0x2  }
0x13b: {  	[tilespmem:s23+$0xFFFFFFF0] =	vst v2  }
0x13c: {  	v3 =	vld.idx.msk [tilespmem:v3+s14+$0x0], $0xffff  }
.Ltmp3:
0x13d: {  	(pc) =	sbr.rel @p0 .LBB2_8-.Ltmp3, $2  }
0x13e: {  	_ =	sdelay $0x2  }
0x13f: {  	s25 =	sadd.s32 $0x1, s25;
	v2 =	vadd.s32 s24, v0  }
0x140: {  	vm0 =	vgt.s32 v3, $0x0  }
0x141: {  	v3 =	vnsel vm0, $0x0, v3  }
0x142: {  	v3 =	vshll.u32 v3, $0x2  }
0x143: {  	[tilespmem:s23+$0x0] =	vst v3  }
0x144: {  	v2 =	vld.idx.msk [tilespmem:v2+s14+$0x0], $0xffff;
	_ =	sdelay $0x2  }
0x145: {  	s25 =	sadd.s32 $0x320, s24  }
0x146: {  	v3 =	vadd.s32 s25, v0  }
0x147: {  	vm8 =	vgt.s32 v2, $0x0  }
0x148: {  	v2 =	vnsel vm8, $0x0, v2  }
0x149: {  	s23 =	sadd.s32 $0x80, s23;
	v2 =	vshll.u32 v2, $0x2  }
0x14a: {  	[tilespmem:s23+$0xFFFFFF90] =	vst v2  }
0x14b: {  	v2 =	vld.idx.msk [tilespmem:v3+s14+$0x0], $0xffff;
	_ =	sdelay $0x2  }
0x14c: {  	s31 =	sadd.s32 $0x640, s24  }
0x14d: {  	v3 =	vadd.s32 s31, v0  }
0x14e: {  	vm9 =	vgt.s32 v2, $0x0  }
0x14f: {  	v2 =	vnsel vm9, $0x0, v2  }
0x150: {  	v2 =	vshll.u32 v2, $0x2  }
0x151: {  	[tilespmem:s23+$0xFFFFFFA0] =	vst v2  }
0x152: {  	v2 =	vld.idx.msk [tilespmem:v3+s14+$0x0], $0xffff;
	_ =	sdelay $0x2  }
0x153: {  	s26 =	sadd.s32 $0x960, s24  }
0x154: {  	v3 =	vadd.s32 s26, v0  }
0x155: {  	vm10 =	vgt.s32 v2, $0x0  }
0x156: {  	v2 =	vnsel vm10, $0x0, v2  }
0x157: {  	v2 =	vshll.u32 v2, $0x2  }
0x158: {  	[tilespmem:s23+$0xFFFFFFB0] =	vst v2  }
0x159: {  	v2 =	vld.idx.msk [tilespmem:v3+s14+$0x0], $0xffff;
	_ =	sdelay $0x2  }
0x15a: {  	s28 =	sadd.s32 $0xC80, s24  }
0x15b: {  	v3 =	vadd.s32 s28, v0  }
0x15c: {  	vm11 =	vgt.s32 v2, $0x0  }
0x15d: {  	v2 =	vnsel vm11, $0x0, v2  }
0x15e: {  	v2 =	vshll.u32 v2, $0x2  }
0x15f: {  	[tilespmem:s23+$0xFFFFFFC0] =	vst v2  }
0x160: {  	v2 =	vld.idx.msk [tilespmem:v3+s14+$0x0], $0xffff;
	_ =	sdelay $0x2  }
0x161: {  	s29 =	sadd.s32 $0xFA0, s24  }
0x162: {  	v3 =	vadd.s32 s29, v0  }
0x163: {  	vm12 =	vgt.s32 v2, $0x0  }
0x164: {  	v2 =	vnsel vm12, $0x0, v2  }
0x165: {  	v2 =	vshll.u32 v2, $0x2  }
0x166: {  	[tilespmem:s23+$0xFFFFFFD0] =	vst v2  }
0x167: {  	v2 =	vld.idx.msk [tilespmem:v3+s14+$0x0], $0xffff;
	_ =	sdelay $0x2  }
0x168: {  	s30 =	sadd.s32 $0x12C0, s24  }
0x169: {  	v3 =	vadd.s32 s30, v0  }
0x16a: {  	vm13 =	vgt.s32 v2, $0x0  }
0x16b: {  	v2 =	vnsel vm13, $0x0, v2  }
0x16c: {  	v2 =	vshll.u32 v2, $0x2  }
0x16d: {  	[tilespmem:s23+$0xFFFFFFE0] =	vst v2  }
0x16e: {  	v2 =	vld.idx.msk [tilespmem:v3+s14+$0x0], $0xffff;
	_ =	sdelay $0x2  }
0x16f: {  	s31 =	sadd.s32 $0x15E0, s24  }
0x170: {  	v3 =	vadd.s32 s31, v0  }
0x171: {  	vm14 =	vgt.s32 v2, $0x0  }
0x172: {  	v2 =	vnsel vm14, $0x0, v2  }
0x173: {  	v2 =	vshll.u32 v2, $0x2  }
0x174: {  	[tilespmem:s23+$0xFFFFFFF0] =	vst v2  }
0x175: {  	v2 =	vld.idx.msk [tilespmem:v3+s14+$0x0], $0xffff;
	_ =	sdelay $0x4  }
0x176: {  	vm15 =	vgt.s32 v2, $0x0  }
0x177: {  	v2 =	vnsel vm15, $0x0, v2  }
0x178: {  	v2 =	vshll.u32 v2, $0x2  }
0x179: {  	s25 =	simm.s32 $0x0;
	s24 =	simm.s32 $0x80;
	[tilespmem:s23+$0x0] =	vst v2;
	s23 =	simm.s32 $0x0  }
0x17a: {  	[tilespmem:s23], [sflag:$0x1] =	stream.linear.gather [hbm4b:s6+s23], $0x1900, $0x38;
	[tilespmem:$0x8400] =	vst v63  }
.LBB2_10:
0x17b: {  	p0 =	sne.s32 s24, $0x3F80;
	[tilespmem:s25+$0x7400] =	vst v1;
	s26 =	smov.u32 s24;
	s24 =	sadd.s32 $0x80, s24  }
.Ltmp4:
0x17c: {  	[tilespmem:s25+$0x7410] =	vst v1;
	(pc) =	sbr.rel @p0 .LBB2_10-.Ltmp4, $2  }
0x17d: {  	_ =	sdelay $0x2  }
0x17e: {  	s25 =	sshra.s32 s26, $0x2  }
0x17f: {  	[tilespmem:s25+$0x7400] =	vst v1  }
0x180: {  	[tilespmem:s25+$0x7410] =	vst v1  }
.LBB2_12:
0x181: {  	p0 =	sne.s32 s23, $0x6200  }
.Ltmp5:
0x182: {  	_ = 	snop;
	(pc) =	sbr.rel @p0 .LBB2_12-.Ltmp5, $4  }
0x183: {  	_ = 	snop  }
0x184: {  	s24 =	sshra.s32 s23, $0x2  }
0x185: {  	s23 =	sadd.s32 $0x200, s23;
	s24 =	sadd.s32 $0x4B00, s24  }
0x186: {  	[tilespmem:s17], [sflag:$0x3] =	stream.indirect.gather.add.f32 [hbm:s3], $0x20, s24, s15, $0xb8;
	[tilespmem:$0x8400] =	vst v63  }
0x187: {  	s23 =	simm.s32 $0x32  }
.LBB2_14:
0x188: {  	p0 =	sne.s32 s23, $0x1  }
.Ltmp6:
0x189: {  	_ = 	snop;
	(pc) =	sbr.rel @p0 .LBB2_14-.Ltmp6, $4  }
0x18a: {  	_ = 	snop  }
0x18b: {  	_ =	swait.ge [sflag:s18], $0x1000  }
0x18c: {  	[sflag:s18] =	ssyncset.done $0x0  }
0x18d: {  	s23 =	sadd.s32 $0xFFFFFFFF, s23;
	[sflag:s18] =	ssyncadd.s32 $0xFFFFF000  }
0x18e: {  	s23 =	simm.s32 $0x0  }
0x18f: {  	s24 =	simm.s32 $0x80;
	v2 =	vld [tilespmem:s23+$0x6400]  }
.LBB2_16:
0x190: {  	p0 =	sne.s32 s24, $0x3F80;
	v3 =	vld [tilespmem:s23+$0x6410];
	_ =	sdelay $0x2  }
.Ltmp7:
0x191: {  	(pc) =	sbr.rel @p0 .LBB2_16-.Ltmp7, $4  }
0x192: {  	v2 =	vmul.f32 $1.999999960e-02, v2  }
0x193: {  	v3 =	vmul.f32 $1.999999960e-02, v3  }
0x194: {  	s25 =	sshra.s32 s24, $0x2;
	[tilespmem:s23+$0x6400] =	vst v2  }
0x195: {  	s24 =	sadd.s32 $0x80, s24;
	v2 =	vld [tilespmem:s25+$0x6400];
	[tilespmem:s23+$0x6410] =	vst v3;
	s23 =	smov.u32 s25  }
0x196: {  	v3 =	vld [tilespmem:s23+$0x6410];
	_ =	sdelay $0x3  }
0x197: {  	v2 =	vmul.f32 $1.999999960e-02, v2  }
0x198: {  	v3 =	vmul.f32 $1.999999960e-02, v3  }
0x199: {  	s24 =	simm.s32 $0x0;
	[tilespmem:s23+$0x6400] =	vst v2  }
0x19a: {  	v2 =	vadd.s32 s24, v0;
	[tilespmem:s23+$0x6410] =	vst v3  }
0x19b: {  	[hbm4b:s7+s24] =	stream.linear.scatter [tilespmem:s16], [sflag:$0x4], $0x1000, $0x38;
	[tilespmem:$0x8400] =	vst v63  }
0x19c: {  	_ =	swait.ge [sflag:s13], $0x1900  }
0x19d: {  	[sflag:s13] =	ssyncset.done $0x0  }
0x19e: {  	[sflag:s13] =	ssyncadd.s32 $0xFFFFE700  }
0x19f: {  	v2 =	vld.idx.msk [tilespmem:v2+s2+$0x0], $0xffff;
	_ =	sdelay $0x2  }
0x1a0: {  	s24 =	simm.s32 $0x320  }
0x1a1: {  	v3 =	vadd.s32 s24, v0  }
0x1a2: {  	vm0 =	vgt.s32 v2, $0x0  }
0x1a3: {  	v2 =	vnsel vm0, $0x0, v2  }
0x1a4: {  	s23 =	simm.s32 $0x3240;
	v2 =	vshll.u32 v2, $0x2  }
0x1a5: {  	[tilespmem:s23+$0xFFFFFFC0] =	vst v2  }
0x1a6: {  	v2 =	vld.idx.msk [tilespmem:v3+s2+$0x0], $0xffff;
	_ =	sdelay $0x2  }
0x1a7: {  	s25 =	simm.s32 $0x640  }
0x1a8: {  	v3 =	vadd.s32 s25, v0  }
0x1a9: {  	vm10 =	vgt.s32 v2, $0x0  }
0x1aa: {  	v2 =	vnsel vm10, $0x0, v2  }
0x1ab: {  	v2 =	vshll.u32 v2, $0x2  }
0x1ac: {  	[tilespmem:s23+$0xFFFFFFD0] =	vst v2  }
0x1ad: {  	v2 =	vld.idx.msk [tilespmem:v3+s2+$0x0], $0xffff;
	_ =	sdelay $0x2  }
0x1ae: {  	s26 =	simm.s32 $0x960  }
0x1af: {  	v3 =	vadd.s32 s26, v0  }
0x1b0: {  	vm11 =	vgt.s32 v2, $0x0  }
0x1b1: {  	v2 =	vnsel vm11, $0x0, v2  }
0x1b2: {  	v2 =	vshll.u32 v2, $0x2  }
0x1b3: {  	[tilespmem:s23+$0xFFFFFFE0] =	vst v2  }
0x1b4: {  	v2 =	vld.idx.msk [tilespmem:v3+s2+$0x0], $0xffff;
	_ =	sdelay $0x2  }
0x1b5: {  	s28 =	simm.s32 $0xC80  }
0x1b6: {  	v3 =	vadd.s32 s28, v0  }
0x1b7: {  	vm12 =	vgt.s32 v2, $0x0  }
0x1b8: {  	v2 =	vnsel vm12, $0x0, v2  }
0x1b9: {  	v2 =	vshll.u32 v2, $0x2  }
0x1ba: {  	[tilespmem:s23+$0xFFFFFFF0] =	vst v2  }
0x1bb: {  	v2 =	vld.idx.msk [tilespmem:v3+s2+$0x0], $0xffff;
	_ =	sdelay $0x2  }
0x1bc: {  	s29 =	simm.s32 $0xFA0  }
0x1bd: {  	v3 =	vadd.s32 s29, v0  }
0x1be: {  	vm13 =	vgt.s32 v2, $0x0  }
0x1bf: {  	v2 =	vnsel vm13, $0x0, v2  }
0x1c0: {  	v2 =	vshll.u32 v2, $0x2  }
0x1c1: {  	[tilespmem:s23+$0x0] =	vst v2  }
0x1c2: {  	v2 =	vld.idx.msk [tilespmem:v3+s2+$0x0], $0xffff;
	_ =	sdelay $0x2  }
0x1c3: {  	s30 =	simm.s32 $0x12C0  }
0x1c4: {  	v3 =	vadd.s32 s30, v0  }
0x1c5: {  	vm14 =	vgt.s32 v2, $0x0  }
0x1c6: {  	v2 =	vnsel vm14, $0x0, v2  }
0x1c7: {  	v2 =	vshll.u32 v2, $0x2  }
0x1c8: {  	[tilespmem:s23+$0x10] =	vst v2  }
0x1c9: {  	v2 =	vld.idx.msk [tilespmem:v3+s2+$0x0], $0xffff;
	_ =	sdelay $0x2  }
0x1ca: {  	s31 =	simm.s32 $0x15E0  }
0x1cb: {  	v3 =	vadd.s32 s31, v0  }
0x1cc: {  	vm15 =	vgt.s32 v2, $0x0  }
0x1cd: {  	v2 =	vnsel vm15, $0x0, v2  }
0x1ce: {  	v2 =	vshll.u32 v2, $0x2  }
0x1cf: {  	[tilespmem:s23+$0x20] =	vst v2  }
0x1d0: {  	v3 =	vld.idx.msk [tilespmem:v3+s2+$0x0], $0xffff;
	_ =	sdelay $0x2  }
0x1d1: {  	s24 =	simm.s32 $0x1  }
0x1d2: {  	s25 =	simm.s32 $0x2;
	v2 =	vadd.s32 s24, v0  }
.LBB2_18:
0x1d3: {  	p0 =	sne.s32 s25, $0x31;
	vm0 =	vgt.s32 v3, $0x0  }
0x1d4: {  	v3 =	vnsel vm0, $0x0, v3  }
0x1d5: {  	v3 =	vshll.u32 v3, $0x2  }
0x1d6: {  	[tilespmem:s23+$0x30] =	vst v3  }
0x1d7: {  	v2 =	vld.idx.msk [tilespmem:v2+s2+$0x0], $0xffff;
	_ =	sdelay $0x3  }
0x1d8: {  	s26 =	sadd.s32 $0x320, s24  }
0x1d9: {  	v3 =	vadd.s32 s26, v0  }
0x1da: {  	vm0 =	vgt.s32 v2, $0x0  }
0x1db: {  	v2 =	vnsel vm0, $0x0, v2  }
0x1dc: {  	s23 =	sadd.s32 $0x80, s23;
	v2 =	vshll.u32 v2, $0x2  }
0x1dd: {  	[tilespmem:s23+$0xFFFFFFC0] =	vst v2  }
0x1de: {  	v2 =	vld.idx.msk [tilespmem:v3+s2+$0x0], $0xffff;
	_ =	sdelay $0x3  }
0x1df: {  	s26 =	sadd.s32 $0x640, s24  }
0x1e0: {  	v3 =	vadd.s32 s26, v0  }
0x1e1: {  	vm0 =	vgt.s32 v2, $0x0  }
0x1e2: {  	v2 =	vnsel vm0, $0x0, v2  }
0x1e3: {  	v2 =	vshll.u32 v2, $0x2  }
0x1e4: {  	[tilespmem:s23+$0xFFFFFFD0] =	vst v2  }
0x1e5: {  	v2 =	vld.idx.msk [tilespmem:v3+s2+$0x0], $0xffff;
	_ =	sdelay $0x3  }
0x1e6: {  	s26 =	sadd.s32 $0x960, s24  }
0x1e7: {  	v3 =	vadd.s32 s26, v0  }
0x1e8: {  	vm0 =	vgt.s32 v2, $0x0  }
0x1e9: {  	v2 =	vnsel vm0, $0x0, v2  }
0x1ea: {  	v2 =	vshll.u32 v2, $0x2  }
0x1eb: {  	[tilespmem:s23+$0xFFFFFFE0] =	vst v2  }
0x1ec: {  	v2 =	vld.idx.msk [tilespmem:v3+s2+$0x0], $0xffff;
	_ =	sdelay $0x3  }
0x1ed: {  	s26 =	sadd.s32 $0xC80, s24  }
0x1ee: {  	v3 =	vadd.s32 s26, v0  }
0x1ef: {  	vm0 =	vgt.s32 v2, $0x0  }
0x1f0: {  	v2 =	vnsel vm0, $0x0, v2  }
0x1f1: {  	v2 =	vshll.u32 v2, $0x2  }
0x1f2: {  	[tilespmem:s23+$0xFFFFFFF0] =	vst v2  }
0x1f3: {  	v2 =	vld.idx.msk [tilespmem:v3+s2+$0x0], $0xffff;
	_ =	sdelay $0x3  }
0x1f4: {  	s26 =	sadd.s32 $0xFA0, s24  }
0x1f5: {  	v3 =	vadd.s32 s26, v0  }
0x1f6: {  	vm0 =	vgt.s32 v2, $0x0  }
0x1f7: {  	v2 =	vnsel vm0, $0x0, v2  }
0x1f8: {  	v2 =	vshll.u32 v2, $0x2  }
0x1f9: {  	[tilespmem:s23+$0x0] =	vst v2  }
0x1fa: {  	v2 =	vld.idx.msk [tilespmem:v3+s2+$0x0], $0xffff;
	_ =	sdelay $0x3  }
0x1fb: {  	s26 =	sadd.s32 $0x12C0, s24  }
0x1fc: {  	v3 =	vadd.s32 s26, v0  }
0x1fd: {  	vm0 =	vgt.s32 v2, $0x0  }
0x1fe: {  	v2 =	vnsel vm0, $0x0, v2  }
0x1ff: {  	v2 =	vshll.u32 v2, $0x2  }
0x200: {  	[tilespmem:s23+$0x10] =	vst v2  }
0x201: {  	v2 =	vld.idx.msk [tilespmem:v3+s2+$0x0], $0xffff;
	_ =	sdelay $0x3  }
0x202: {  	s26 =	sadd.s32 $0x15E0, s24;
	s24 =	smov.u32 s25  }
0x203: {  	v3 =	vadd.s32 s26, v0  }
0x204: {  	vm0 =	vgt.s32 v2, $0x0  }
0x205: {  	v2 =	vnsel vm0, $0x0, v2  }
0x206: {  	v2 =	vshll.u32 v2, $0x2  }
0x207: {  	[tilespmem:s23+$0x20] =	vst v2  }
0x208: {  	v3 =	vld.idx.msk [tilespmem:v3+s2+$0x0], $0xffff  }
.Ltmp8:
0x209: {  	(pc) =	sbr.rel @p0 .LBB2_18-.Ltmp8, $2  }
0x20a: {  	_ =	sdelay $0x2  }
0x20b: {  	s25 =	sadd.s32 $0x1, s25;
	v2 =	vadd.s32 s24, v0  }
0x20c: {  	vm0 =	vgt.s32 v3, $0x0  }
0x20d: {  	v3 =	vnsel vm0, $0x0, v3  }
0x20e: {  	v3 =	vshll.u32 v3, $0x2  }
0x20f: {  	[tilespmem:s23+$0x30] =	vst v3  }
0x210: {  	v2 =	vld.idx.msk [tilespmem:v2+s2+$0x0], $0xffff;
	_ =	sdelay $0x2  }
0x211: {  	s25 =	sadd.s32 $0x320, s24  }
0x212: {  	v3 =	vadd.s32 s25, v0  }
0x213: {  	vm8 =	vgt.s32 v2, $0x0  }
0x214: {  	v2 =	vnsel vm8, $0x0, v2  }
0x215: {  	s23 =	sadd.s32 $0x80, s23;
	v2 =	vshll.u32 v2, $0x2  }
0x216: {  	[tilespmem:s23+$0xFFFFFFC0] =	vst v2  }
0x217: {  	v2 =	vld.idx.msk [tilespmem:v3+s2+$0x0], $0xffff;
	_ =	sdelay $0x2  }
0x218: {  	s31 =	sadd.s32 $0x640, s24  }
0x219: {  	v3 =	vadd.s32 s31, v0  }
0x21a: {  	vm9 =	vgt.s32 v2, $0x0  }
0x21b: {  	v2 =	vnsel vm9, $0x0, v2  }
0x21c: {  	v2 =	vshll.u32 v2, $0x2  }
0x21d: {  	[tilespmem:s23+$0xFFFFFFD0] =	vst v2  }
0x21e: {  	v2 =	vld.idx.msk [tilespmem:v3+s2+$0x0], $0xffff;
	_ =	sdelay $0x2  }
0x21f: {  	s26 =	sadd.s32 $0x960, s24  }
0x220: {  	v3 =	vadd.s32 s26, v0  }
0x221: {  	vm10 =	vgt.s32 v2, $0x0  }
0x222: {  	v2 =	vnsel vm10, $0x0, v2  }
0x223: {  	v2 =	vshll.u32 v2, $0x2  }
0x224: {  	[tilespmem:s23+$0xFFFFFFE0] =	vst v2  }
0x225: {  	v2 =	vld.idx.msk [tilespmem:v3+s2+$0x0], $0xffff;
	_ =	sdelay $0x2  }
0x226: {  	s28 =	sadd.s32 $0xC80, s24  }
0x227: {  	v3 =	vadd.s32 s28, v0  }
0x228: {  	vm11 =	vgt.s32 v2, $0x0  }
0x229: {  	v2 =	vnsel vm11, $0x0, v2  }
0x22a: {  	v2 =	vshll.u32 v2, $0x2  }
0x22b: {  	[tilespmem:s23+$0xFFFFFFF0] =	vst v2  }
0x22c: {  	v2 =	vld.idx.msk [tilespmem:v3+s2+$0x0], $0xffff;
	_ =	sdelay $0x2  }
0x22d: {  	s29 =	sadd.s32 $0xFA0, s24  }
0x22e: {  	v3 =	vadd.s32 s29, v0  }
0x22f: {  	vm12 =	vgt.s32 v2, $0x0  }
0x230: {  	v2 =	vnsel vm12, $0x0, v2  }
0x231: {  	v2 =	vshll.u32 v2, $0x2  }
0x232: {  	[tilespmem:s23+$0x0] =	vst v2  }
0x233: {  	v2 =	vld.idx.msk [tilespmem:v3+s2+$0x0], $0xffff;
	_ =	sdelay $0x2  }
0x234: {  	s30 =	sadd.s32 $0x12C0, s24  }
0x235: {  	v3 =	vadd.s32 s30, v0  }
0x236: {  	vm13 =	vgt.s32 v2, $0x0  }
0x237: {  	v2 =	vnsel vm13, $0x0, v2  }
0x238: {  	v2 =	vshll.u32 v2, $0x2  }
0x239: {  	[tilespmem:s23+$0x10] =	vst v2  }
0x23a: {  	v2 =	vld.idx.msk [tilespmem:v3+s2+$0x0], $0xffff;
	_ =	sdelay $0x2  }
0x23b: {  	s31 =	sadd.s32 $0x15E0, s24  }
0x23c: {  	v3 =	vadd.s32 s31, v0  }
0x23d: {  	vm14 =	vgt.s32 v2, $0x0  }
0x23e: {  	v2 =	vnsel vm14, $0x0, v2  }
0x23f: {  	v2 =	vshll.u32 v2, $0x2  }
0x240: {  	[tilespmem:s23+$0x20] =	vst v2  }
0x241: {  	v2 =	vld.idx.msk [tilespmem:v3+s2+$0x0], $0xffff;
	_ =	sdelay $0x4  }
0x242: {  	vm15 =	vgt.s32 v2, $0x0  }
0x243: {  	v2 =	vnsel vm15, $0x0, v2  }
0x244: {  	v2 =	vshll.u32 v2, $0x2  }
0x245: {  	[tilespmem:s23+$0x30] =	vst v2;
	s23 =	simm.s32 $0x0  }
0x246: {  	[tilespmem:s14], [sflag:$0x1] =	stream.linear.gather [hbm4b:s8+s23], $0x1900, $0x38;
	[tilespmem:$0x8400] =	vst v63  }
0x247: {  	_ =	swait.ge [sflag:s19], $0x1000  }
0x248: {  	[sflag:s19] =	ssyncset.done $0x0  }
0x249: {  	s25 =	simm.s32 $0x0;
	s24 =	simm.s32 $0x80;
	[sflag:s19] =	ssyncadd.s32 $0xFFFFF000  }
.LBB2_20:
0x24a: {  	p0 =	sne.s32 s24, $0x3F80;
	[tilespmem:s25+$0x6400] =	vst v1;
	s26 =	smov.u32 s24;
	s24 =	sadd.s32 $0x80, s24  }
.Ltmp9:
0x24b: {  	[tilespmem:s25+$0x6410] =	vst v1;
	(pc) =	sbr.rel @p0 .LBB2_20-.Ltmp9, $2  }
0x24c: {  	_ =	sdelay $0x2  }
0x24d: {  	s25 =	sshra.s32 s26, $0x2  }
0x24e: {  	[tilespmem:s25+$0x6400] =	vst v1  }
0x24f: {  	[tilespmem:s25+$0x6410] =	vst v1  }
.LBB2_22:
0x250: {  	p0 =	sne.s32 s23, $0x6200  }
.Ltmp10:
0x251: {  	_ = 	snop;
	(pc) =	sbr.rel @p0 .LBB2_22-.Ltmp10, $4  }
0x252: {  	_ = 	snop  }
0x253: {  	s24 =	sshra.s32 s23, $0x2  }
0x254: {  	s23 =	sadd.s32 $0x200, s23;
	s24 =	sadd.s32 $0x3200, s24  }
0x255: {  	[tilespmem:s16], [sflag:$0x2] =	stream.indirect.gather.add.f32 [hbm:s3], $0x20, s24, s15, $0xb8;
	[tilespmem:$0x8400] =	vst v63  }
0x256: {  	s23 =	simm.s32 $0x32  }
.LBB2_24:
0x257: {  	p0 =	sne.s32 s23, $0x1  }
.Ltmp11:
0x258: {  	_ = 	snop;
	(pc) =	sbr.rel @p0 .LBB2_24-.Ltmp11, $4  }
0x259: {  	_ = 	snop  }
0x25a: {  	_ =	swait.ge [sflag:s20], $0x1000  }
0x25b: {  	[sflag:s20] =	ssyncset.done $0x0  }
0x25c: {  	s23 =	sadd.s32 $0xFFFFFFFF, s23;
	[sflag:s20] =	ssyncadd.s32 $0xFFFFF000  }
0x25d: {  	s23 =	simm.s32 $0x0  }
0x25e: {  	s24 =	simm.s32 $0x80;
	v2 =	vld [tilespmem:s23+$0x7400]  }
.LBB2_26:
0x25f: {  	p0 =	sne.s32 s24, $0x3F80;
	v3 =	vld [tilespmem:s23+$0x7410];
	_ =	sdelay $0x2  }
.Ltmp12:
0x260: {  	(pc) =	sbr.rel @p0 .LBB2_26-.Ltmp12, $4  }
0x261: {  	v2 =	vmul.f32 $1.999999960e-02, v2  }
0x262: {  	v3 =	vmul.f32 $1.999999960e-02, v3  }
0x263: {  	s25 =	sshra.s32 s24, $0x2;
	[tilespmem:s23+$0x7400] =	vst v2  }
0x264: {  	s24 =	sadd.s32 $0x80, s24;
	v2 =	vld [tilespmem:s25+$0x7400];
	[tilespmem:s23+$0x7410] =	vst v3;
	s23 =	smov.u32 s25  }
0x265: {  	v3 =	vld [tilespmem:s23+$0x7410];
	_ =	sdelay $0x3  }
0x266: {  	v2 =	vmul.f32 $1.999999960e-02, v2  }
0x267: {  	v3 =	vmul.f32 $1.999999960e-02, v3  }
0x268: {  	s24 =	simm.s32 $0x0;
	[tilespmem:s23+$0x7400] =	vst v2  }
0x269: {  	v2 =	vadd.s32 s24, v0;
	[tilespmem:s23+$0x7410] =	vst v3  }
0x26a: {  	[hbm4b:s9+s24] =	stream.linear.scatter [tilespmem:s17], [sflag:$0x5], $0x1000, $0x38;
	[tilespmem:$0x8400] =	vst v63  }
0x26b: {  	_ =	swait.ge [sflag:s13], $0x1900  }
0x26c: {  	[sflag:s13] =	ssyncset.done $0x0  }
0x26d: {  	[sflag:s13] =	ssyncadd.s32 $0xFFFFE700  }
0x26e: {  	v2 =	vld.idx.msk [tilespmem:v2+s14+$0x0], $0xffff;
	_ =	sdelay $0x2  }
0x26f: {  	s24 =	simm.s32 $0x320  }
0x270: {  	v3 =	vadd.s32 s24, v0  }
0x271: {  	vm0 =	vgt.s32 v2, $0x0  }
0x272: {  	v2 =	vnsel vm0, $0x0, v2  }
0x273: {  	s23 =	simm.s32 $0x4B70;
	v2 =	vshll.u32 v2, $0x2  }
0x274: {  	[tilespmem:s23+$0xFFFFFF90] =	vst v2  }
0x275: {  	v2 =	vld.idx.msk [tilespmem:v3+s14+$0x0], $0xffff;
	_ =	sdelay $0x2  }
0x276: {  	s25 =	simm.s32 $0x640  }
0x277: {  	v3 =	vadd.s32 s25, v0  }
0x278: {  	vm10 =	vgt.s32 v2, $0x0  }
0x279: {  	v2 =	vnsel vm10, $0x0, v2  }
0x27a: {  	v2 =	vshll.u32 v2, $0x2  }
0x27b: {  	[tilespmem:s23+$0xFFFFFFA0] =	vst v2  }
0x27c: {  	v2 =	vld.idx.msk [tilespmem:v3+s14+$0x0], $0xffff;
	_ =	sdelay $0x2  }
0x27d: {  	s26 =	simm.s32 $0x960  }
0x27e: {  	v3 =	vadd.s32 s26, v0  }
0x27f: {  	vm11 =	vgt.s32 v2, $0x0  }
0x280: {  	v2 =	vnsel vm11, $0x0, v2  }
0x281: {  	v2 =	vshll.u32 v2, $0x2  }
0x282: {  	[tilespmem:s23+$0xFFFFFFB0] =	vst v2  }
0x283: {  	v2 =	vld.idx.msk [tilespmem:v3+s14+$0x0], $0xffff;
	_ =	sdelay $0x2  }
0x284: {  	s28 =	simm.s32 $0xC80  }
0x285: {  	v3 =	vadd.s32 s28, v0  }
0x286: {  	vm12 =	vgt.s32 v2, $0x0  }
0x287: {  	v2 =	vnsel vm12, $0x0, v2  }
0x288: {  	v2 =	vshll.u32 v2, $0x2  }
0x289: {  	[tilespmem:s23+$0xFFFFFFC0] =	vst v2  }
0x28a: {  	v2 =	vld.idx.msk [tilespmem:v3+s14+$0x0], $0xffff;
	_ =	sdelay $0x2  }
0x28b: {  	s29 =	simm.s32 $0xFA0  }
0x28c: {  	v3 =	vadd.s32 s29, v0  }
0x28d: {  	vm13 =	vgt.s32 v2, $0x0  }
0x28e: {  	v2 =	vnsel vm13, $0x0, v2  }
0x28f: {  	v2 =	vshll.u32 v2, $0x2  }
0x290: {  	[tilespmem:s23+$0xFFFFFFD0] =	vst v2  }
0x291: {  	v2 =	vld.idx.msk [tilespmem:v3+s14+$0x0], $0xffff;
	_ =	sdelay $0x2  }
0x292: {  	s30 =	simm.s32 $0x12C0  }
0x293: {  	v3 =	vadd.s32 s30, v0  }
0x294: {  	vm14 =	vgt.s32 v2, $0x0  }
0x295: {  	v2 =	vnsel vm14, $0x0, v2  }
0x296: {  	v2 =	vshll.u32 v2, $0x2  }
0x297: {  	[tilespmem:s23+$0xFFFFFFE0] =	vst v2  }
0x298: {  	v2 =	vld.idx.msk [tilespmem:v3+s14+$0x0], $0xffff;
	_ =	sdelay $0x2  }
0x299: {  	s31 =	simm.s32 $0x15E0  }
0x29a: {  	v3 =	vadd.s32 s31, v0  }
0x29b: {  	vm15 =	vgt.s32 v2, $0x0  }
0x29c: {  	v2 =	vnsel vm15, $0x0, v2  }
0x29d: {  	v2 =	vshll.u32 v2, $0x2  }
0x29e: {  	[tilespmem:s23+$0xFFFFFFF0] =	vst v2  }
0x29f: {  	v3 =	vld.idx.msk [tilespmem:v3+s14+$0x0], $0xffff;
	_ =	sdelay $0x2  }
0x2a0: {  	s24 =	simm.s32 $0x1  }
0x2a1: {  	s25 =	simm.s32 $0x2;
	v2 =	vadd.s32 s24, v0  }
.LBB2_28:
0x2a2: {  	p0 =	sne.s32 s25, $0x31;
	vm0 =	vgt.s32 v3, $0x0  }
0x2a3: {  	v3 =	vnsel vm0, $0x0, v3  }
0x2a4: {  	v3 =	vshll.u32 v3, $0x2  }
0x2a5: {  	[tilespmem:s23+$0x0] =	vst v3  }
0x2a6: {  	v2 =	vld.idx.msk [tilespmem:v2+s14+$0x0], $0xffff;
	_ =	sdelay $0x3  }
0x2a7: {  	s26 =	sadd.s32 $0x320, s24  }
0x2a8: {  	v3 =	vadd.s32 s26, v0  }
0x2a9: {  	vm0 =	vgt.s32 v2, $0x0  }
0x2aa: {  	v2 =	vnsel vm0, $0x0, v2  }
0x2ab: {  	s23 =	sadd.s32 $0x80, s23;
	v2 =	vshll.u32 v2, $0x2  }
0x2ac: {  	[tilespmem:s23+$0xFFFFFF90] =	vst v2  }
0x2ad: {  	v2 =	vld.idx.msk [tilespmem:v3+s14+$0x0], $0xffff;
	_ =	sdelay $0x3  }
0x2ae: {  	s26 =	sadd.s32 $0x640, s24  }
0x2af: {  	v3 =	vadd.s32 s26, v0  }
0x2b0: {  	vm0 =	vgt.s32 v2, $0x0  }
0x2b1: {  	v2 =	vnsel vm0, $0x0, v2  }
0x2b2: {  	v2 =	vshll.u32 v2, $0x2  }
0x2b3: {  	[tilespmem:s23+$0xFFFFFFA0] =	vst v2  }
0x2b4: {  	v2 =	vld.idx.msk [tilespmem:v3+s14+$0x0], $0xffff;
	_ =	sdelay $0x3  }
0x2b5: {  	s26 =	sadd.s32 $0x960, s24  }
0x2b6: {  	v3 =	vadd.s32 s26, v0  }
0x2b7: {  	vm0 =	vgt.s32 v2, $0x0  }
0x2b8: {  	v2 =	vnsel vm0, $0x0, v2  }
0x2b9: {  	v2 =	vshll.u32 v2, $0x2  }
0x2ba: {  	[tilespmem:s23+$0xFFFFFFB0] =	vst v2  }
0x2bb: {  	v2 =	vld.idx.msk [tilespmem:v3+s14+$0x0], $0xffff;
	_ =	sdelay $0x3  }
0x2bc: {  	s26 =	sadd.s32 $0xC80, s24  }
0x2bd: {  	v3 =	vadd.s32 s26, v0  }
0x2be: {  	vm0 =	vgt.s32 v2, $0x0  }
0x2bf: {  	v2 =	vnsel vm0, $0x0, v2  }
0x2c0: {  	v2 =	vshll.u32 v2, $0x2  }
0x2c1: {  	[tilespmem:s23+$0xFFFFFFC0] =	vst v2  }
0x2c2: {  	v2 =	vld.idx.msk [tilespmem:v3+s14+$0x0], $0xffff;
	_ =	sdelay $0x3  }
0x2c3: {  	s26 =	sadd.s32 $0xFA0, s24  }
0x2c4: {  	v3 =	vadd.s32 s26, v0  }
0x2c5: {  	vm0 =	vgt.s32 v2, $0x0  }
0x2c6: {  	v2 =	vnsel vm0, $0x0, v2  }
0x2c7: {  	v2 =	vshll.u32 v2, $0x2  }
0x2c8: {  	[tilespmem:s23+$0xFFFFFFD0] =	vst v2  }
0x2c9: {  	v2 =	vld.idx.msk [tilespmem:v3+s14+$0x0], $0xffff;
	_ =	sdelay $0x3  }
0x2ca: {  	s26 =	sadd.s32 $0x12C0, s24  }
0x2cb: {  	v3 =	vadd.s32 s26, v0  }
0x2cc: {  	vm0 =	vgt.s32 v2, $0x0  }
0x2cd: {  	v2 =	vnsel vm0, $0x0, v2  }
0x2ce: {  	v2 =	vshll.u32 v2, $0x2  }
0x2cf: {  	[tilespmem:s23+$0xFFFFFFE0] =	vst v2  }
0x2d0: {  	v2 =	vld.idx.msk [tilespmem:v3+s14+$0x0], $0xffff;
	_ =	sdelay $0x3  }
0x2d1: {  	s26 =	sadd.s32 $0x15E0, s24;
	s24 =	smov.u32 s25  }
0x2d2: {  	v3 =	vadd.s32 s26, v0  }
0x2d3: {  	vm0 =	vgt.s32 v2, $0x0  }
0x2d4: {  	v2 =	vnsel vm0, $0x0, v2  }
0x2d5: {  	v2 =	vshll.u32 v2, $0x2  }
0x2d6: {  	[tilespmem:s23+$0xFFFFFFF0] =	vst v2  }
0x2d7: {  	v3 =	vld.idx.msk [tilespmem:v3+s14+$0x0], $0xffff  }
.Ltmp13:
0x2d8: {  	(pc) =	sbr.rel @p0 .LBB2_28-.Ltmp13, $2  }
0x2d9: {  	_ =	sdelay $0x2  }
0x2da: {  	s25 =	sadd.s32 $0x1, s25;
	v2 =	vadd.s32 s24, v0  }
0x2db: {  	vm0 =	vgt.s32 v3, $0x0  }
0x2dc: {  	v3 =	vnsel vm0, $0x0, v3  }
0x2dd: {  	v3 =	vshll.u32 v3, $0x2  }
0x2de: {  	[tilespmem:s23+$0x0] =	vst v3  }
0x2df: {  	v2 =	vld.idx.msk [tilespmem:v2+s14+$0x0], $0xffff;
	_ =	sdelay $0x2  }
0x2e0: {  	s25 =	sadd.s32 $0x320, s24  }
0x2e1: {  	v3 =	vadd.s32 s25, v0  }
0x2e2: {  	vm8 =	vgt.s32 v2, $0x0  }
0x2e3: {  	v2 =	vnsel vm8, $0x0, v2  }
0x2e4: {  	s23 =	sadd.s32 $0x80, s23;
	v2 =	vshll.u32 v2, $0x2  }
0x2e5: {  	[tilespmem:s23+$0xFFFFFF90] =	vst v2  }
0x2e6: {  	v2 =	vld.idx.msk [tilespmem:v3+s14+$0x0], $0xffff;
	_ =	sdelay $0x2  }
0x2e7: {  	s31 =	sadd.s32 $0x640, s24  }
0x2e8: {  	v3 =	vadd.s32 s31, v0  }
0x2e9: {  	vm9 =	vgt.s32 v2, $0x0  }
0x2ea: {  	v2 =	vnsel vm9, $0x0, v2  }
0x2eb: {  	v2 =	vshll.u32 v2, $0x2  }
0x2ec: {  	[tilespmem:s23+$0xFFFFFFA0] =	vst v2  }
0x2ed: {  	v2 =	vld.idx.msk [tilespmem:v3+s14+$0x0], $0xffff;
	_ =	sdelay $0x2  }
0x2ee: {  	s26 =	sadd.s32 $0x960, s24  }
0x2ef: {  	v3 =	vadd.s32 s26, v0  }
0x2f0: {  	vm10 =	vgt.s32 v2, $0x0  }
0x2f1: {  	v2 =	vnsel vm10, $0x0, v2  }
0x2f2: {  	v2 =	vshll.u32 v2, $0x2  }
0x2f3: {  	[tilespmem:s23+$0xFFFFFFB0] =	vst v2  }
0x2f4: {  	v2 =	vld.idx.msk [tilespmem:v3+s14+$0x0], $0xffff;
	_ =	sdelay $0x2  }
0x2f5: {  	s28 =	sadd.s32 $0xC80, s24  }
0x2f6: {  	v3 =	vadd.s32 s28, v0  }
0x2f7: {  	vm11 =	vgt.s32 v2, $0x0  }
0x2f8: {  	v2 =	vnsel vm11, $0x0, v2  }
0x2f9: {  	v2 =	vshll.u32 v2, $0x2  }
0x2fa: {  	[tilespmem:s23+$0xFFFFFFC0] =	vst v2  }
0x2fb: {  	v2 =	vld.idx.msk [tilespmem:v3+s14+$0x0], $0xffff;
	_ =	sdelay $0x2  }
0x2fc: {  	s29 =	sadd.s32 $0xFA0, s24  }
0x2fd: {  	v3 =	vadd.s32 s29, v0  }
0x2fe: {  	vm12 =	vgt.s32 v2, $0x0  }
0x2ff: {  	v2 =	vnsel vm12, $0x0, v2  }
0x300: {  	v2 =	vshll.u32 v2, $0x2  }
0x301: {  	[tilespmem:s23+$0xFFFFFFD0] =	vst v2  }
0x302: {  	v2 =	vld.idx.msk [tilespmem:v3+s14+$0x0], $0xffff;
	_ =	sdelay $0x2  }
0x303: {  	s30 =	sadd.s32 $0x12C0, s24  }
0x304: {  	v3 =	vadd.s32 s30, v0  }
0x305: {  	vm13 =	vgt.s32 v2, $0x0  }
0x306: {  	v2 =	vnsel vm13, $0x0, v2  }
0x307: {  	v2 =	vshll.u32 v2, $0x2  }
0x308: {  	[tilespmem:s23+$0xFFFFFFE0] =	vst v2  }
0x309: {  	v2 =	vld.idx.msk [tilespmem:v3+s14+$0x0], $0xffff;
	_ =	sdelay $0x2  }
0x30a: {  	s31 =	sadd.s32 $0x15E0, s24  }
0x30b: {  	v3 =	vadd.s32 s31, v0  }
0x30c: {  	vm14 =	vgt.s32 v2, $0x0  }
0x30d: {  	v2 =	vnsel vm14, $0x0, v2  }
0x30e: {  	v2 =	vshll.u32 v2, $0x2  }
0x30f: {  	[tilespmem:s23+$0xFFFFFFF0] =	vst v2  }
0x310: {  	v2 =	vld.idx.msk [tilespmem:v3+s14+$0x0], $0xffff;
	_ =	sdelay $0x4  }
0x311: {  	vm15 =	vgt.s32 v2, $0x0  }
0x312: {  	v2 =	vnsel vm15, $0x0, v2  }
0x313: {  	v2 =	vshll.u32 v2, $0x2  }
0x314: {  	[tilespmem:s23+$0x0] =	vst v2  }
0x315: {  	_ =	swait.ge [sflag:s21], $0x1000  }
0x316: {  	s25 =	simm.s32 $0x0;
	[sflag:s21] =	ssyncset.done $0x0  }
0x317: {  	s24 =	simm.s32 $0x80;
	s23 =	simm.s32 $0x0;
	[sflag:s21] =	ssyncadd.s32 $0xFFFFF000  }
.LBB2_30:
0x318: {  	p0 =	sne.s32 s24, $0x3F80;
	[tilespmem:s25+$0x7400] =	vst v1;
	s26 =	smov.u32 s24;
	s24 =	sadd.s32 $0x80, s24  }
.Ltmp14:
0x319: {  	[tilespmem:s25+$0x7410] =	vst v1;
	(pc) =	sbr.rel @p0 .LBB2_30-.Ltmp14, $2  }
0x31a: {  	_ =	sdelay $0x2  }
0x31b: {  	s25 =	sshra.s32 s26, $0x2  }
0x31c: {  	[tilespmem:s25+$0x7400] =	vst v1  }
0x31d: {  	[tilespmem:s25+$0x7410] =	vst v1  }
.LBB2_32:
0x31e: {  	p0 =	sne.s32 s23, $0x6200  }
.Ltmp15:
0x31f: {  	_ = 	snop;
	(pc) =	sbr.rel @p0 .LBB2_32-.Ltmp15, $4  }
0x320: {  	_ = 	snop  }
0x321: {  	s24 =	sshra.s32 s23, $0x2  }
0x322: {  	s23 =	sadd.s32 $0x200, s23;
	s24 =	sadd.s32 $0x4B00, s24  }
0x323: {  	[tilespmem:s17], [sflag:$0x3] =	stream.indirect.gather.add.f32 [hbm:s3], $0x20, s24, s15, $0xb8;
	[tilespmem:$0x8400] =	vst v63  }
0x324: {  	s23 =	simm.s32 $0x32  }
.LBB2_34:
0x325: {  	p0 =	sne.s32 s23, $0x1  }
.Ltmp16:
0x326: {  	_ = 	snop;
	(pc) =	sbr.rel @p0 .LBB2_34-.Ltmp16, $4  }
0x327: {  	_ = 	snop  }
0x328: {  	_ =	swait.ge [sflag:s18], $0x1000  }
0x329: {  	[sflag:s18] =	ssyncset.done $0x0  }
0x32a: {  	s23 =	sadd.s32 $0xFFFFFFFF, s23;
	[sflag:s18] =	ssyncadd.s32 $0xFFFFF000  }
0x32b: {  	s23 =	simm.s32 $0x0  }
0x32c: {  	s24 =	simm.s32 $0x80;
	v2 =	vld [tilespmem:s23+$0x6400]  }
.LBB2_36:
0x32d: {  	p0 =	sne.s32 s24, $0x3F80;
	v3 =	vld [tilespmem:s23+$0x6410];
	_ =	sdelay $0x2  }
.Ltmp17:
0x32e: {  	(pc) =	sbr.rel @p0 .LBB2_36-.Ltmp17, $4  }
0x32f: {  	v2 =	vmul.f32 $1.999999960e-02, v2  }
0x330: {  	v3 =	vmul.f32 $1.999999960e-02, v3  }
0x331: {  	s25 =	sshra.s32 s24, $0x2;
	[tilespmem:s23+$0x6400] =	vst v2  }
0x332: {  	s24 =	sadd.s32 $0x80, s24;
	v2 =	vld [tilespmem:s25+$0x6400];
	[tilespmem:s23+$0x6410] =	vst v3;
	s23 =	smov.u32 s25  }
0x333: {  	v3 =	vld [tilespmem:s23+$0x6410];
	_ =	sdelay $0x3  }
0x334: {  	v2 =	vmul.f32 $1.999999960e-02, v2  }
0x335: {  	v3 =	vmul.f32 $1.999999960e-02, v3  }
0x336: {  	[tilespmem:s23+$0x6400] =	vst v2  }
0x337: {  	[tilespmem:s23+$0x6410] =	vst v3;
	s23 =	simm.s32 $0x32  }
0x338: {  	[hbm4b:s10+s2] =	stream.linear.scatter [tilespmem:s16], [sflag:$0x4], $0x1000, $0x38;
	[tilespmem:$0x8400] =	vst v63  }
.LBB2_38:
0x339: {  	p0 =	sne.s32 s23, $0x1  }
.Ltmp18:
0x33a: {  	_ = 	snop;
	(pc) =	sbr.rel @p0 .LBB2_38-.Ltmp18, $4  }
0x33b: {  	_ = 	snop  }
0x33c: {  	_ =	swait.ge [sflag:s20], $0x1000  }
0x33d: {  	[sflag:s20] =	ssyncset.done $0x0  }
0x33e: {  	s23 =	sadd.s32 $0xFFFFFFFF, s23;
	[sflag:s20] =	ssyncadd.s32 $0xFFFFF000  }
0x33f: {  	s23 =	simm.s32 $0x0  }
0x340: {  	s24 =	simm.s32 $0x80;
	v2 =	vld [tilespmem:s23+$0x7400]  }
.LBB2_40:
0x341: {  	p0 =	sne.s32 s24, $0x3F80;
	v3 =	vld [tilespmem:s23+$0x7410];
	_ =	sdelay $0x2  }
.Ltmp19:
0x342: {  	(pc) =	sbr.rel @p0 .LBB2_40-.Ltmp19, $4  }
0x343: {  	v2 =	vmul.f32 $1.999999960e-02, v2  }
0x344: {  	v3 =	vmul.f32 $1.999999960e-02, v3  }
0x345: {  	s25 =	sshra.s32 s24, $0x2;
	[tilespmem:s23+$0x7400] =	vst v2  }
0x346: {  	s24 =	sadd.s32 $0x80, s24;
	v2 =	vld [tilespmem:s25+$0x7400];
	[tilespmem:s23+$0x7410] =	vst v3;
	s23 =	smov.u32 s25  }
0x347: {  	v3 =	vld [tilespmem:s23+$0x7410];
	_ =	sdelay $0x3  }
0x348: {  	v2 =	vmul.f32 $1.999999960e-02, v2  }
0x349: {  	v3 =	vmul.f32 $1.999999960e-02, v3  }
0x34a: {  	[tilespmem:s23+$0x7400] =	vst v2  }
0x34b: {  	s22 =	sadd.s32 $0x1, s22;
	[tilespmem:s23+$0x7410] =	vst v3  }
0x34c: {  	[hbm4b:s11+s2] =	stream.linear.scatter [tilespmem:s17], [sflag:$0x5], $0x1000, $0x38;
	[tilespmem:$0x8400] =	vst v63  }
0x34d: {  	p0 =	sne.s32 s22, s12;
	_ =	swait.ge [sflag:s19], $0x1000  }
.Ltmp20:
0x34e: {  	[sflag:s19] =	ssyncset.done $0x0;
	(pc) =	sbr.rel @p0 .LBB2_1-.Ltmp20, $4  }
0x34f: {  	[sflag:s19] =	ssyncadd.s32 $0xFFFFF000  }
0x350: {  	_ =	swait.ge [sflag:s21], $0x1000  }
0x351: {  	[sflag:s21] =	ssyncset.done $0x0  }
0x352: {  	[sflag:s21] =	ssyncadd.s32 $0xFFFFF000  }
0x353: {  	_ =	sfence.sel $0x180000  }
0x354: {  	[bflag:$0x0] =	sbarrier.arrive $0xFFFF  }
0x355: {  	p0 =	sne.s32 s1, $0x0;
	_ =	strace $0x9000004A  }
0x356: {  	s0 =	sadd.s32 @!p0 $0x100000, s0;
	[bflag:$0x2] =	sbarrier.arrive $0xFFFF  }
0x357: {  	[sflag:s0] =	ssyncadd.tile.s32 @!p0 $0x1;
	_ =	shalt  }
.Lfunc_end2:
_tile_overlayer_lowered:
.L_overlay_start_2:
0x358: {  	(tag) =	ssettag $0x2  }
0x359: {  	s0 =	rddreg [dreg:$0x0];
	s2 =	stileid.u32  }
0x35a: {  	s1 =	rddreg [dreg:$0x1];
	p0 =	sne.s32 s2, $0x0  }
0x35b: {  	s3 =	rddreg [dreg:$0x2];
	[bflag:$0x3] =	sbarrier.arrive $0xFFFF;
	s2 =	simm.s32 @!p0 $0x1C06  }
0x35c: {  	[timem:s3], [sflag:s2] =	dma.local @!p0 [hbm:s0], s1  }
0x35d: {  	s0 =	simm.s32 @!p0 $0x6  }
0x35e: {  	_ =	swait.ge @!p0 [sflag:s0], s1  }
0x35f: {  	s1 =	ssub.s32 @!p0 $0x0, s1;
	[sflag:s0] =	ssyncset.done @!p0 $0x0  }
0x360: {  	[sflag:s0] =	ssyncadd.s32 @!p0 s1  }
0x361: {  	[bflag:$0x3] =	sbarrier.arrive $0xFFFF  }
0x362: {  	_ =	shalt  }

// kernel: sparse-core-data-format-call.cloned.1.call-start
scs
called_computation_lowered:
.L_overlay_start_0:
0x0: {  	s2 =	sld [smem:$0x3FD9]  }
0x1: {  	s3 =	sld [smem:$0x3FFE];
	_ =	sdelay $0x1  }
0x2: {  	s1 =	srdreg.scid  }
0x3: {  	s0 =	sand.u32 $0x1, s1  }
0x4: {  	s18 =	sshll.u32 s0, $0xA;
	s2 =	sadd.s32 s3, s2  }
0x5: {  	s2 =	sadd.s32 s2, s18  }
0x6: {  	[smem:$0x3FC6] =	sst s2  }
0x7: {  	_ = 	snop  }
0x8: {  	s2 =	sld [smem:$0x3FC8];
	(tm) =	ssettm $0x1  }
0x9: {  	s19 =	sld [smem:$0x3FFB];
	_ =	sdelay $0x3  }
0xa: {  	_ =	strace s19  }
0xb: {  	s3 =	sld [smem:$0x3FFC];
	_ =	sdelay $0x3  }
0xc: {  	_ =	strace s3  }
0xd: {  	s3 =	sld [smem:$0x3FFD];
	_ =	sdelay $0x3  }
0xe: {  	_ =	strace s3  }
0xf: {  	_ =	strace $0x8FFFFFFF  }
0x10: {  	s20 =	sld [smem:$0x3FDB];
	_ =	sdelay $0x1  }
0x11: {  	s4 =	simm.s32 $_scs_section_size  }
0x12: {  	s5 =	simm.s32 $_size__tile_overlayer_lowered;
	s6 =	simm.s32 $_tile_overlayer_lowered  }
0x13: {  	s23 =	simm.s32 $0x1BFF;
	s22 =	sshll.u32 s6, $0x1;
	s3 =	sadd.s32 s4, s20  }
0x14: {  	s7 =	simm.s32 $0x0;
	s21 =	sshll.u32 s5, $0x1;
	s5 =	sadd.s32 s22, s3  }
0x15: {  	[timem:s7], [sflag:s23] =	dma.local [hbm:s5], s21  }
0x16: {  	_ =	swait.ge [sflag:s23], s21  }
0x17: {  	s4 =	ssub.s32 $0x0, s21;
	[sflag:s23] =	ssyncset.done $0x0  }
0x18: {  	[sflag:s23] =	ssyncadd.s32 s4;
	_ =	sdelay $0x1  }
0x19: {  	s24 =	simm.s32 $0x1B8B  }
0x1a: {  	_ =	swait.ge [sflag:s24], $0x1  }
0x1b: {  	[sflag:s24] =	ssyncset.done $0x0  }
0x1c: {  	s26 =	simm.s32 $0x1B8E;
	s25 =	sld [smem:$0x3FFE];
	[sflag:s24] =	ssyncadd.s32 $0xFFFFFFFF  }
0x1d: {  	s27 =	simm.s32 $execute0_lowered;
	[smem:$0x3FD2] =	sst s26  }
0x1e: {  	s5 =	sshll.u32 s27, $0x1;
	_ =	strace $0x80000046;
	[dreg:$0x1] =	wrdreg $0xFFFFFFFF  }
0x1f: {  	s28 =	simm.s32 $_size_execute0_lowered;
	s3 =	sadd.s32 s3, s5;
	[dreg:$0x0] =	wrdreg $0x0  }
0x20: {  	s5 =	sshll.u32 s28, $0x1;
	[dreg:$0x2] =	wrdreg s3  }
0x21: {  	[dreg:$0x3] =	wrdreg s5  }
0x22: {  	[dreg:$0x4] =	wrdreg $0xC0  }
0x23: {  	_ =	task [dreg:s7], $0x5FFFF  }
0x24: {  	[dreg:$0x1] =	wrdreg $0xFFFFFFFF  }
0x25: {  	[dreg:$0x0] =	wrdreg $0x60  }
0x26: {  	[dreg:$0x2] =	wrdreg s2  }
0x27: {  	[dreg:$0x3] =	wrdreg s25  }
0x28: {  	[dreg:$0x4] =	wrdreg $0x9  }
0x29: {  	_ =	task.clear_ibuf [dreg:s7], $0x5FFFF;
	_ =	strace $0x90000046  }
0x2a: {  	s29 =	simm.s32 $0x9;
	_ =	strace $0x80000048  }
0x2b: {  	_ =	swait.ge [sflag:s29], $0x1  }
0x2c: {  	[sflag:s29] =	ssyncadd.s32 $0xFFFFFFFF  }
0x2d: {  	_ =	strace $0x90000048  }
0x2e: {  	_ =	sfence  }
0x2f: {  	s30 =	sld [smem:$0x0];
	_ =	sdelay $0x2  }
0x30: {  	s31 =	sshll.u32 s1, $0xD;
	s1 =	sshrl.u32 s1, $0x2  }
0x31: {  	s3 =	sand.u32 $0x4000, s31;
	s1 =	sadd.s32 s1, s30  }
0x32: {  	s0 =	sor.u32 s3, s0;
	s1 =	sshll.u32 s1, $0x11  }
0x33: {  	s0 =	sor.u32 s1, s0  }
0x34: {  	s0 =	sadd.s32 $0x8F2B, s0  }
0x35: {  	[sflag:s0] =	ssyncadd.remote.s32 $0x1  }
0x36: {  	_ =	sfence.sel $0xFFFF  }
0x37: {  	[dreg:$0x0] =	wrdreg $0xFFFFFFFF;
	(pc) =	sbr.abs _section_cstart, $3  }
0x38: {  	[dreg:$0x1] =	wrdreg $0xFFFFFFFF  }
0x39: {  	_ =	task.clear_ibuf [dreg:s7], $0x2FFFF;
	_ =	strace $0x9FFFFFFF  }
0x3a: {  	(tm) =	ssettm $0x7FFFFFFF  }
0x3b: {  	_ =	shalt  }
tec
execute0_lowered:
.L_overlay_start_1:
0x0: {  	(tag) =	ssettag $0x1  }
0x1: {  	s0 =	srdreg.scid;
	s2 =	rddreg [dreg:$0x0]  }
0x2: {  	s5 =	rddreg [dreg:$0x1];
	s1 =	stileid.u32  }
0x3: {  	s4 =	simm.s32 $0x1;
	s6 =	simm.s32 $0x2;
	s15 =	simm.s32 $0x0  }
0x4: {  	p0 =	por $0x0, $0x0;
	s8 =	simm.s32 $0x80;
	s0 =	sshll.u32 s0, $0x4  }
0x5: {  	s14 =	simm.s32 $0x0;
	s9 =	simm.s32 $0x0;
	s3 =	sand.u32 $0x10, s0  }
.Ltmp0:
0x6: {  	s10 =	simm.s32 $0x0;
	s3 =	sor.u32 s1, s3;
	(pc) =	sbr.rel .LBB1_1-.Ltmp0, $4  }
0x7: {  	s0 =	rddreg [dreg:$0x2];
	_ =	strace $0x80000047;
	s3 =	sshll.u32 s3, $0x7  }
0x8: {  	s12 =	simm.s32 $0x0;
	[sflag:s4] =	ssyncpa.u1 $0x0;
	s7 =	ssub.s32 $0xF4200, s3  }
0x9: {  	s13 =	simm.s32 $0x0;
	[sflag:s6] =	ssyncpa.u1 $0x0;
	s6 =	sshrl.u32 s7, $0xC  }
0xa: {  	s5 =	sadd.s32 $0xC00, s5;
	s11 =	smov.u32 s3;
	s7 =	sadd.s32 $0x2, s6  }
.LBB1_5:
0xb: {  	p1 =	slt.u32 s13, $0x2  }
0xc: {  	s17 =	smov.u32 s15;
	p2 =	sgt.s32 @!p1 s15, $0xF41C0;
	s16 =	sshra.s32 @!p1 s15, $0x1F  }
0xd: {  	p3 =	sgt.s32 @!p1 s14, $0x60;
	s18 =	sshra.s32 @!p1 s14, $0x1F;
	p2 =	por !p2, p1  }
0xe: {  	s15 =	sand.u32 @!p1 s16, s15;
	p3 =	por !p3, p1;
	s16 =	smov.u32 s14  }
0xf: {  	s14 =	sand.u32 @!p1 s18, s14;
	s17 =	simm.s32 @p2 $0xF41C0;
	s16 =	simm.s32 @p3 $0x60  }
0x10: {  	s15 =	ssub.s32 @!p1 s17, s15;
	s14 =	ssub.s32 @!p1 s16, s14  }
0x11: {  	s18 =	smov.u32 s12;
	s16 =	sadd.s32 @!p1 $0xFFF0BE40, s15;
	s17 =	sadd.s32 @!p1 $0xFFFFFFA0, s14  }
0x12: {  	s15 =	ssub.s32 @!p1 $0xF4240, s15;
	p2 =	sgt.s32 @!p1 s16, $0x7F;
	p3 =	sgt.s32 @!p1 s17, $0x1F  }
0x13: {  	s14 =	ssub.s32 @!p1 $0x80, s14;
	p2 =	por !p2, p1;
	p3 =	por !p3, p1  }
0x14: {  	s16 =	sadd.s32 $0x1000, s11;
	s15 =	simm.s32 @!p2 $0x0;
	s14 =	simm.s32 @!p3 $0x0  }
0x15: {  	p2 =	sgt.s32 s16, $0xF423F;
	s14 =	smul.u32 @!p1 s14, s15;
	s15 =	sadd.s32 $0x20, s12  }
0x16: {  	s18 =	smov.u32 @p2 s15  }
0x17: {  	s16 =	smov.u32 @p2 s3;
	p2 =	sgt.s32 s18, $0x1F  }
0x18: {  	s18 =	simm.s32 @p2 $0x0;
	p2 =	sne.s32 s13, s7  }
.Ltmp1:
0x19: {  	p0 =	por !p0, !p0;
	s17 =	simm.s32 @!p1 $0x2;
	(pc) =	sbr.rel @!p2 .LBB1_6-.Ltmp1, $4  }
0x1a: {  	s15 =	smov.u32 s9;
	s9 =	smov.u32 s11;
	s14 =	sand.u32 @!p1 $0x3FFFFFFF, s14  }
0x1b: {  	s11 =	smov.u32 s16;
	_ =	swait.ge @!p1 [sflag:s17], s14;
	s19 =	ssub.s32 @!p1 $0x0, s14  }
0x1c: {  	s14 =	smov.u32 s10;
	s13 =	sadd.s32 $0x1, s13;
	[sflag:s17] =	ssyncset.done @!p1 $0x0  }
0x1d: {  	s10 =	smov.u32 s12;
	s12 =	smov.u32 s18;
	[sflag:s17] =	ssyncadd.s32 @!p1 s19  }
.LBB1_1:
0x1e: {  	p1 =	sgt.u32 s13, s6  }
0x1f: {  	s16 =	sshrl.u32 @!p1 s12, $0x3  }
0x20: {  	s17 =	sshll.u32 @!p1 s11, $0x3;
	s16 =	smul.u32 @!p1 $0x7A1400, s16  }
0x21: {  	s18 =	sshll.u32 @!p1 s12, $0x7;
	s17 =	sand.u32 @!p1 $0xFFFFFC00, s17  }
0x22: {  	s16 =	sadd.s32 @!p1 s16, s17;
	s17 =	sand.u32 @!p1 $0x380, s18  }
0x23: {  	s18 =	sand.u32 @!p1 $0x7F, s11;
	s16 =	sor.u32 @!p1 s17, s16  }
0x24: {  	s17 =	sor.u32 @!p1 s18, s16  }
0x25: {  	s18 =	smulhi.u32 @!p1 $0x218D6287, s17;
	_ =	sdelay $0x1  }
0x26: {  	s16 =	smulhi.u32 @!p1 $0x218D6287, s16;
	s18 =	sshrl.u32 @!p1 s18, $0x11  }
0x27: {  	s18 =	smul.u32 @!p1 $0xF4280, s18  }
0x28: {  	s19 =	sxor.u32 @!p1 $0xFFFFFFFF, s13;
	s16 =	sshrl.u32 @!p1 s16, $0x11  }
0x29: {  	s19 =	sshll.u32 @!p1 s19, $0xC;
	s16 =	sand.u32 @!p1 $0x1F, s16;
	s17 =	ssub.s32 @!p1 s17, s18  }
0x2a: {  	s16 =	smul.u32 @!p1 $0x1E850, s16;
	s18 =	sshrl.u32 @!p1 s17, $0x3;
	s17 =	sand.u32 @!p1 $0x7, s17  }
0x2b: {  	s19 =	sand.u32 @!p1 $0x1000, s19;
	s18 =	sadd.s32 @!p1 s2, s18;
	s17 =	sshll.u32 @!p1 s17, $0x12  }
0x2c: {  	s16 =	sadd.s32 @!p1 s16, s18;
	s17 =	sor.u32 @!p1 $0x400, s17;
	s18 =	simm.s32 @!p1 $0x7A1400  }
0x2d: {  	[tilespmem:s19], [sflag:$0x1] =	stream.strided.gather @!p1 [hbm4b:s16+s17], $0x1000, s18, s17, $0x38;
	[tilespmem:$0x4100] =	vst v63  }
0x2e: {  	p1 =	seq.s32 s13, $0x0  }
0x2f: {  	p2 =	sge.u32 @!p1 s13, s7  }
0x30: {  	p1 =	por p1, p2  }
.Ltmp2:
0x31: {  	_ = 	snop;
	(pc) =	sbr.rel @p1 .LBB1_5-.Ltmp2, $1  }
0x32: {  	_ =	sdelay $0x3  }
0x33: {  	s16 =	simm.s32 $0x1  }
0x34: {  	_ =	swait.ge [sflag:s4], $0x1000;
	s16 =	simm.s32 @!p0 $0x0  }
0x35: {  	[sflag:s4] =	ssyncset.done $0x0;
	s17 =	sshll.u32 s16, $0xC  }
0x36: {  	[sflag:s4] =	ssyncadd.s32 $0xFFFFF000;
	s17 =	sor.u32 $0x40, s17  }
0x37: {  	s16 =	smul.u32 $0x4200, s16;
	v0 =	vld [tilespmem:s17+$0x30]  }
0x38: {  	v1 =	vld [tilespmem:s17+$0xFFFFFFD0]  }
0x39: {  	s16 =	sshrl.u32 s16, $0x2;
	v5 =	vld [tilespmem:s17+$0xFFFFFFE0]  }
0x3a: {  	v6 =	vld [tilespmem:s17+$0xFFFFFFF0];
	s19 =	sor.u32 $0x2000, s16  }
0x3b: {  	s31 =	sand.u32 $0x1, s13;
	v4 =	vld [tilespmem:s17+$0x0];
	s18 =	sadd.s32 $0x0, s19  }
0x3c: {  	v3 =	vld [tilespmem:s17+$0x10];
	s16 =	smul.u32 $0x4200, s31;
	[tilespmem:s18+$0xE70 ss:$0x21] =	vst.msk $0xffff, v0  }
0x3d: {  	v2 =	vld [tilespmem:s17+$0x20];
	[tilespmem:s18+$0x210 ss:$0x21] =	vst.msk $0xffff, v1  }
0x3e: {  	s16 =	sshrl.u32 s16, $0x2;
	v1 =	vld [tilespmem:s17+$0xFFFFFFC0];
	[tilespmem:s18+$0x420 ss:$0x21] =	vst.msk $0xffff, v5;
	s17 =	sadd.s32 $0x80, s17  }
0x3f: {  	s20 =	simm.s32 $0x4;
	s21 =	simm.s32 $0x8;
	s16 =	sor.u32 $0x2000, s16;
	[tilespmem:s18+$0x630 ss:$0x21] =	vst.msk $0xffff, v6;
	v0 =	vld [tilespmem:s17+$0x30]  }
.LBB1_3:
0x40: {  	p1 =	sne.s32 s21, $0x7C;
	v5 =	vld [tilespmem:s17+$0xFFFFFFD0];
	[tilespmem:s18+$0x840 ss:$0x21] =	vst.msk $0xffff, v4  }
0x41: {  	v6 =	vld [tilespmem:s17+$0xFFFFFFE0];
	[tilespmem:s18+$0xA50 ss:$0x21] =	vst.msk $0xffff, v3  }
0x42: {  	s22 =	sshra.s32 s20, $0x2;
	s20 =	smov.u32 s21;
	v7 =	vld [tilespmem:s17+$0xFFFFFFF0];
	[tilespmem:s18+$0xC60 ss:$0x21] =	vst.msk $0xffff, v2  }
.Ltmp3:
0x43: {  	v4 =	vld [tilespmem:s17+$0x0];
	[tilespmem:s18+$0x0 ss:$0x21] =	vst.msk $0xffff, v1;
	s18 =	sadd.s32 s22, s19;
	(pc) =	sbr.rel @p1 .LBB1_3-.Ltmp3, $4  }
0x44: {  	v3 =	vld [tilespmem:s17+$0x10];
	[tilespmem:s18+$0xE70 ss:$0x21] =	vst.msk $0xffff, v0  }
0x45: {  	[tilespmem:s18+$0x210 ss:$0x21] =	vst.msk $0xffff, v5;
	v2 =	vld [tilespmem:s17+$0x20]  }
0x46: {  	v1 =	vld [tilespmem:s17+$0xFFFFFFC0];
	[tilespmem:s18+$0x420 ss:$0x21] =	vst.msk $0xffff, v6;
	s17 =	sadd.s32 $0x80, s17  }
0x47: {  	s21 =	sadd.s32 $0x4, s21;
	v0 =	vld [tilespmem:s17+$0x30];
	[tilespmem:s18+$0x630 ss:$0x21] =	vst.msk $0xffff, v7  }
0x48: {  	s21 =	sshll.u32 s9, $0x7;
	s22 =	sshll.u32 s10, $0x3;
	s20 =	sshra.s32 s20, $0x2  }
0x49: {  	p1 =	sgt.s32 s9, $0xF41C0;
	s30 =	sshra.s32 s9, $0x1F;
	s25 =	sshra.s32 s10, $0x1F  }
0x4a: {  	v5 =	vld [tilespmem:s17+$0xFFFFFFD0];
	s28 =	sshrl.u32 s10, $0x3;
	s23 =	sand.u32 $0xFFFFFC00, s21;
	s22 =	sand.u32 $0xFFFFFC00, s22  }
0x4b: {  	[tilespmem:s18+$0x840 ss:$0x21] =	vst.msk $0xffff, v4;
	v58 =	vld [tilespmem:s17+$0xFFFFFFE0];
	s21 =	sand.u32 $0x380, s21;
	s19 =	sadd.s32 s20, s19;
	s22 =	sadd.s32 s22, s23  }
0x4c: {  	v59 =	vld [tilespmem:s17+$0xFFFFFFF0];
	[tilespmem:s18+$0xA50 ss:$0x21] =	vst.msk $0xffff, v3;
	s29 =	sor.u32 s21, s22;
	s21 =	smov.u32 s9;
	s22 =	sand.u32 s30, s9  }
0x4d: {  	v60 =	vld [tilespmem:s17+$0x0];
	[tilespmem:s18+$0xC60 ss:$0x21] =	vst.msk $0xffff, v2;
	s30 =	sand.u32 $0x7, s10;
	s20 =	sshrl.u32 s29, $0x7;
	s21 =	simm.s32 @!p1 $0xF41C0  }
0x4e: {  	v61 =	vld [tilespmem:s17+$0x10];
	[tilespmem:s18+$0x0 ss:$0x21] =	vst.msk $0xffff, v1;
	p1 =	sgt.s32 s10, $0x60;
	s24 =	ssub.s32 s21, s22;
	s21 =	smov.u32 s10  }
0x4f: {  	v62 =	vld [tilespmem:s17+$0x20];
	[tilespmem:s19+$0xE70 ss:$0x21] =	vst.msk $0xffff, v0;
	s31 =	smulhi.u32 $0x218DEF5, s20;
	s22 =	sand.u32 s25, s10;
	s21 =	simm.s32 @!p1 $0x60  }
0x50: {  	v63 =	vld [tilespmem:s17+$0xFFFFFFC0];
	[tilespmem:s19+$0x210 ss:$0x21] =	vst.msk $0xffff, v5;
	s26 =	sadd.s32 $0xFFF0BE40, s24;
	s17 =	ssub.s32 $0xF4240, s24;
	s21 =	ssub.s32 s21, s22  }
0x51: {  	[tilespmem:s19+$0x420 ss:$0x21] =	vst.msk $0xffff, v58;
	s23 =	sshrl.u32 s31, $0xD;
	p1 =	sgt.s32 s26, $0x7F;
	s27 =	sadd.s32 $0xFFFFFFA0, s21  }
0x52: {  	[tilespmem:s19+$0x630 ss:$0x21] =	vst.msk $0xffff, v59;
	s23 =	smul.u32 $0xF4240, s23;
	s18 =	ssub.s32 $0x80, s21;
	p2 =	sgt.s32 s27, $0x1F  }
.Ltmp4:
0x53: {  	[tilespmem:s19+$0x840 ss:$0x21] =	vst.msk $0xffff, v60;
	s17 =	simm.s32 @p1 $0x0;
	s18 =	simm.s32 @p2 $0x0;
	(pc) =	sbr.rel .LBB1_5-.Ltmp4, $4  }
0x54: {  	s29 =	sand.u32 $0xF, s28;
	[tilespmem:s19+$0xA50 ss:$0x21] =	vst.msk $0xffff, v61;
	s20 =	ssub.s32 s20, s23;
	s17 =	smul.u32 s18, s17  }
0x55: {  	[tilespmem:s19+$0xC60 ss:$0x21] =	vst.msk $0xffff, v62;
	s21 =	sshll.u32 s30, $0x12;
	s20 =	sshll.u32 s20, $0x4;
	s18 =	sadd.s32 s5, s29  }
0x56: {  	[tilespmem:s19+$0x0 ss:$0x21] =	vst.msk $0xffff, v63;
	s31 =	sor.u32 $0x20, s21;
	s18 =	sadd.s32 s20, s18;
	s17 =	sand.u32 $0x3FFFFFFF, s17  }
0x57: {  	[hbm4b:s18+s31] =	stream.strided.scatter [tilespmem:s16], [sflag:$0x2], s17, s8, s31, $0x10;
	[tilespmem:$0x4100] =	vst v63  }
.LBB1_6:
0x58: {  	_ =	sfence.sel $0x180000  }
0x59: {  	s2 =	simm.s32 $0x1;
	[bflag:$0x0] =	sbarrier.arrive $0xFFFF  }
0x5a: {  	s31 =	simm.s32 $0x2;
	[sflag:s2] =	ssyncpa.u1 $0x1  }
0x5b: {  	[sflag:s31] =	ssyncpa.u1 $0x1  }
0x5c: {  	p0 =	sne.s32 s1, $0x0;
	_ =	strace $0x90000047  }
0x5d: {  	s0 =	sadd.s32 @!p0 $0x100000, s0;
	[bflag:$0x2] =	sbarrier.arrive $0xFFFF  }
0x5e: {  	[sflag:s0] =	ssyncadd.tile.s32 @!p0 $0x1;
	_ =	shalt  }
.Lfunc_end1:
_tile_overlayer_lowered:
.L_overlay_start_2:
0x5f: {  	(tag) =	ssettag $0x2  }
0x60: {  	s0 =	rddreg [dreg:$0x0];
	s2 =	stileid.u32  }
0x61: {  	s1 =	rddreg [dreg:$0x1];
	p0 =	sne.s32 s2, $0x0  }
0x62: {  	s3 =	rddreg [dreg:$0x2];
	[bflag:$0x3] =	sbarrier.arrive $0xFFFF;
	s2 =	simm.s32 @!p0 $0x1C01  }
0x63: {  	[timem:s3], [sflag:s2] =	dma.local @!p0 [hbm:s0], s1  }
0x64: {  	s0 =	simm.s32 @!p0 $0x1  }
0x65: {  	_ =	swait.ge @!p0 [sflag:s0], s1  }
0x66: {  	s1 =	ssub.s32 @!p0 $0x0, s1;
	[sflag:s0] =	ssyncset.done @!p0 $0x0  }
0x67: {  	[sflag:s0] =	ssyncadd.s32 @!p0 s1  }
0x68: {  	[bflag:$0x3] =	sbarrier.arrive $0xFFFF  }
0x69: {  	_ =	shalt  }

</sc_bundles>
